<compile_context>
chip_gen: v7x
topology: tpu7x:2x2x1
jax: 0.10.2.dev20260603
libtpu: 0.0.44.dev20260713+nightly
codegen_flags: <defaults>
</compile_context>

<pallas_src>
import functools

import jax
import jax.numpy as jnp
from jax import lax
from jax.experimental import pallas as pl
from jax.experimental.pallas import tpu as pltpu
from jax.experimental.pallas import tpu_sc as plsc

_LANES = 16


def _sc_body(np_pad, e_per_tile, row_chunk,
             dst_hbm, srcp_hbm, node_hbm, counts_hbm, gath_hbm,
             dst_v, hist_v, red_v, cnt_v, idx_v, rows_v, rows_v2,
             dsem, gsem, gsem2, wsem, wsem2,
             shared_part, shared_tot):
    c = lax.axis_index("c")
    s = lax.axis_index("s")
    zeros_i = jnp.zeros((_LANES,), jnp.int32)
    ones_i = jnp.ones((_LANES,), jnp.int32)
    nvec_hist = np_pad // _LANES
    nvec_edge = e_per_tile // _LANES
    cols = np_pad // 16

    @pl.when(c == 0)
    def _hist_and_compact():
        dcp = pltpu.async_copy(
            dst_hbm.at[pl.ds(s * e_per_tile, e_per_tile)], dst_v, dsem)

        def zero_hist(i, carry):
            hist_v[pl.ds(i * _LANES, _LANES)] = zeros_i
            return carry
        lax.fori_loop(0, nvec_hist, zero_hist, 0, unroll=8)
        dcp.wait()

        def scat(i, carry):
            idx = dst_v[pl.ds(i * _LANES, _LANES)]
            plsc.addupdate_scatter(hist_v, [idx], ones_i)
            return carry
        lax.fori_loop(0, nvec_edge, scat, 0, unroll=8)

        pltpu.sync_copy(hist_v, shared_part.at[s])
        plsc.subcore_barrier()
        col0 = s * cols
        for r in range(16):
            pltpu.sync_copy(shared_part.at[r, pl.ds(col0, cols)], red_v.at[r])

        def red(j, carry):
            acc = red_v[0, pl.ds(j * _LANES, _LANES)]
            for r in range(1, 16):
                acc = acc + red_v[r, pl.ds(j * _LANES, _LANES)]
            red_v[0, pl.ds(j * _LANES, _LANES)] = acc
            return carry
        lax.fori_loop(0, cols // _LANES, red, 0, unroll=4)
        pltpu.sync_copy(red_v.at[0], shared_tot.at[pl.ds(col0, cols)])
        plsc.subcore_barrier()

        @pl.when(s == 0)
        def _compact():
            pltpu.sync_copy(shared_tot, hist_v)

            def zero_cnt(i, carry):
                cnt_v[pl.ds(i * _LANES, _LANES)] = zeros_i
                return carry
            lax.fori_loop(0, nvec_hist, zero_cnt, 0, unroll=8)

            def comp(i, off):
                v = hist_v[pl.ds(i * _LANES, _LANES)]
                m = (v > 0).astype(jnp.int32)
                incl = plsc.cumsum(m)
                pos = off + incl - m
                plsc.addupdate_scatter(cnt_v, [pos], jnp.where(v > 0, v, 0))
                return off + incl[_LANES - 1]
            lax.fori_loop(0, nvec_hist, comp, jnp.int32(0), unroll=4)
            pltpu.sync_copy(cnt_v, counts_hbm)

    @pl.when(c == 1)
    def _gather():
        rows_per_tile = np_pad // 16
        nb = rows_per_tile // row_chunk
        base = s * rows_per_tile
        pltpu.sync_copy(srcp_hbm.at[pl.ds(base, rows_per_tile)], idx_v)
        bufs = (rows_v, rows_v2)
        gsems = (gsem, gsem2)
        wsems = (wsem, wsem2)
        gd = [None, None]
        wd = [None, None]

        def gstart(b):
            gd[b % 2] = pltpu.async_copy(
                node_hbm.at[idx_v.at[pl.ds(b * row_chunk, row_chunk)]],
                bufs[b % 2], gsems[b % 2])

        gstart(0)
        for b in range(nb):
            if b + 1 < nb:
                if wd[(b + 1) % 2] is not None:
                    wd[(b + 1) % 2].wait()
                gstart(b + 1)
            gd[b % 2].wait()
            wd[b % 2] = pltpu.async_copy(
                bufs[b % 2],
                gath_hbm.at[pl.ds(base + b * row_chunk, row_chunk)],
                wsems[b % 2])
        for d in wd:
            if d is not None:
                d.wait()


def _tc_body(counts_ref, gath_ref, ef_ref, w1_ref, b1_ref, w2_ref, b2_ref,
             out_ref):
    rows = (gath_ref[...] + ef_ref[...]) * counts_ref[...].astype(jnp.float32)
    h1 = jnp.dot(rows, w1_ref[...], preferred_element_type=jnp.float32)
    h1 = jnp.maximum(h1 + b1_ref[...], 0.0)
    out_ref[...] = (
        jnp.dot(h1, w2_ref[...], preferred_element_type=jnp.float32)
        + b2_ref[...]
    )


@jax.jit
def kernel(node_feat, edge_feat, edge_index, W1, b1, W2, b2):
    N, D = node_feat.shape
    E = edge_feat.shape[0]
    D2 = W1.shape[1]
    NP = ((N + 255) // 256) * 256
    ROW_CHUNK = (NP // 16) // 4
    E_PER_TILE = E // 16

    mesh = plsc.VectorSubcoreMesh(core_axis_name="c", subcore_axis_name="s")
    sc = pl.kernel(
        functools.partial(_sc_body, NP, E_PER_TILE, ROW_CHUNK),
        out_type=(
            jax.ShapeDtypeStruct((NP,), jnp.int32),
            jax.ShapeDtypeStruct((NP, D), jnp.float32),
        ),
        mesh=mesh,
        scratch_types=[
            pltpu.VMEM((E_PER_TILE,), jnp.int32),
            pltpu.VMEM((NP,), jnp.int32),
            pltpu.VMEM((16, NP // 16), jnp.int32),
            pltpu.VMEM((NP,), jnp.int32),
            pltpu.VMEM((NP // 16,), jnp.int32),
            pltpu.VMEM((ROW_CHUNK, D), jnp.float32),
            pltpu.VMEM((ROW_CHUNK, D), jnp.float32),
            pltpu.SemaphoreType.DMA,
            pltpu.SemaphoreType.DMA,
            pltpu.SemaphoreType.DMA,
            pltpu.SemaphoreType.DMA,
            pltpu.SemaphoreType.DMA,
            pltpu.VMEM_SHARED((16, NP), jnp.int32),
            pltpu.VMEM_SHARED((NP,), jnp.int32),
        ],
        compiler_params=pltpu.CompilerParams(needs_layout_passes=False),
    )
    counts, gath = sc(edge_index[1], edge_index[0, :NP], node_feat)

    B = 512
    grid = (pl.cdiv(N, B),)
    h = pl.pallas_call(
        _tc_body,
        grid=grid,
        in_specs=[
            pl.BlockSpec((B, 1), lambda i: (i, 0)),
            pl.BlockSpec((B, D), lambda i: (i, 0)),
            pl.BlockSpec((B, D), lambda i: (i, 0)),
            pl.BlockSpec((D, D2), lambda i: (0, 0)),
            pl.BlockSpec((1, D2), lambda i: (0, 0)),
            pl.BlockSpec((D2, D), lambda i: (0, 0)),
            pl.BlockSpec((1, D), lambda i: (0, 0)),
        ],
        out_specs=pl.BlockSpec((B, D), lambda i: (i, 0)),
        out_shape=jax.ShapeDtypeStruct((N, D), jnp.float32),
    )(counts.reshape(NP, 1), gath, edge_feat,
      W1, b1.reshape(1, D2), W2, b2.reshape(1, D))
    return h

# --- scband reference (transcript-rebuilt; emitter-appended) ---
"""Pipeline reference for scband-gin-91036126806159 (READ-ONLY COPY).

The authoritative reference and input builder live on the scoring server;
editing this copy changes nothing except your own understanding.
"""

import jax, jax.numpy as jnp
import numpy as np

N = 10000
E = 320000
D = 128


def setup_inputs(seed: int = 0) -> dict:
    key = jax.random.key(seed)
    k1, k2, k3, k4, k5, k6, k7 = jax.random.split(key, 7)
    node_feat = jax.random.normal(k1, (N, D), dtype=jnp.float32)
    edge_feat = jax.random.normal(k2, (E, D), dtype=jnp.float32)
    edge_index = jax.random.randint(k3, (2, E), 0, N, dtype=jnp.int32)
    # MLP params: Linear(D, 2D) -> ReLU -> Linear(2D, D)
    W1 = jax.random.normal(k4, (D, 2 * D), dtype=jnp.float32) * 0.05
    b1 = jnp.zeros((2 * D,), dtype=jnp.float32)
    W2 = jax.random.normal(k5, (2 * D, D), dtype=jnp.float32) * 0.05
    b2 = jnp.zeros((D,), dtype=jnp.float32)
    return {"node_feat": node_feat, "edge_feat": edge_feat, "edge_index": edge_index,
            "W1": W1, "b1": b1, "W2": W2, "b2": b2}


def reference(node_feat, edge_feat, edge_index, W1, b1, W2, b2):
    src = edge_index[0]
    dst = edge_index[1]
    # send: msg['h'] = src_feat['h'] + edge_feat['h']  (gather src rows, add edge feats)
    msg = node_feat[src, :] + edge_feat  # [E, D]
    # recv: eid = arange(E); RowReader2(msg, eid) -> msg[eid] == msg
    uniq_ind, segment_ids = jnp.unique(dst, return_inverse=True,
                                       size=node_feat.shape[0], fill_value=0)
    segment_ids = segment_ids.reshape(-1)
    # faithful to the original loop: for idx in segment_ids: output[idx] += msg['h'][idx]
    output = jnp.zeros((uniq_ind.shape[0], msg.shape[1]), dtype=msg.dtype)
    output = output.at[segment_ids].add(msg[segment_ids, :])
    # MLP
    h = output @ W1 + b1
    h = jax.nn.relu(h)
    h = h @ W2 + b2
    return h

if __name__ == "__main__":
    import jax
    _d = setup_inputs()
    print(jax.jit(kernel)(*tuple(_d.values())))

</pallas_src>

<mosaic_0001>
#map = affine_map<(d0, d1) -> (0)>
#map1 = affine_map<(d0, d1) -> (0, 0)>
module attributes {stable_mosaic.version = 14 : i64} {
  func.func @_sc_body(%arg0: i32, %arg1: i32, %arg2: memref<320000xi32, #tpu.memory_space<hbm>>, %arg3: memref<10240xi32, #tpu.memory_space<hbm>>, %arg4: memref<10000x128xf32, #tpu.memory_space<hbm>>, %arg5: memref<10240xi32, #tpu.memory_space<hbm>>, %arg6: memref<10240x128xf32, #tpu.memory_space<hbm>>, %arg7: memref<20000xi32, #tpu.memory_space<vmem>>, %arg8: memref<10240xi32, #tpu.memory_space<vmem>>, %arg9: memref<16x640xi32, #tpu.memory_space<vmem>>, %arg10: memref<10240xi32, #tpu.memory_space<vmem>>, %arg11: memref<640xi32, #tpu.memory_space<vmem>>, %arg12: memref<160x128xf32, #tpu.memory_space<vmem>>, %arg13: memref<160x128xf32, #tpu.memory_space<vmem>>, %arg14: memref<!tpu.dma_semaphore, #tpu.memory_space<semaphore_mem>>, %arg15: memref<!tpu.dma_semaphore, #tpu.memory_space<semaphore_mem>>, %arg16: memref<!tpu.dma_semaphore, #tpu.memory_space<semaphore_mem>>, %arg17: memref<!tpu.dma_semaphore, #tpu.memory_space<semaphore_mem>>, %arg18: memref<!tpu.dma_semaphore, #tpu.memory_space<semaphore_mem>>, %arg19: memref<16x10240xi32, #tpu.memory_space<vmem_shared>>, %arg20: memref<10240xi32, #tpu.memory_space<vmem_shared>>) attributes {dimension_semantics = [#tpu.dimension_semantics<core_parallel>, #tpu.dimension_semantics<subcore_parallel>], iteration_bounds = array<i64: 2, 16>, scalar_prefetch = 0 : i64, scratch_operands = 14 : i64, tpu.core_type = #tpu.core_type<sc_vector_subcore>, window_params = [{transform_indices = #map}, {transform_indices = #map}, {transform_indices = #map1}, {transform_indices = #map}, {transform_indices = #map1}]} {
    %broadcast_in_dim3A = arith.constant 0 : i32
    %broadcast_in_dim3A_0 = vector.broadcast %broadcast_in_dim3A : i32 to vector<16xi32>
    %broadcast_in_dim3A_1 = arith.constant 1 : i32
    %broadcast_in_dim3A_2 = vector.broadcast %broadcast_in_dim3A_1 : i32 to vector<16xi32>
    %eq3A = arith.constant 0 : i32
    %eq3A_3 = arith.cmpi eq, %arg0, %eq3A : i32
    %convert_element_type3A = arith.extui %eq3A_3 : i1 to i32
    %cond3A = arith.constant 0 : i32
    %cond3A_4 = arith.cmpi ne, %convert_element_type3A, %cond3A : i32
    scf.if %cond3A_4 {
      %mul3A = arith.constant 20000 : i32
      %mul3A_10 = arith.muli %arg1, %mul3A : i32
      %dma_start3A = tpu.memref_slice %arg2[%mul3A_10] : memref<320000xi32, #tpu.memory_space<hbm>> -> memref<20000xi32, #tpu.memory_space<hbm>>
      %dma_start3A_11 = tpu.memref_slice %arg2[%mul3A_10] : memref<320000xi32, #tpu.memory_space<hbm>> -> memref<20000xi32, #tpu.memory_space<hbm>>
      tpu.enqueue_dma source(%dma_start3A_11 : memref<20000xi32, #tpu.memory_space<hbm>>) target(%arg7 : memref<20000xi32, #tpu.memory_space<vmem>>) target_semaphore(%arg14 : memref<!tpu.dma_semaphore, #tpu.memory_space<semaphore_mem>>)
      %scan3A = arith.constant 0 : i32
      %scan3A_12 = arith.constant 0 : i32
      %scan3A_13 = arith.constant 640 : i32
      %scan3A_14 = arith.addi %scan3A_12, %scan3A_13 : i32
      %scan3A_15 = arith.constant 8 : i32
      scf.for %scan3A_81 = %scan3A_12 to %scan3A_14 step %scan3A_15  : i32 {
        %mul3A_82 = arith.constant 16 : i32
        %mul3A_83 = arith.muli %scan3A_81, %mul3A_82 : i32
        %swap3A = arith.index_cast %mul3A_83 : i32 to index
        %swap3A_84 = tpu.vector_load %arg8[%swap3A] {strides = array<i32>} : memref<10240xi32, #tpu.memory_space<vmem>>, vector<16xi32>,
        tpu.vector_store %arg8[%swap3A], %broadcast_in_dim3A_0 {strides = array<i32>} : memref<10240xi32, #tpu.memory_space<vmem>>, vector<16xi32>,
        %scan3A_85 = arith.constant 1 : i32
        %scan3A_86 = arith.addi %scan3A_81, %scan3A_85 : i32
        %mul3A_87 = arith.constant 16 : i32
        %mul3A_88 = arith.muli %scan3A_86, %mul3A_87 : i32
        %swap3A_89 = arith.index_cast %mul3A_88 : i32 to index
        %swap3A_90 = tpu.vector_load %arg8[%swap3A_89] {strides = array<i32>} : memref<10240xi32, #tpu.memory_space<vmem>>, vector<16xi32>,
        tpu.vector_store %arg8[%swap3A_89], %broadcast_in_dim3A_0 {strides = array<i32>} : memref<10240xi32, #tpu.memory_space<vmem>>, vector<16xi32>,
        %scan3A_91 = arith.constant 2 : i32
        %scan3A_92 = arith.addi %scan3A_81, %scan3A_91 : i32
        %mul3A_93 = arith.constant 16 : i32
        %mul3A_94 = arith.muli %scan3A_92, %mul3A_93 : i32
        %swap3A_95 = arith.index_cast %mul3A_94 : i32 to index
        %swap3A_96 = tpu.vector_load %arg8[%swap3A_95] {strides = array<i32>} : memref<10240xi32, #tpu.memory_space<vmem>>, vector<16xi32>,
        tpu.vector_store %arg8[%swap3A_95], %broadcast_in_dim3A_0 {strides = array<i32>} : memref<10240xi32, #tpu.memory_space<vmem>>, vector<16xi32>,
        %scan3A_97 = arith.constant 3 : i32
        %scan3A_98 = arith.addi %scan3A_81, %scan3A_97 : i32
        %mul3A_99 = arith.constant 16 : i32
        %mul3A_100 = arith.muli %scan3A_98, %mul3A_99 : i32
        %swap3A_101 = arith.index_cast %mul3A_100 : i32 to index
        %swap3A_102 = tpu.vector_load %arg8[%swap3A_101] {strides = array<i32>} : memref<10240xi32, #tpu.memory_space<vmem>>, vector<16xi32>,
        tpu.vector_store %arg8[%swap3A_101], %broadcast_in_dim3A_0 {strides = array<i32>} : memref<10240xi32, #tpu.memory_space<vmem>>, vector<16xi32>,
        %scan3A_103 = arith.constant 4 : i32
        %scan3A_104 = arith.addi %scan3A_81, %scan3A_103 : i32
        %mul3A_105 = arith.constant 16 : i32
        %mul3A_106 = arith.muli %scan3A_104, %mul3A_105 : i32
        %swap3A_107 = arith.index_cast %mul3A_106 : i32 to index
        %swap3A_108 = tpu.vector_load %arg8[%swap3A_107] {strides = array<i32>} : memref<10240xi32, #tpu.memory_space<vmem>>, vector<16xi32>,
        tpu.vector_store %arg8[%swap3A_107], %broadcast_in_dim3A_0 {strides = array<i32>} : memref<10240xi32, #tpu.memory_space<vmem>>, vector<16xi32>,
        %scan3A_109 = arith.constant 5 : i32
        %scan3A_110 = arith.addi %scan3A_81, %scan3A_109 : i32
        %mul3A_111 = arith.constant 16 : i32
        %mul3A_112 = arith.muli %scan3A_110, %mul3A_111 : i32
        %swap3A_113 = arith.index_cast %mul3A_112 : i32 to index
        %swap3A_114 = tpu.vector_load %arg8[%swap3A_113] {strides = array<i32>} : memref<10240xi32, #tpu.memory_space<vmem>>, vector<16xi32>,
        tpu.vector_store %arg8[%swap3A_113], %broadcast_in_dim3A_0 {strides = array<i32>} : memref<10240xi32, #tpu.memory_space<vmem>>, vector<16xi32>,
        %scan3A_115 = arith.constant 6 : i32
        %scan3A_116 = arith.addi %scan3A_81, %scan3A_115 : i32
        %mul3A_117 = arith.constant 16 : i32
        %mul3A_118 = arith.muli %scan3A_116, %mul3A_117 : i32
        %swap3A_119 = arith.index_cast %mul3A_118 : i32 to index
        %swap3A_120 = tpu.vector_load %arg8[%swap3A_119] {strides = array<i32>} : memref<10240xi32, #tpu.memory_space<vmem>>, vector<16xi32>,
        tpu.vector_store %arg8[%swap3A_119], %broadcast_in_dim3A_0 {strides = array<i32>} : memref<10240xi32, #tpu.memory_space<vmem>>, vector<16xi32>,
        %scan3A_121 = arith.constant 7 : i32
        %scan3A_122 = arith.addi %scan3A_81, %scan3A_121 : i32
        %mul3A_123 = arith.constant 16 : i32
        %mul3A_124 = arith.muli %scan3A_122, %mul3A_123 : i32
        %swap3A_125 = arith.index_cast %mul3A_124 : i32 to index
        %swap3A_126 = tpu.vector_load %arg8[%swap3A_125] {strides = array<i32>} : memref<10240xi32, #tpu.memory_space<vmem>>, vector<16xi32>,
        tpu.vector_store %arg8[%swap3A_125], %broadcast_in_dim3A_0 {strides = array<i32>} : memref<10240xi32, #tpu.memory_space<vmem>>, vector<16xi32>,
      }
      %scan3A_16 = arith.constant 640 : i32
      %dma_wait3A = tpu.memref_slice %arg2[%mul3A_10] : memref<320000xi32, #tpu.memory_space<hbm>> -> memref<20000xi32, #tpu.memory_space<hbm>>
      %dma_wait3A_17 = tpu.memref_slice %arg2[%mul3A_10] : memref<320000xi32, #tpu.memory_space<hbm>> -> memref<20000xi32, #tpu.memory_space<hbm>>
      tpu.wait_dma2 semaphore(%arg14 : memref<!tpu.dma_semaphore, #tpu.memory_space<semaphore_mem>>) src(%dma_wait3A_17 : memref<20000xi32, #tpu.memory_space<hbm>>) dst(%arg7 : memref<20000xi32, #tpu.memory_space<vmem>>)
      %scan3A_18 = arith.constant 0 : i32
      %scan3A_19 = arith.constant 0 : i32
      %scan3A_20 = arith.constant 1248 : i32
      %scan3A_21 = arith.addi %scan3A_19, %scan3A_20 : i32
      %scan3A_22 = arith.constant 8 : i32
      scf.for %scan3A_81 = %scan3A_19 to %scan3A_21 step %scan3A_22  : i32 {
        %mul3A_82 = arith.constant 16 : i32
        %mul3A_83 = arith.muli %scan3A_81, %mul3A_82 : i32
        %get3A_84 = arith.index_cast %mul3A_83 : i32 to index
        %get3A_85 = tpu.vector_load %arg7[%get3A_84] {strides = array<i32>} : memref<20000xi32, #tpu.memory_space<vmem>>, vector<16xi32>,
        tpu.vector_store_idx %arg8[%get3A_85], %broadcast_in_dim3A_2 {add = true} : memref<10240xi32, #tpu.memory_space<vmem>>[vector<16xi32>], vector<16xi32>,
        %scan3A_86 = arith.constant 1 : i32
        %scan3A_87 = arith.addi %scan3A_81, %scan3A_86 : i32
        %mul3A_88 = arith.constant 16 : i32
        %mul3A_89 = arith.muli %scan3A_87, %mul3A_88 : i32
        %get3A_90 = arith.index_cast %mul3A_89 : i32 to index
        %get3A_91 = tpu.vector_load %arg7[%get3A_90] {strides = array<i32>} : memref<20000xi32, #tpu.memory_space<vmem>>, vector<16xi32>,
        tpu.vector_store_idx %arg8[%get3A_91], %broadcast_in_dim3A_2 {add = true} : memref<10240xi32, #tpu.memory_space<vmem>>[vector<16xi32>], vector<16xi32>,
        %scan3A_92 = arith.constant 2 : i32
        %scan3A_93 = arith.addi %scan3A_81, %scan3A_92 : i32
        %mul3A_94 = arith.constant 16 : i32
        %mul3A_95 = arith.muli %scan3A_93, %mul3A_94 : i32
        %get3A_96 = arith.index_cast %mul3A_95 : i32 to index
        %get3A_97 = tpu.vector_load %arg7[%get3A_96] {strides = array<i32>} : memref<20000xi32, #tpu.memory_space<vmem>>, vector<16xi32>,
        tpu.vector_store_idx %arg8[%get3A_97], %broadcast_in_dim3A_2 {add = true} : memref<10240xi32, #tpu.memory_space<vmem>>[vector<16xi32>], vector<16xi32>,
        %scan3A_98 = arith.constant 3 : i32
        %scan3A_99 = arith.addi %scan3A_81, %scan3A_98 : i32
        %mul3A_100 = arith.constant 16 : i32
        %mul3A_101 = arith.muli %scan3A_99, %mul3A_100 : i32
        %get3A_102 = arith.index_cast %mul3A_101 : i32 to index
        %get3A_103 = tpu.vector_load %arg7[%get3A_102] {strides = array<i32>} : memref<20000xi32, #tpu.memory_space<vmem>>, vector<16xi32>,
        tpu.vector_store_idx %arg8[%get3A_103], %broadcast_in_dim3A_2 {add = true} : memref<10240xi32, #tpu.memory_space<vmem>>[vector<16xi32>], vector<16xi32>,
        %scan3A_104 = arith.constant 4 : i32
        %scan3A_105 = arith.addi %scan3A_81, %scan3A_104 : i32
        %mul3A_106 = arith.constant 16 : i32
        %mul3A_107 = arith.muli %scan3A_105, %mul3A_106 : i32
        %get3A_108 = arith.index_cast %mul3A_107 : i32 to index
        %get3A_109 = tpu.vector_load %arg7[%get3A_108] {strides = array<i32>} : memref<20000xi32, #tpu.memory_space<vmem>>, vector<16xi32>,
        tpu.vector_store_idx %arg8[%get3A_109], %broadcast_in_dim3A_2 {add = true} : memref<10240xi32, #tpu.memory_space<vmem>>[vector<16xi32>], vector<16xi32>,
        %scan3A_110 = arith.constant 5 : i32
        %scan3A_111 = arith.addi %scan3A_81, %scan3A_110 : i32
        %mul3A_112 = arith.constant 16 : i32
        %mul3A_113 = arith.muli %scan3A_111, %mul3A_112 : i32
        %get3A_114 = arith.index_cast %mul3A_113 : i32 to index
        %get3A_115 = tpu.vector_load %arg7[%get3A_114] {strides = array<i32>} : memref<20000xi32, #tpu.memory_space<vmem>>, vector<16xi32>,
        tpu.vector_store_idx %arg8[%get3A_115], %broadcast_in_dim3A_2 {add = true} : memref<10240xi32, #tpu.memory_space<vmem>>[vector<16xi32>], vector<16xi32>,
        %scan3A_116 = arith.constant 6 : i32
        %scan3A_117 = arith.addi %scan3A_81, %scan3A_116 : i32
        %mul3A_118 = arith.constant 16 : i32
        %mul3A_119 = arith.muli %scan3A_117, %mul3A_118 : i32
        %get3A_120 = arith.index_cast %mul3A_119 : i32 to index
        %get3A_121 = tpu.vector_load %arg7[%get3A_120] {strides = array<i32>} : memref<20000xi32, #tpu.memory_space<vmem>>, vector<16xi32>,
        tpu.vector_store_idx %arg8[%get3A_121], %broadcast_in_dim3A_2 {add = true} : memref<10240xi32, #tpu.memory_space<vmem>>[vector<16xi32>], vector<16xi32>,
        %scan3A_122 = arith.constant 7 : i32
        %scan3A_123 = arith.addi %scan3A_81, %scan3A_122 : i32
        %mul3A_124 = arith.constant 16 : i32
        %mul3A_125 = arith.muli %scan3A_123, %mul3A_124 : i32
        %get3A_126 = arith.index_cast %mul3A_125 : i32 to index
        %get3A_127 = tpu.vector_load %arg7[%get3A_126] {strides = array<i32>} : memref<20000xi32, #tpu.memory_space<vmem>>, vector<16xi32>,
        tpu.vector_store_idx %arg8[%get3A_127], %broadcast_in_dim3A_2 {add = true} : memref<10240xi32, #tpu.memory_space<vmem>>[vector<16xi32>], vector<16xi32>,
      }
      %scan3A_23 = arith.constant 1248 : i32
      %scan3A_24 = arith.addi %scan3A_19, %scan3A_23 : i32
      %mul3A_25 = arith.constant 16 : i32
      %mul3A_26 = arith.muli %scan3A_24, %mul3A_25 : i32
      %get3A = arith.index_cast %mul3A_26 : i32 to index
      %get3A_27 = tpu.vector_load %arg7[%get3A] {strides = array<i32>} : memref<20000xi32, #tpu.memory_space<vmem>>, vector<16xi32>,
      tpu.vector_store_idx %arg8[%get3A_27], %broadcast_in_dim3A_2 {add = true} : memref<10240xi32, #tpu.memory_space<vmem>>[vector<16xi32>], vector<16xi32>,
      %scan3A_28 = arith.constant 1249 : i32
      %scan3A_29 = arith.addi %scan3A_19, %scan3A_28 : i32
      %mul3A_30 = arith.constant 16 : i32
      %mul3A_31 = arith.muli %scan3A_29, %mul3A_30 : i32
      %get3A_32 = arith.index_cast %mul3A_31 : i32 to index
      %get3A_33 = tpu.vector_load %arg7[%get3A_32] {strides = array<i32>} : memref<20000xi32, #tpu.memory_space<vmem>>, vector<16xi32>,
      tpu.vector_store_idx %arg8[%get3A_33], %broadcast_in_dim3A_2 {add = true} : memref<10240xi32, #tpu.memory_space<vmem>>[vector<16xi32>], vector<16xi32>,
      %scan3A_34 = arith.constant 1250 : i32
      "tpu.region"() ({
        %run_scoped3A_81 = tpu.sem_alloc : memref<!tpu.dma_semaphore, #tpu.memory_space<semaphore_mem>>
        %dma_start3A_82 = arith.constant 0 : i32
        %dma_start3A_83 = tpu.memref_slice %arg19[%arg1, %dma_start3A_82] : memref<16x10240xi32, #tpu.memory_space<vmem_shared>> -> memref<1x10240xi32, #tpu.memory_space<vmem_shared>>
        %dma_start3A_84 = tpu.memref_squeeze %dma_start3A_83 : memref<1x10240xi32, #tpu.memory_space<vmem_shared>> -> memref<10240xi32, #tpu.memory_space<vmem_shared>>
        %dma_start3A_85 = arith.constant 0 : i32
        %dma_start3A_86 = tpu.memref_slice %arg19[%arg1, %dma_start3A_85] : memref<16x10240xi32, #tpu.memory_space<vmem_shared>> -> memref<1x10240xi32, #tpu.memory_space<vmem_shared>>
        %dma_start3A_87 = tpu.memref_squeeze %dma_start3A_86 : memref<1x10240xi32, #tpu.memory_space<vmem_shared>> -> memref<10240xi32, #tpu.memory_space<vmem_shared>>
        tpu.enqueue_dma source(%arg8 : memref<10240xi32, #tpu.memory_space<vmem>>) target(%dma_start3A_87 : memref<10240xi32, #tpu.memory_space<vmem_shared>>) target_semaphore(%run_scoped3A_81 : memref<!tpu.dma_semaphore, #tpu.memory_space<semaphore_mem>>)
        %dma_wait3A_88 = arith.constant 0 : i32
        %dma_wait3A_89 = tpu.memref_slice %arg19[%arg1, %dma_wait3A_88] : memref<16x10240xi32, #tpu.memory_space<vmem_shared>> -> memref<1x10240xi32, #tpu.memory_space<vmem_shared>>
        %dma_wait3A_90 = tpu.memref_squeeze %dma_wait3A_89 : memref<1x10240xi32, #tpu.memory_space<vmem_shared>> -> memref<10240xi32, #tpu.memory_space<vmem_shared>>
        %dma_wait3A_91 = arith.constant 0 : i32
        %dma_wait3A_92 = tpu.memref_slice %arg19[%arg1, %dma_wait3A_91] : memref<16x10240xi32, #tpu.memory_space<vmem_shared>> -> memref<1x10240xi32, #tpu.memory_space<vmem_shared>>
        %dma_wait3A_93 = tpu.memref_squeeze %dma_wait3A_92 : memref<1x10240xi32, #tpu.memory_space<vmem_shared>> -> memref<10240xi32, #tpu.memory_space<vmem_shared>>
        tpu.wait_dma2 semaphore(%run_scoped3A_81 : memref<!tpu.dma_semaphore, #tpu.memory_space<semaphore_mem>>) src(%arg8 : memref<10240xi32, #tpu.memory_space<vmem>>) dst(%dma_wait3A_93 : memref<10240xi32, #tpu.memory_space<vmem_shared>>)
        tpu.yield
      }) : () -> ()
      %barrier3A = arith.constant 0 : index
      tpu.barrier barrier_id(%barrier3A)
      %mul3A_35 = arith.constant 640 : i32
      %mul3A_36 = arith.muli %arg1, %mul3A_35 : i32
      %run_scoped3A = arith.constant 0 : i32
      %run_scoped3A_37 = arith.constant 0 : i32
      "tpu.region"() ({
        %run_scoped3A_81 = tpu.sem_alloc : memref<!tpu.dma_semaphore, #tpu.memory_space<semaphore_mem>>
        %dma_start3A_82 = arith.constant 0 : i32
        %dma_start3A_83 = tpu.memref_slice %arg9[%run_scoped3A_37, %dma_start3A_82] : memref<16x640xi32, #tpu.memory_space<vmem>> -> memref<1x640xi32, #tpu.memory_space<vmem>>
        %dma_start3A_84 = tpu.memref_squeeze %dma_start3A_83 : memref<1x640xi32, #tpu.memory_space<vmem>> -> memref<640xi32, #tpu.memory_space<vmem>>
        %dma_start3A_85 = tpu.memref_slice %arg19[%run_scoped3A, %mul3A_36] : memref<16x10240xi32, #tpu.memory_space<vmem_shared>> -> memref<1x640xi32, #tpu.memory_space<vmem_shared>>
        %dma_start3A_86 = tpu.memref_squeeze %dma_start3A_85 : memref<1x640xi32, #tpu.memory_space<vmem_shared>> -> memref<640xi32, #tpu.memory_space<vmem_shared>>
        %dma_start3A_87 = arith.constant 0 : i32
        %dma_start3A_88 = tpu.memref_slice %arg9[%run_scoped3A_37, %dma_start3A_87] : memref<16x640xi32, #tpu.memory_space<vmem>> -> memref<1x640xi32, #tpu.memory_space<vmem>>
        %dma_start3A_89 = tpu.memref_squeeze %dma_start3A_88 : memref<1x640xi32, #tpu.memory_space<vmem>> -> memref<640xi32, #tpu.memory_space<vmem>>
        %dma_start3A_90 = tpu.memref_slice %arg19[%run_scoped3A, %mul3A_36] : memref<16x10240xi32, #tpu.memory_space<vmem_shared>> -> memref<1x640xi32, #tpu.memory_space<vmem_shared>>
        %dma_start3A_91 = tpu.memref_squeeze %dma_start3A_90 : memref<1x640xi32, #tpu.memory_space<vmem_shared>> -> memref<640xi32, #tpu.memory_space<vmem_shared>>
        tpu.enqueue_dma source(%dma_start3A_91 : memref<640xi32, #tpu.memory_space<vmem_shared>>) target(%dma_start3A_89 : memref<640xi32, #tpu.memory_space<vmem>>) target_semaphore(%run_scoped3A_81 : memref<!tpu.dma_semaphore, #tpu.memory_space<semaphore_mem>>)
        %dma_wait3A_92 = arith.constant 0 : i32
        %dma_wait3A_93 = tpu.memref_slice %arg9[%run_scoped3A_37, %dma_wait3A_92] : memref<16x640xi32, #tpu.memory_space<vmem>> -> memref<1x640xi32, #tpu.memory_space<vmem>>
        %dma_wait3A_94 = tpu.memref_squeeze %dma_wait3A_93 : memref<1x640xi32, #tpu.memory_space<vmem>> -> memref<640xi32, #tpu.memory_space<vmem>>
        %dma_wait3A_95 = tpu.memref_slice %arg19[%run_scoped3A, %mul3A_36] : memref<16x10240xi32, #tpu.memory_space<vmem_shared>> -> memref<1x640xi32, #tpu.memory_space<vmem_shared>>
        %dma_wait3A_96 = tpu.memref_squeeze %dma_wait3A_95 : memref<1x640xi32, #tpu.memory_space<vmem_shared>> -> memref<640xi32, #tpu.memory_space<vmem_shared>>
        %dma_wait3A_97 = arith.constant 0 : i32
        %dma_wait3A_98 = tpu.memref_slice %arg9[%run_scoped3A_37, %dma_wait3A_97] : memref<16x640xi32, #tpu.memory_space<vmem>> -> memref<1x640xi32, #tpu.memory_space<vmem>>
        %dma_wait3A_99 = tpu.memref_squeeze %dma_wait3A_98 : memref<1x640xi32, #tpu.memory_space<vmem>> -> memref<640xi32, #tpu.memory_space<vmem>>
        %dma_wait3A_100 = tpu.memref_slice %arg19[%run_scoped3A, %mul3A_36] : memref<16x10240xi32, #tpu.memory_space<vmem_shared>> -> memref<1x640xi32, #tpu.memory_space<vmem_shared>>
        %dma_wait3A_101 = tpu.memref_squeeze %dma_wait3A_100 : memref<1x640xi32, #tpu.memory_space<vmem_shared>> -> memref<640xi32, #tpu.memory_space<vmem_shared>>
        tpu.wait_dma2 semaphore(%run_scoped3A_81 : memref<!tpu.dma_semaphore, #tpu.memory_space<semaphore_mem>>) src(%dma_wait3A_101 : memref<640xi32, #tpu.memory_space<vmem_shared>>) dst(%dma_wait3A_99 : memref<640xi32, #tpu.memory_space<vmem>>)
        tpu.yield
      }) : () -> ()
      %run_scoped3A_38 = arith.constant 1 : i32
      %run_scoped3A_39 = arith.constant 1 : i32
      "tpu.region"() ({
        %run_scoped3A_81 = tpu.sem_alloc : memref<!tpu.dma_semaphore, #tpu.memory_space<semaphore_mem>>
        %dma_start3A_82 = arith.constant 0 : i32
        %dma_start3A_83 = tpu.memref_slice %arg9[%run_scoped3A_39, %dma_start3A_82] : memref<16x640xi32, #tpu.memory_space<vmem>> -> memref<1x640xi32, #tpu.memory_space<vmem>>
        %dma_start3A_84 = tpu.memref_squeeze %dma_start3A_83 : memref<1x640xi32, #tpu.memory_space<vmem>> -> memref<640xi32, #tpu.memory_space<vmem>>
        %dma_start3A_85 = tpu.memref_slice %arg19[%run_scoped3A_38, %mul3A_36] : memref<16x10240xi32, #tpu.memory_space<vmem_shared>> -> memref<1x640xi32, #tpu.memory_space<vmem_shared>>
        %dma_start3A_86 = tpu.memref_squeeze %dma_start3A_85 : memref<1x640xi32, #tpu.memory_space<vmem_shared>> -> memref<640xi32, #tpu.memory_space<vmem_shared>>
        %dma_start3A_87 = arith.constant 0 : i32
        %dma_start3A_88 = tpu.memref_slice %arg9[%run_scoped3A_39, %dma_start3A_87] : memref<16x640xi32, #tpu.memory_space<vmem>> -> memref<1x640xi32, #tpu.memory_space<vmem>>
        %dma_start3A_89 = tpu.memref_squeeze %dma_start3A_88 : memref<1x640xi32, #tpu.memory_space<vmem>> -> memref<640xi32, #tpu.memory_space<vmem>>
        %dma_start3A_90 = tpu.memref_slice %arg19[%run_scoped3A_38, %mul3A_36] : memref<16x10240xi32, #tpu.memory_space<vmem_shared>> -> memref<1x640xi32, #tpu.memory_space<vmem_shared>>
        %dma_start3A_91 = tpu.memref_squeeze %dma_start3A_90 : memref<1x640xi32, #tpu.memory_space<vmem_shared>> -> memref<640xi32, #tpu.memory_space<vmem_shared>>
        tpu.enqueue_dma source(%dma_start3A_91 : memref<640xi32, #tpu.memory_space<vmem_shared>>) target(%dma_start3A_89 : memref<640xi32, #tpu.memory_space<vmem>>) target_semaphore(%run_scoped3A_81 : memref<!tpu.dma_semaphore, #tpu.memory_space<semaphore_mem>>)
        %dma_wait3A_92 = arith.constant 0 : i32
        %dma_wait3A_93 = tpu.memref_slice %arg9[%run_scoped3A_39, %dma_wait3A_92] : memref<16x640xi32, #tpu.memory_space<vmem>> -> memref<1x640xi32, #tpu.memory_space<vmem>>
        %dma_wait3A_94 = tpu.memref_squeeze %dma_wait3A_93 : memref<1x640xi32, #tpu.memory_space<vmem>> -> memref<640xi32, #tpu.memory_space<vmem>>
        %dma_wait3A_95 = tpu.memref_slice %arg19[%run_scoped3A_38, %mul3A_36] : memref<16x10240xi32, #tpu.memory_space<vmem_shared>> -> memref<1x640xi32, #tpu.memory_space<vmem_shared>>
        %dma_wait3A_96 = tpu.memref_squeeze %dma_wait3A_95 : memref<1x640xi32, #tpu.memory_space<vmem_shared>> -> memref<640xi32, #tpu.memory_space<vmem_shared>>
        %dma_wait3A_97 = arith.constant 0 : i32
        %dma_wait3A_98 = tpu.memref_slice %arg9[%run_scoped3A_39, %dma_wait3A_97] : memref<16x640xi32, #tpu.memory_space<vmem>> -> memref<1x640xi32, #tpu.memory_space<vmem>>
        %dma_wait3A_99 = tpu.memref_squeeze %dma_wait3A_98 : memref<1x640xi32, #tpu.memory_space<vmem>> -> memref<640xi32, #tpu.memory_space<vmem>>
        %dma_wait3A_100 = tpu.memref_slice %arg19[%run_scoped3A_38, %mul3A_36] : memref<16x10240xi32, #tpu.memory_space<vmem_shared>> -> memref<1x640xi32, #tpu.memory_space<vmem_shared>>
        %dma_wait3A_101 = tpu.memref_squeeze %dma_wait3A_100 : memref<1x640xi32, #tpu.memory_space<vmem_shared>> -> memref<640xi32, #tpu.memory_space<vmem_shared>>
        tpu.wait_dma2 semaphore(%run_scoped3A_81 : memref<!tpu.dma_semaphore, #tpu.memory_space<semaphore_mem>>) src(%dma_wait3A_101 : memref<640xi32, #tpu.memory_space<vmem_shared>>) dst(%dma_wait3A_99 : memref<640xi32, #tpu.memory_space<vmem>>)
        tpu.yield
      }) : () -> ()
      %run_scoped3A_40 = arith.constant 2 : i32
      %run_scoped3A_41 = arith.constant 2 : i32
      "tpu.region"() ({
        %run_scoped3A_81 = tpu.sem_alloc : memref<!tpu.dma_semaphore, #tpu.memory_space<semaphore_mem>>
        %dma_start3A_82 = arith.constant 0 : i32
        %dma_start3A_83 = tpu.memref_slice %arg9[%run_scoped3A_41, %dma_start3A_82] : memref<16x640xi32, #tpu.memory_space<vmem>> -> memref<1x640xi32, #tpu.memory_space<vmem>>
        %dma_start3A_84 = tpu.memref_squeeze %dma_start3A_83 : memref<1x640xi32, #tpu.memory_space<vmem>> -> memref<640xi32, #tpu.memory_space<vmem>>
        %dma_start3A_85 = tpu.memref_slice %arg19[%run_scoped3A_40, %mul3A_36] : memref<16x10240xi32, #tpu.memory_space<vmem_shared>> -> memref<1x640xi32, #tpu.memory_space<vmem_shared>>
        %dma_start3A_86 = tpu.memref_squeeze %dma_start3A_85 : memref<1x640xi32, #tpu.memory_space<vmem_shared>> -> memref<640xi32, #tpu.memory_space<vmem_shared>>
        %dma_start3A_87 = arith.constant 0 : i32
        %dma_start3A_88 = tpu.memref_slice %arg9[%run_scoped3A_41, %dma_start3A_87] : memref<16x640xi32, #tpu.memory_space<vmem>> -> memref<1x640xi32, #tpu.memory_space<vmem>>
        %dma_start3A_89 = tpu.memref_squeeze %dma_start3A_88 : memref<1x640xi32, #tpu.memory_space<vmem>> -> memref<640xi32, #tpu.memory_space<vmem>>
        %dma_start3A_90 = tpu.memref_slice %arg19[%run_scoped3A_40, %mul3A_36] : memref<16x10240xi32, #tpu.memory_space<vmem_shared>> -> memref<1x640xi32, #tpu.memory_space<vmem_shared>>
        %dma_start3A_91 = tpu.memref_squeeze %dma_start3A_90 : memref<1x640xi32, #tpu.memory_space<vmem_shared>> -> memref<640xi32, #tpu.memory_space<vmem_shared>>
        tpu.enqueue_dma source(%dma_start3A_91 : memref<640xi32, #tpu.memory_space<vmem_shared>>) target(%dma_start3A_89 : memref<640xi32, #tpu.memory_space<vmem>>) target_semaphore(%run_scoped3A_81 : memref<!tpu.dma_semaphore, #tpu.memory_space<semaphore_mem>>)
        %dma_wait3A_92 = arith.constant 0 : i32
        %dma_wait3A_93 = tpu.memref_slice %arg9[%run_scoped3A_41, %dma_wait3A_92] : memref<16x640xi32, #tpu.memory_space<vmem>> -> memref<1x640xi32, #tpu.memory_space<vmem>>
        %dma_wait3A_94 = tpu.memref_squeeze %dma_wait3A_93 : memref<1x640xi32, #tpu.memory_space<vmem>> -> memref<640xi32, #tpu.memory_space<vmem>>
        %dma_wait3A_95 = tpu.memref_slice %arg19[%run_scoped3A_40, %mul3A_36] : memref<16x10240xi32, #tpu.memory_space<vmem_shared>> -> memref<1x640xi32, #tpu.memory_space<vmem_shared>>
        %dma_wait3A_96 = tpu.memref_squeeze %dma_wait3A_95 : memref<1x640xi32, #tpu.memory_space<vmem_shared>> -> memref<640xi32, #tpu.memory_space<vmem_shared>>
        %dma_wait3A_97 = arith.constant 0 : i32
        %dma_wait3A_98 = tpu.memref_slice %arg9[%run_scoped3A_41, %dma_wait3A_97] : memref<16x640xi32, #tpu.memory_space<vmem>> -> memref<1x640xi32, #tpu.memory_space<vmem>>
        %dma_wait3A_99 = tpu.memref_squeeze %dma_wait3A_98 : memref<1x640xi32, #tpu.memory_space<vmem>> -> memref<640xi32, #tpu.memory_space<vmem>>
        %dma_wait3A_100 = tpu.memref_slice %arg19[%run_scoped3A_40, %mul3A_36] : memref<16x10240xi32, #tpu.memory_space<vmem_shared>> -> memref<1x640xi32, #tpu.memory_space<vmem_shared>>
        %dma_wait3A_101 = tpu.memref_squeeze %dma_wait3A_100 : memref<1x640xi32, #tpu.memory_space<vmem_shared>> -> memref<640xi32, #tpu.memory_space<vmem_shared>>
        tpu.wait_dma2 semaphore(%run_scoped3A_81 : memref<!tpu.dma_semaphore, #tpu.memory_space<semaphore_mem>>) src(%dma_wait3A_101 : memref<640xi32, #tpu.memory_space<vmem_shared>>) dst(%dma_wait3A_99 : memref<640xi32, #tpu.memory_space<vmem>>)
        tpu.yield
      }) : () -> ()
      %run_scoped3A_42 = arith.constant 3 : i32
      %run_scoped3A_43 = arith.constant 3 : i32
      "tpu.region"() ({
        %run_scoped3A_81 = tpu.sem_alloc : memref<!tpu.dma_semaphore, #tpu.memory_space<semaphore_mem>>
        %dma_start3A_82 = arith.constant 0 : i32
        %dma_start3A_83 = tpu.memref_slice %arg9[%run_scoped3A_43, %dma_start3A_82] : memref<16x640xi32, #tpu.memory_space<vmem>> -> memref<1x640xi32, #tpu.memory_space<vmem>>
        %dma_start3A_84 = tpu.memref_squeeze %dma_start3A_83 : memref<1x640xi32, #tpu.memory_space<vmem>> -> memref<640xi32, #tpu.memory_space<vmem>>
        %dma_start3A_85 = tpu.memref_slice %arg19[%run_scoped3A_42, %mul3A_36] : memref<16x10240xi32, #tpu.memory_space<vmem_shared>> -> memref<1x640xi32, #tpu.memory_space<vmem_shared>>
        %dma_start3A_86 = tpu.memref_squeeze %dma_start3A_85 : memref<1x640xi32, #tpu.memory_space<vmem_shared>> -> memref<640xi32, #tpu.memory_space<vmem_shared>>
        %dma_start3A_87 = arith.constant 0 : i32
        %dma_start3A_88 = tpu.memref_slice %arg9[%run_scoped3A_43, %dma_start3A_87] : memref<16x640xi32, #tpu.memory_space<vmem>> -> memref<1x640xi32, #tpu.memory_space<vmem>>
        %dma_start3A_89 = tpu.memref_squeeze %dma_start3A_88 : memref<1x640xi32, #tpu.memory_space<vmem>> -> memref<640xi32, #tpu.memory_space<vmem>>
        %dma_start3A_90 = tpu.memref_slice %arg19[%run_scoped3A_42, %mul3A_36] : memref<16x10240xi32, #tpu.memory_space<vmem_shared>> -> memref<1x640xi32, #tpu.memory_space<vmem_shared>>
        %dma_start3A_91 = tpu.memref_squeeze %dma_start3A_90 : memref<1x640xi32, #tpu.memory_space<vmem_shared>> -> memref<640xi32, #tpu.memory_space<vmem_shared>>
        tpu.enqueue_dma source(%dma_start3A_91 : memref<640xi32, #tpu.memory_space<vmem_shared>>) target(%dma_start3A_89 : memref<640xi32, #tpu.memory_space<vmem>>) target_semaphore(%run_scoped3A_81 : memref<!tpu.dma_semaphore, #tpu.memory_space<semaphore_mem>>)
        %dma_wait3A_92 = arith.constant 0 : i32
        %dma_wait3A_93 = tpu.memref_slice %arg9[%run_scoped3A_43, %dma_wait3A_92] : memref<16x640xi32, #tpu.memory_space<vmem>> -> memref<1x640xi32, #tpu.memory_space<vmem>>
        %dma_wait3A_94 = tpu.memref_squeeze %dma_wait3A_93 : memref<1x640xi32, #tpu.memory_space<vmem>> -> memref<640xi32, #tpu.memory_space<vmem>>
        %dma_wait3A_95 = tpu.memref_slice %arg19[%run_scoped3A_42, %mul3A_36] : memref<16x10240xi32, #tpu.memory_space<vmem_shared>> -> memref<1x640xi32, #tpu.memory_space<vmem_shared>>
        %dma_wait3A_96 = tpu.memref_squeeze %dma_wait3A_95 : memref<1x640xi32, #tpu.memory_space<vmem_shared>> -> memref<640xi32, #tpu.memory_space<vmem_shared>>
        %dma_wait3A_97 = arith.constant 0 : i32
        %dma_wait3A_98 = tpu.memref_slice %arg9[%run_scoped3A_43, %dma_wait3A_97] : memref<16x640xi32, #tpu.memory_space<vmem>> -> memref<1x640xi32, #tpu.memory_space<vmem>>
        %dma_wait3A_99 = tpu.memref_squeeze %dma_wait3A_98 : memref<1x640xi32, #tpu.memory_space<vmem>> -> memref<640xi32, #tpu.memory_space<vmem>>
        %dma_wait3A_100 = tpu.memref_slice %arg19[%run_scoped3A_42, %mul3A_36] : memref<16x10240xi32, #tpu.memory_space<vmem_shared>> -> memref<1x640xi32, #tpu.memory_space<vmem_shared>>
        %dma_wait3A_101 = tpu.memref_squeeze %dma_wait3A_100 : memref<1x640xi32, #tpu.memory_space<vmem_shared>> -> memref<640xi32, #tpu.memory_space<vmem_shared>>
        tpu.wait_dma2 semaphore(%run_scoped3A_81 : memref<!tpu.dma_semaphore, #tpu.memory_space<semaphore_mem>>) src(%dma_wait3A_101 : memref<640xi32, #tpu.memory_space<vmem_shared>>) dst(%dma_wait3A_99 : memref<640xi32, #tpu.memory_space<vmem>>)
        tpu.yield
      }) : () -> ()
      %run_scoped3A_44 = arith.constant 4 : i32
      %run_scoped3A_45 = arith.constant 4 : i32
      "tpu.region"() ({
        %run_scoped3A_81 = tpu.sem_alloc : memref<!tpu.dma_semaphore, #tpu.memory_space<semaphore_mem>>
        %dma_start3A_82 = arith.constant 0 : i32
        %dma_start3A_83 = tpu.memref_slice %arg9[%run_scoped3A_45, %dma_start3A_82] : memref<16x640xi32, #tpu.memory_space<vmem>> -> memref<1x640xi32, #tpu.memory_space<vmem>>
        %dma_start3A_84 = tpu.memref_squeeze %dma_start3A_83 : memref<1x640xi32, #tpu.memory_space<vmem>> -> memref<640xi32, #tpu.memory_space<vmem>>
        %dma_start3A_85 = tpu.memref_slice %arg19[%run_scoped3A_44, %mul3A_36] : memref<16x10240xi32, #tpu.memory_space<vmem_shared>> -> memref<1x640xi32, #tpu.memory_space<vmem_shared>>
        %dma_start3A_86 = tpu.memref_squeeze %dma_start3A_85 : memref<1x640xi32, #tpu.memory_space<vmem_shared>> -> memref<640xi32, #tpu.memory_space<vmem_shared>>
        %dma_start3A_87 = arith.constant 0 : i32
        %dma_start3A_88 = tpu.memref_slice %arg9[%run_scoped3A_45, %dma_start3A_87] : memref<16x640xi32, #tpu.memory_space<vmem>> -> memref<1x640xi32, #tpu.memory_space<vmem>>
        %dma_start3A_89 = tpu.memref_squeeze %dma_start3A_88 : memref<1x640xi32, #tpu.memory_space<vmem>> -> memref<640xi32, #tpu.memory_space<vmem>>
        %dma_start3A_90 = tpu.memref_slice %arg19[%run_scoped3A_44, %mul3A_36] : memref<16x10240xi32, #tpu.memory_space<vmem_shared>> -> memref<1x640xi32, #tpu.memory_space<vmem_shared>>
        %dma_start3A_91 = tpu.memref_squeeze %dma_start3A_90 : memref<1x640xi32, #tpu.memory_space<vmem_shared>> -> memref<640xi32, #tpu.memory_space<vmem_shared>>
        tpu.enqueue_dma source(%dma_start3A_91 : memref<640xi32, #tpu.memory_space<vmem_shared>>) target(%dma_start3A_89 : memref<640xi32, #tpu.memory_space<vmem>>) target_semaphore(%run_scoped3A_81 : memref<!tpu.dma_semaphore, #tpu.memory_space<semaphore_mem>>)
        %dma_wait3A_92 = arith.constant 0 : i32
        %dma_wait3A_93 = tpu.memref_slice %arg9[%run_scoped3A_45, %dma_wait3A_92] : memref<16x640xi32, #tpu.memory_space<vmem>> -> memref<1x640xi32, #tpu.memory_space<vmem>>
        %dma_wait3A_94 = tpu.memref_squeeze %dma_wait3A_93 : memref<1x640xi32, #tpu.memory_space<vmem>> -> memref<640xi32, #tpu.memory_space<vmem>>
        %dma_wait3A_95 = tpu.memref_slice %arg19[%run_scoped3A_44, %mul3A_36] : memref<16x10240xi32, #tpu.memory_space<vmem_shared>> -> memref<1x640xi32, #tpu.memory_space<vmem_shared>>
        %dma_wait3A_96 = tpu.memref_squeeze %dma_wait3A_95 : memref<1x640xi32, #tpu.memory_space<vmem_shared>> -> memref<640xi32, #tpu.memory_space<vmem_shared>>
        %dma_wait3A_97 = arith.constant 0 : i32
        %dma_wait3A_98 = tpu.memref_slice %arg9[%run_scoped3A_45, %dma_wait3A_97] : memref<16x640xi32, #tpu.memory_space<vmem>> -> memref<1x640xi32, #tpu.memory_space<vmem>>
        %dma_wait3A_99 = tpu.memref_squeeze %dma_wait3A_98 : memref<1x640xi32, #tpu.memory_space<vmem>> -> memref<640xi32, #tpu.memory_space<vmem>>
        %dma_wait3A_100 = tpu.memref_slice %arg19[%run_scoped3A_44, %mul3A_36] : memref<16x10240xi32, #tpu.memory_space<vmem_shared>> -> memref<1x640xi32, #tpu.memory_space<vmem_shared>>
        %dma_wait3A_101 = tpu.memref_squeeze %dma_wait3A_100 : memref<1x640xi32, #tpu.memory_space<vmem_shared>> -> memref<640xi32, #tpu.memory_space<vmem_shared>>
        tpu.wait_dma2 semaphore(%run_scoped3A_81 : memref<!tpu.dma_semaphore, #tpu.memory_space<semaphore_mem>>) src(%dma_wait3A_101 : memref<640xi32, #tpu.memory_space<vmem_shared>>) dst(%dma_wait3A_99 : memref<640xi32, #tpu.memory_space<vmem>>)
        tpu.yield
      }) : () -> ()
      %run_scoped3A_46 = arith.constant 5 : i32
      %run_scoped3A_47 = arith.constant 5 : i32
      "tpu.region"() ({
        %run_scoped3A_81 = tpu.sem_alloc : memref<!tpu.dma_semaphore, #tpu.memory_space<semaphore_mem>>
        %dma_start3A_82 = arith.constant 0 : i32
        %dma_start3A_83 = tpu.memref_slice %arg9[%run_scoped3A_47, %dma_start3A_82] : memref<16x640xi32, #tpu.memory_space<vmem>> -> memref<1x640xi32, #tpu.memory_space<vmem>>
        %dma_start3A_84 = tpu.memref_squeeze %dma_start3A_83 : memref<1x640xi32, #tpu.memory_space<vmem>> -> memref<640xi32, #tpu.memory_space<vmem>>
        %dma_start3A_85 = tpu.memref_slice %arg19[%run_scoped3A_46, %mul3A_36] : memref<16x10240xi32, #tpu.memory_space<vmem_shared>> -> memref<1x640xi32, #tpu.memory_space<vmem_shared>>
        %dma_start3A_86 = tpu.memref_squeeze %dma_start3A_85 : memref<1x640xi32, #tpu.memory_space<vmem_shared>> -> memref<640xi32, #tpu.memory_space<vmem_shared>>
        %dma_start3A_87 = arith.constant 0 : i32
        %dma_start3A_88 = tpu.memref_slice %arg9[%run_scoped3A_47, %dma_start3A_87] : memref<16x640xi32, #tpu.memory_space<vmem>> -> memref<1x640xi32, #tpu.memory_space<vmem>>
        %dma_start3A_89 = tpu.memref_squeeze %dma_start3A_88 : memref<1x640xi32, #tpu.memory_space<vmem>> -> memref<640xi32, #tpu.memory_space<vmem>>
        %dma_start3A_90 = tpu.memref_slice %arg19[%run_scoped3A_46, %mul3A_36] : memref<16x10240xi32, #tpu.memory_space<vmem_shared>> -> memref<1x640xi32, #tpu.memory_space<vmem_shared>>
        %dma_start3A_91 = tpu.memref_squeeze %dma_start3A_90 : memref<1x640xi32, #tpu.memory_space<vmem_shared>> -> memref<640xi32, #tpu.memory_space<vmem_shared>>
        tpu.enqueue_dma source(%dma_start3A_91 : memref<640xi32, #tpu.memory_space<vmem_shared>>) target(%dma_start3A_89 : memref<640xi32, #tpu.memory_space<vmem>>) target_semaphore(%run_scoped3A_81 : memref<!tpu.dma_semaphore, #tpu.memory_space<semaphore_mem>>)
        %dma_wait3A_92 = arith.constant 0 : i32
        %dma_wait3A_93 = tpu.memref_slice %arg9[%run_scoped3A_47, %dma_wait3A_92] : memref<16x640xi32, #tpu.memory_space<vmem>> -> memref<1x640xi32, #tpu.memory_space<vmem>>
        %dma_wait3A_94 = tpu.memref_squeeze %dma_wait3A_93 : memref<1x640xi32, #tpu.memory_space<vmem>> -> memref<640xi32, #tpu.memory_space<vmem>>
        %dma_wait3A_95 = tpu.memref_slice %arg19[%run_scoped3A_46, %mul3A_36] : memref<16x10240xi32, #tpu.memory_space<vmem_shared>> -> memref<1x640xi32, #tpu.memory_space<vmem_shared>>
        %dma_wait3A_96 = tpu.memref_squeeze %dma_wait3A_95 : memref<1x640xi32, #tpu.memory_space<vmem_shared>> -> memref<640xi32, #tpu.memory_space<vmem_shared>>
        %dma_wait3A_97 = arith.constant 0 : i32
        %dma_wait3A_98 = tpu.memref_slice %arg9[%run_scoped3A_47, %dma_wait3A_97] : memref<16x640xi32, #tpu.memory_space<vmem>> -> memref<1x640xi32, #tpu.memory_space<vmem>>
        %dma_wait3A_99 = tpu.memref_squeeze %dma_wait3A_98 : memref<1x640xi32, #tpu.memory_space<vmem>> -> memref<640xi32, #tpu.memory_space<vmem>>
        %dma_wait3A_100 = tpu.memref_slice %arg19[%run_scoped3A_46, %mul3A_36] : memref<16x10240xi32, #tpu.memory_space<vmem_shared>> -> memref<1x640xi32, #tpu.memory_space<vmem_shared>>
        %dma_wait3A_101 = tpu.memref_squeeze %dma_wait3A_100 : memref<1x640xi32, #tpu.memory_space<vmem_shared>> -> memref<640xi32, #tpu.memory_space<vmem_shared>>
        tpu.wait_dma2 semaphore(%run_scoped3A_81 : memref<!tpu.dma_semaphore, #tpu.memory_space<semaphore_mem>>) src(%dma_wait3A_101 : memref<640xi32, #tpu.memory_space<vmem_shared>>) dst(%dma_wait3A_99 : memref<640xi32, #tpu.memory_space<vmem>>)
        tpu.yield
      }) : () -> ()
      %run_scoped3A_48 = arith.constant 6 : i32
      %run_scoped3A_49 = arith.constant 6 : i32
      "tpu.region"() ({
        %run_scoped3A_81 = tpu.sem_alloc : memref<!tpu.dma_semaphore, #tpu.memory_space<semaphore_mem>>
        %dma_start3A_82 = arith.constant 0 : i32
        %dma_start3A_83 = tpu.memref_slice %arg9[%run_scoped3A_49, %dma_start3A_82] : memref<16x640xi32, #tpu.memory_space<vmem>> -> memref<1x640xi32, #tpu.memory_space<vmem>>
        %dma_start3A_84 = tpu.memref_squeeze %dma_start3A_83 : memref<1x640xi32, #tpu.memory_space<vmem>> -> memref<640xi32, #tpu.memory_space<vmem>>
        %dma_start3A_85 = tpu.memref_slice %arg19[%run_scoped3A_48, %mul3A_36] : memref<16x10240xi32, #tpu.memory_space<vmem_shared>> -> memref<1x640xi32, #tpu.memory_space<vmem_shared>>
        %dma_start3A_86 = tpu.memref_squeeze %dma_start3A_85 : memref<1x640xi32, #tpu.memory_space<vmem_shared>> -> memref<640xi32, #tpu.memory_space<vmem_shared>>
        %dma_start3A_87 = arith.constant 0 : i32
        %dma_start3A_88 = tpu.memref_slice %arg9[%run_scoped3A_49, %dma_start3A_87] : memref<16x640xi32, #tpu.memory_space<vmem>> -> memref<1x640xi32, #tpu.memory_space<vmem>>
        %dma_start3A_89 = tpu.memref_squeeze %dma_start3A_88 : memref<1x640xi32, #tpu.memory_space<vmem>> -> memref<640xi32, #tpu.memory_space<vmem>>
        %dma_start3A_90 = tpu.memref_slice %arg19[%run_scoped3A_48, %mul3A_36] : memref<16x10240xi32, #tpu.memory_space<vmem_shared>> -> memref<1x640xi32, #tpu.memory_space<vmem_shared>>
        %dma_start3A_91 = tpu.memref_squeeze %dma_start3A_90 : memref<1x640xi32, #tpu.memory_space<vmem_shared>> -> memref<640xi32, #tpu.memory_space<vmem_shared>>
        tpu.enqueue_dma source(%dma_start3A_91 : memref<640xi32, #tpu.memory_space<vmem_shared>>) target(%dma_start3A_89 : memref<640xi32, #tpu.memory_space<vmem>>) target_semaphore(%run_scoped3A_81 : memref<!tpu.dma_semaphore, #tpu.memory_space<semaphore_mem>>)
        %dma_wait3A_92 = arith.constant 0 : i32
        %dma_wait3A_93 = tpu.memref_slice %arg9[%run_scoped3A_49, %dma_wait3A_92] : memref<16x640xi32, #tpu.memory_space<vmem>> -> memref<1x640xi32, #tpu.memory_space<vmem>>
        %dma_wait3A_94 = tpu.memref_squeeze %dma_wait3A_93 : memref<1x640xi32, #tpu.memory_space<vmem>> -> memref<640xi32, #tpu.memory_space<vmem>>
        %dma_wait3A_95 = tpu.memref_slice %arg19[%run_scoped3A_48, %mul3A_36] : memref<16x10240xi32, #tpu.memory_space<vmem_shared>> -> memref<1x640xi32, #tpu.memory_space<vmem_shared>>
        %dma_wait3A_96 = tpu.memref_squeeze %dma_wait3A_95 : memref<1x640xi32, #tpu.memory_space<vmem_shared>> -> memref<640xi32, #tpu.memory_space<vmem_shared>>
        %dma_wait3A_97 = arith.constant 0 : i32
        %dma_wait3A_98 = tpu.memref_slice %arg9[%run_scoped3A_49, %dma_wait3A_97] : memref<16x640xi32, #tpu.memory_space<vmem>> -> memref<1x640xi32, #tpu.memory_space<vmem>>
        %dma_wait3A_99 = tpu.memref_squeeze %dma_wait3A_98 : memref<1x640xi32, #tpu.memory_space<vmem>> -> memref<640xi32, #tpu.memory_space<vmem>>
        %dma_wait3A_100 = tpu.memref_slice %arg19[%run_scoped3A_48, %mul3A_36] : memref<16x10240xi32, #tpu.memory_space<vmem_shared>> -> memref<1x640xi32, #tpu.memory_space<vmem_shared>>
        %dma_wait3A_101 = tpu.memref_squeeze %dma_wait3A_100 : memref<1x640xi32, #tpu.memory_space<vmem_shared>> -> memref<640xi32, #tpu.memory_space<vmem_shared>>
        tpu.wait_dma2 semaphore(%run_scoped3A_81 : memref<!tpu.dma_semaphore, #tpu.memory_space<semaphore_mem>>) src(%dma_wait3A_101 : memref<640xi32, #tpu.memory_space<vmem_shared>>) dst(%dma_wait3A_99 : memref<640xi32, #tpu.memory_space<vmem>>)
        tpu.yield
      }) : () -> ()
      %run_scoped3A_50 = arith.constant 7 : i32
      %run_scoped3A_51 = arith.constant 7 : i32
      "tpu.region"() ({
        %run_scoped3A_81 = tpu.sem_alloc : memref<!tpu.dma_semaphore, #tpu.memory_space<semaphore_mem>>
        %dma_start3A_82 = arith.constant 0 : i32
        %dma_start3A_83 = tpu.memref_slice %arg9[%run_scoped3A_51, %dma_start3A_82] : memref<16x640xi32, #tpu.memory_space<vmem>> -> memref<1x640xi32, #tpu.memory_space<vmem>>
        %dma_start3A_84 = tpu.memref_squeeze %dma_start3A_83 : memref<1x640xi32, #tpu.memory_space<vmem>> -> memref<640xi32, #tpu.memory_space<vmem>>
        %dma_start3A_85 = tpu.memref_slice %arg19[%run_scoped3A_50, %mul3A_36] : memref<16x10240xi32, #tpu.memory_space<vmem_shared>> -> memref<1x640xi32, #tpu.memory_space<vmem_shared>>
        %dma_start3A_86 = tpu.memref_squeeze %dma_start3A_85 : memref<1x640xi32, #tpu.memory_space<vmem_shared>> -> memref<640xi32, #tpu.memory_space<vmem_shared>>
        %dma_start3A_87 = arith.constant 0 : i32
        %dma_start3A_88 = tpu.memref_slice %arg9[%run_scoped3A_51, %dma_start3A_87] : memref<16x640xi32, #tpu.memory_space<vmem>> -> memref<1x640xi32, #tpu.memory_space<vmem>>
        %dma_start3A_89 = tpu.memref_squeeze %dma_start3A_88 : memref<1x640xi32, #tpu.memory_space<vmem>> -> memref<640xi32, #tpu.memory_space<vmem>>
        %dma_start3A_90 = tpu.memref_slice %arg19[%run_scoped3A_50, %mul3A_36] : memref<16x10240xi32, #tpu.memory_space<vmem_shared>> -> memref<1x640xi32, #tpu.memory_space<vmem_shared>>
        %dma_start3A_91 = tpu.memref_squeeze %dma_start3A_90 : memref<1x640xi32, #tpu.memory_space<vmem_shared>> -> memref<640xi32, #tpu.memory_space<vmem_shared>>
        tpu.enqueue_dma source(%dma_start3A_91 : memref<640xi32, #tpu.memory_space<vmem_shared>>) target(%dma_start3A_89 : memref<640xi32, #tpu.memory_space<vmem>>) target_semaphore(%run_scoped3A_81 : memref<!tpu.dma_semaphore, #tpu.memory_space<semaphore_mem>>)
        %dma_wait3A_92 = arith.constant 0 : i32
        %dma_wait3A_93 = tpu.memref_slice %arg9[%run_scoped3A_51, %dma_wait3A_92] : memref<16x640xi32, #tpu.memory_space<vmem>> -> memref<1x640xi32, #tpu.memory_space<vmem>>
        %dma_wait3A_94 = tpu.memref_squeeze %dma_wait3A_93 : memref<1x640xi32, #tpu.memory_space<vmem>> -> memref<640xi32, #tpu.memory_space<vmem>>
        %dma_wait3A_95 = tpu.memref_slice %arg19[%run_scoped3A_50, %mul3A_36] : memref<16x10240xi32, #tpu.memory_space<vmem_shared>> -> memref<1x640xi32, #tpu.memory_space<vmem_shared>>
        %dma_wait3A_96 = tpu.memref_squeeze %dma_wait3A_95 : memref<1x640xi32, #tpu.memory_space<vmem_shared>> -> memref<640xi32, #tpu.memory_space<vmem_shared>>
        %dma_wait3A_97 = arith.constant 0 : i32
        %dma_wait3A_98 = tpu.memref_slice %arg9[%run_scoped3A_51, %dma_wait3A_97] : memref<16x640xi32, #tpu.memory_space<vmem>> -> memref<1x640xi32, #tpu.memory_space<vmem>>
        %dma_wait3A_99 = tpu.memref_squeeze %dma_wait3A_98 : memref<1x640xi32, #tpu.memory_space<vmem>> -> memref<640xi32, #tpu.memory_space<vmem>>
        %dma_wait3A_100 = tpu.memref_slice %arg19[%run_scoped3A_50, %mul3A_36] : memref<16x10240xi32, #tpu.memory_space<vmem_shared>> -> memref<1x640xi32, #tpu.memory_space<vmem_shared>>
        %dma_wait3A_101 = tpu.memref_squeeze %dma_wait3A_100 : memref<1x640xi32, #tpu.memory_space<vmem_shared>> -> memref<640xi32, #tpu.memory_space<vmem_shared>>
        tpu.wait_dma2 semaphore(%run_scoped3A_81 : memref<!tpu.dma_semaphore, #tpu.memory_space<semaphore_mem>>) src(%dma_wait3A_101 : memref<640xi32, #tpu.memory_space<vmem_shared>>) dst(%dma_wait3A_99 : memref<640xi32, #tpu.memory_space<vmem>>)
        tpu.yield
      }) : () -> ()
      %run_scoped3A_52 = arith.constant 8 : i32
      %run_scoped3A_53 = arith.constant 8 : i32
      "tpu.region"() ({
        %run_scoped3A_81 = tpu.sem_alloc : memref<!tpu.dma_semaphore, #tpu.memory_space<semaphore_mem>>
        %dma_start3A_82 = arith.constant 0 : i32
        %dma_start3A_83 = tpu.memref_slice %arg9[%run_scoped3A_53, %dma_start3A_82] : memref<16x640xi32, #tpu.memory_space<vmem>> -> memref<1x640xi32, #tpu.memory_space<vmem>>
        %dma_start3A_84 = tpu.memref_squeeze %dma_start3A_83 : memref<1x640xi32, #tpu.memory_space<vmem>> -> memref<640xi32, #tpu.memory_space<vmem>>
        %dma_start3A_85 = tpu.memref_slice %arg19[%run_scoped3A_52, %mul3A_36] : memref<16x10240xi32, #tpu.memory_space<vmem_shared>> -> memref<1x640xi32, #tpu.memory_space<vmem_shared>>
        %dma_start3A_86 = tpu.memref_squeeze %dma_start3A_85 : memref<1x640xi32, #tpu.memory_space<vmem_shared>> -> memref<640xi32, #tpu.memory_space<vmem_shared>>
        %dma_start3A_87 = arith.constant 0 : i32
        %dma_start3A_88 = tpu.memref_slice %arg9[%run_scoped3A_53, %dma_start3A_87] : memref<16x640xi32, #tpu.memory_space<vmem>> -> memref<1x640xi32, #tpu.memory_space<vmem>>
        %dma_start3A_89 = tpu.memref_squeeze %dma_start3A_88 : memref<1x640xi32, #tpu.memory_space<vmem>> -> memref<640xi32, #tpu.memory_space<vmem>>
        %dma_start3A_90 = tpu.memref_slice %arg19[%run_scoped3A_52, %mul3A_36] : memref<16x10240xi32, #tpu.memory_space<vmem_shared>> -> memref<1x640xi32, #tpu.memory_space<vmem_shared>>
        %dma_start3A_91 = tpu.memref_squeeze %dma_start3A_90 : memref<1x640xi32, #tpu.memory_space<vmem_shared>> -> memref<640xi32, #tpu.memory_space<vmem_shared>>
        tpu.enqueue_dma source(%dma_start3A_91 : memref<640xi32, #tpu.memory_space<vmem_shared>>) target(%dma_start3A_89 : memref<640xi32, #tpu.memory_space<vmem>>) target_semaphore(%run_scoped3A_81 : memref<!tpu.dma_semaphore, #tpu.memory_space<semaphore_mem>>)
        %dma_wait3A_92 = arith.constant 0 : i32
        %dma_wait3A_93 = tpu.memref_slice %arg9[%run_scoped3A_53, %dma_wait3A_92] : memref<16x640xi32, #tpu.memory_space<vmem>> -> memref<1x640xi32, #tpu.memory_space<vmem>>
        %dma_wait3A_94 = tpu.memref_squeeze %dma_wait3A_93 : memref<1x640xi32, #tpu.memory_space<vmem>> -> memref<640xi32, #tpu.memory_space<vmem>>
        %dma_wait3A_95 = tpu.memref_slice %arg19[%run_scoped3A_52, %mul3A_36] : memref<16x10240xi32, #tpu.memory_space<vmem_shared>> -> memref<1x640xi32, #tpu.memory_space<vmem_shared>>
        %dma_wait3A_96 = tpu.memref_squeeze %dma_wait3A_95 : memref<1x640xi32, #tpu.memory_space<vmem_shared>> -> memref<640xi32, #tpu.memory_space<vmem_shared>>
        %dma_wait3A_97 = arith.constant 0 : i32
        %dma_wait3A_98 = tpu.memref_slice %arg9[%run_scoped3A_53, %dma_wait3A_97] : memref<16x640xi32, #tpu.memory_space<vmem>> -> memref<1x640xi32, #tpu.memory_space<vmem>>
        %dma_wait3A_99 = tpu.memref_squeeze %dma_wait3A_98 : memref<1x640xi32, #tpu.memory_space<vmem>> -> memref<640xi32, #tpu.memory_space<vmem>>
        %dma_wait3A_100 = tpu.memref_slice %arg19[%run_scoped3A_52, %mul3A_36] : memref<16x10240xi32, #tpu.memory_space<vmem_shared>> -> memref<1x640xi32, #tpu.memory_space<vmem_shared>>
        %dma_wait3A_101 = tpu.memref_squeeze %dma_wait3A_100 : memref<1x640xi32, #tpu.memory_space<vmem_shared>> -> memref<640xi32, #tpu.memory_space<vmem_shared>>
        tpu.wait_dma2 semaphore(%run_scoped3A_81 : memref<!tpu.dma_semaphore, #tpu.memory_space<semaphore_mem>>) src(%dma_wait3A_101 : memref<640xi32, #tpu.memory_space<vmem_shared>>) dst(%dma_wait3A_99 : memref<640xi32, #tpu.memory_space<vmem>>)
        tpu.yield
      }) : () -> ()
      %run_scoped3A_54 = arith.constant 9 : i32
      %run_scoped3A_55 = arith.constant 9 : i32
      "tpu.region"() ({
        %run_scoped3A_81 = tpu.sem_alloc : memref<!tpu.dma_semaphore, #tpu.memory_space<semaphore_mem>>
        %dma_start3A_82 = arith.constant 0 : i32
        %dma_start3A_83 = tpu.memref_slice %arg9[%run_scoped3A_55, %dma_start3A_82] : memref<16x640xi32, #tpu.memory_space<vmem>> -> memref<1x640xi32, #tpu.memory_space<vmem>>
        %dma_start3A_84 = tpu.memref_squeeze %dma_start3A_83 : memref<1x640xi32, #tpu.memory_space<vmem>> -> memref<640xi32, #tpu.memory_space<vmem>>
        %dma_start3A_85 = tpu.memref_slice %arg19[%run_scoped3A_54, %mul3A_36] : memref<16x10240xi32, #tpu.memory_space<vmem_shared>> -> memref<1x640xi32, #tpu.memory_space<vmem_shared>>
        %dma_start3A_86 = tpu.memref_squeeze %dma_start3A_85 : memref<1x640xi32, #tpu.memory_space<vmem_shared>> -> memref<640xi32, #tpu.memory_space<vmem_shared>>
        %dma_start3A_87 = arith.constant 0 : i32
        %dma_start3A_88 = tpu.memref_slice %arg9[%run_scoped3A_55, %dma_start3A_87] : memref<16x640xi32, #tpu.memory_space<vmem>> -> memref<1x640xi32, #tpu.memory_space<vmem>>
        %dma_start3A_89 = tpu.memref_squeeze %dma_start3A_88 : memref<1x640xi32, #tpu.memory_space<vmem>> -> memref<640xi32, #tpu.memory_space<vmem>>
        %dma_start3A_90 = tpu.memref_slice %arg19[%run_scoped3A_54, %mul3A_36] : memref<16x10240xi32, #tpu.memory_space<vmem_shared>> -> memref<1x640xi32, #tpu.memory_space<vmem_shared>>
        %dma_start3A_91 = tpu.memref_squeeze %dma_start3A_90 : memref<1x640xi32, #tpu.memory_space<vmem_shared>> -> memref<640xi32, #tpu.memory_space<vmem_shared>>
        tpu.enqueue_dma source(%dma_start3A_91 : memref<640xi32, #tpu.memory_space<vmem_shared>>) target(%dma_start3A_89 : memref<640xi32, #tpu.memory_space<vmem>>) target_semaphore(%run_scoped3A_81 : memref<!tpu.dma_semaphore, #tpu.memory_space<semaphore_mem>>)
        %dma_wait3A_92 = arith.constant 0 : i32
        %dma_wait3A_93 = tpu.memref_slice %arg9[%run_scoped3A_55, %dma_wait3A_92] : memref<16x640xi32, #tpu.memory_space<vmem>> -> memref<1x640xi32, #tpu.memory_space<vmem>>
        %dma_wait3A_94 = tpu.memref_squeeze %dma_wait3A_93 : memref<1x640xi32, #tpu.memory_space<vmem>> -> memref<640xi32, #tpu.memory_space<vmem>>
        %dma_wait3A_95 = tpu.memref_slice %arg19[%run_scoped3A_54, %mul3A_36] : memref<16x10240xi32, #tpu.memory_space<vmem_shared>> -> memref<1x640xi32, #tpu.memory_space<vmem_shared>>
        %dma_wait3A_96 = tpu.memref_squeeze %dma_wait3A_95 : memref<1x640xi32, #tpu.memory_space<vmem_shared>> -> memref<640xi32, #tpu.memory_space<vmem_shared>>
        %dma_wait3A_97 = arith.constant 0 : i32
        %dma_wait3A_98 = tpu.memref_slice %arg9[%run_scoped3A_55, %dma_wait3A_97] : memref<16x640xi32, #tpu.memory_space<vmem>> -> memref<1x640xi32, #tpu.memory_space<vmem>>
        %dma_wait3A_99 = tpu.memref_squeeze %dma_wait3A_98 : memref<1x640xi32, #tpu.memory_space<vmem>> -> memref<640xi32, #tpu.memory_space<vmem>>
        %dma_wait3A_100 = tpu.memref_slice %arg19[%run_scoped3A_54, %mul3A_36] : memref<16x10240xi32, #tpu.memory_space<vmem_shared>> -> memref<1x640xi32, #tpu.memory_space<vmem_shared>>
        %dma_wait3A_101 = tpu.memref_squeeze %dma_wait3A_100 : memref<1x640xi32, #tpu.memory_space<vmem_shared>> -> memref<640xi32, #tpu.memory_space<vmem_shared>>
        tpu.wait_dma2 semaphore(%run_scoped3A_81 : memref<!tpu.dma_semaphore, #tpu.memory_space<semaphore_mem>>) src(%dma_wait3A_101 : memref<640xi32, #tpu.memory_space<vmem_shared>>) dst(%dma_wait3A_99 : memref<640xi32, #tpu.memory_space<vmem>>)
        tpu.yield
      }) : () -> ()
      %run_scoped3A_56 = arith.constant 10 : i32
      %run_scoped3A_57 = arith.constant 10 : i32
      "tpu.region"() ({
        %run_scoped3A_81 = tpu.sem_alloc : memref<!tpu.dma_semaphore, #tpu.memory_space<semaphore_mem>>
        %dma_start3A_82 = arith.constant 0 : i32
        %dma_start3A_83 = tpu.memref_slice %arg9[%run_scoped3A_57, %dma_start3A_82] : memref<16x640xi32, #tpu.memory_space<vmem>> -> memref<1x640xi32, #tpu.memory_space<vmem>>
        %dma_start3A_84 = tpu.memref_squeeze %dma_start3A_83 : memref<1x640xi32, #tpu.memory_space<vmem>> -> memref<640xi32, #tpu.memory_space<vmem>>
        %dma_start3A_85 = tpu.memref_slice %arg19[%run_scoped3A_56, %mul3A_36] : memref<16x10240xi32, #tpu.memory_space<vmem_shared>> -> memref<1x640xi32, #tpu.memory_space<vmem_shared>>
        %dma_start3A_86 = tpu.memref_squeeze %dma_start3A_85 : memref<1x640xi32, #tpu.memory_space<vmem_shared>> -> memref<640xi32, #tpu.memory_space<vmem_shared>>
        %dma_start3A_87 = arith.constant 0 : i32
        %dma_start3A_88 = tpu.memref_slice %arg9[%run_scoped3A_57, %dma_start3A_87] : memref<16x640xi32, #tpu.memory_space<vmem>> -> memref<1x640xi32, #tpu.memory_space<vmem>>
        %dma_start3A_89 = tpu.memref_squeeze %dma_start3A_88 : memref<1x640xi32, #tpu.memory_space<vmem>> -> memref<640xi32, #tpu.memory_space<vmem>>
        %dma_start3A_90 = tpu.memref_slice %arg19[%run_scoped3A_56, %mul3A_36] : memref<16x10240xi32, #tpu.memory_space<vmem_shared>> -> memref<1x640xi32, #tpu.memory_space<vmem_shared>>
        %dma_start3A_91 = tpu.memref_squeeze %dma_start3A_90 : memref<1x640xi32, #tpu.memory_space<vmem_shared>> -> memref<640xi32, #tpu.memory_space<vmem_shared>>
        tpu.enqueue_dma source(%dma_start3A_91 : memref<640xi32, #tpu.memory_space<vmem_shared>>) target(%dma_start3A_89 : memref<640xi32, #tpu.memory_space<vmem>>) target_semaphore(%run_scoped3A_81 : memref<!tpu.dma_semaphore, #tpu.memory_space<semaphore_mem>>)
        %dma_wait3A_92 = arith.constant 0 : i32
        %dma_wait3A_93 = tpu.memref_slice %arg9[%run_scoped3A_57, %dma_wait3A_92] : memref<16x640xi32, #tpu.memory_space<vmem>> -> memref<1x640xi32, #tpu.memory_space<vmem>>
        %dma_wait3A_94 = tpu.memref_squeeze %dma_wait3A_93 : memref<1x640xi32, #tpu.memory_space<vmem>> -> memref<640xi32, #tpu.memory_space<vmem>>
        %dma_wait3A_95 = tpu.memref_slice %arg19[%run_scoped3A_56, %mul3A_36] : memref<16x10240xi32, #tpu.memory_space<vmem_shared>> -> memref<1x640xi32, #tpu.memory_space<vmem_shared>>
        %dma_wait3A_96 = tpu.memref_squeeze %dma_wait3A_95 : memref<1x640xi32, #tpu.memory_space<vmem_shared>> -> memref<640xi32, #tpu.memory_space<vmem_shared>>
        %dma_wait3A_97 = arith.constant 0 : i32
        %dma_wait3A_98 = tpu.memref_slice %arg9[%run_scoped3A_57, %dma_wait3A_97] : memref<16x640xi32, #tpu.memory_space<vmem>> -> memref<1x640xi32, #tpu.memory_space<vmem>>
        %dma_wait3A_99 = tpu.memref_squeeze %dma_wait3A_98 : memref<1x640xi32, #tpu.memory_space<vmem>> -> memref<640xi32, #tpu.memory_space<vmem>>
        %dma_wait3A_100 = tpu.memref_slice %arg19[%run_scoped3A_56, %mul3A_36] : memref<16x10240xi32, #tpu.memory_space<vmem_shared>> -> memref<1x640xi32, #tpu.memory_space<vmem_shared>>
        %dma_wait3A_101 = tpu.memref_squeeze %dma_wait3A_100 : memref<1x640xi32, #tpu.memory_space<vmem_shared>> -> memref<640xi32, #tpu.memory_space<vmem_shared>>
        tpu.wait_dma2 semaphore(%run_scoped3A_81 : memref<!tpu.dma_semaphore, #tpu.memory_space<semaphore_mem>>) src(%dma_wait3A_101 : memref<640xi32, #tpu.memory_space<vmem_shared>>) dst(%dma_wait3A_99 : memref<640xi32, #tpu.memory_space<vmem>>)
        tpu.yield
      }) : () -> ()
      %run_scoped3A_58 = arith.constant 11 : i32
      %run_scoped3A_59 = arith.constant 11 : i32
      "tpu.region"() ({
        %run_scoped3A_81 = tpu.sem_alloc : memref<!tpu.dma_semaphore, #tpu.memory_space<semaphore_mem>>
        %dma_start3A_82 = arith.constant 0 : i32
        %dma_start3A_83 = tpu.memref_slice %arg9[%run_scoped3A_59, %dma_start3A_82] : memref<16x640xi32, #tpu.memory_space<vmem>> -> memref<1x640xi32, #tpu.memory_space<vmem>>
        %dma_start3A_84 = tpu.memref_squeeze %dma_start3A_83 : memref<1x640xi32, #tpu.memory_space<vmem>> -> memref<640xi32, #tpu.memory_space<vmem>>
        %dma_start3A_85 = tpu.memref_slice %arg19[%run_scoped3A_58, %mul3A_36] : memref<16x10240xi32, #tpu.memory_space<vmem_shared>> -> memref<1x640xi32, #tpu.memory_space<vmem_shared>>
        %dma_start3A_86 = tpu.memref_squeeze %dma_start3A_85 : memref<1x640xi32, #tpu.memory_space<vmem_shared>> -> memref<640xi32, #tpu.memory_space<vmem_shared>>
        %dma_start3A_87 = arith.constant 0 : i32
        %dma_start3A_88 = tpu.memref_slice %arg9[%run_scoped3A_59, %dma_start3A_87] : memref<16x640xi32, #tpu.memory_space<vmem>> -> memref<1x640xi32, #tpu.memory_space<vmem>>
        %dma_start3A_89 = tpu.memref_squeeze %dma_start3A_88 : memref<1x640xi32, #tpu.memory_space<vmem>> -> memref<640xi32, #tpu.memory_space<vmem>>
        %dma_start3A_90 = tpu.memref_slice %arg19[%run_scoped3A_58, %mul3A_36] : memref<16x10240xi32, #tpu.memory_space<vmem_shared>> -> memref<1x640xi32, #tpu.memory_space<vmem_shared>>
        %dma_start3A_91 = tpu.memref_squeeze %dma_start3A_90 : memref<1x640xi32, #tpu.memory_space<vmem_shared>> -> memref<640xi32, #tpu.memory_space<vmem_shared>>
        tpu.enqueue_dma source(%dma_start3A_91 : memref<640xi32, #tpu.memory_space<vmem_shared>>) target(%dma_start3A_89 : memref<640xi32, #tpu.memory_space<vmem>>) target_semaphore(%run_scoped3A_81 : memref<!tpu.dma_semaphore, #tpu.memory_space<semaphore_mem>>)
        %dma_wait3A_92 = arith.constant 0 : i32
        %dma_wait3A_93 = tpu.memref_slice %arg9[%run_scoped3A_59, %dma_wait3A_92] : memref<16x640xi32, #tpu.memory_space<vmem>> -> memref<1x640xi32, #tpu.memory_space<vmem>>
        %dma_wait3A_94 = tpu.memref_squeeze %dma_wait3A_93 : memref<1x640xi32, #tpu.memory_space<vmem>> -> memref<640xi32, #tpu.memory_space<vmem>>
        %dma_wait3A_95 = tpu.memref_slice %arg19[%run_scoped3A_58, %mul3A_36] : memref<16x10240xi32, #tpu.memory_space<vmem_shared>> -> memref<1x640xi32, #tpu.memory_space<vmem_shared>>
        %dma_wait3A_96 = tpu.memref_squeeze %dma_wait3A_95 : memref<1x640xi32, #tpu.memory_space<vmem_shared>> -> memref<640xi32, #tpu.memory_space<vmem_shared>>
        %dma_wait3A_97 = arith.constant 0 : i32
        %dma_wait3A_98 = tpu.memref_slice %arg9[%run_scoped3A_59, %dma_wait3A_97] : memref<16x640xi32, #tpu.memory_space<vmem>> -> memref<1x640xi32, #tpu.memory_space<vmem>>
        %dma_wait3A_99 = tpu.memref_squeeze %dma_wait3A_98 : memref<1x640xi32, #tpu.memory_space<vmem>> -> memref<640xi32, #tpu.memory_space<vmem>>
        %dma_wait3A_100 = tpu.memref_slice %arg19[%run_scoped3A_58, %mul3A_36] : memref<16x10240xi32, #tpu.memory_space<vmem_shared>> -> memref<1x640xi32, #tpu.memory_space<vmem_shared>>
        %dma_wait3A_101 = tpu.memref_squeeze %dma_wait3A_100 : memref<1x640xi32, #tpu.memory_space<vmem_shared>> -> memref<640xi32, #tpu.memory_space<vmem_shared>>
        tpu.wait_dma2 semaphore(%run_scoped3A_81 : memref<!tpu.dma_semaphore, #tpu.memory_space<semaphore_mem>>) src(%dma_wait3A_101 : memref<640xi32, #tpu.memory_space<vmem_shared>>) dst(%dma_wait3A_99 : memref<640xi32, #tpu.memory_space<vmem>>)
        tpu.yield
      }) : () -> ()
      %run_scoped3A_60 = arith.constant 12 : i32
      %run_scoped3A_61 = arith.constant 12 : i32
      "tpu.region"() ({
        %run_scoped3A_81 = tpu.sem_alloc : memref<!tpu.dma_semaphore, #tpu.memory_space<semaphore_mem>>
        %dma_start3A_82 = arith.constant 0 : i32
        %dma_start3A_83 = tpu.memref_slice %arg9[%run_scoped3A_61, %dma_start3A_82] : memref<16x640xi32, #tpu.memory_space<vmem>> -> memref<1x640xi32, #tpu.memory_space<vmem>>
        %dma_start3A_84 = tpu.memref_squeeze %dma_start3A_83 : memref<1x640xi32, #tpu.memory_space<vmem>> -> memref<640xi32, #tpu.memory_space<vmem>>
        %dma_start3A_85 = tpu.memref_slice %arg19[%run_scoped3A_60, %mul3A_36] : memref<16x10240xi32, #tpu.memory_space<vmem_shared>> -> memref<1x640xi32, #tpu.memory_space<vmem_shared>>
        %dma_start3A_86 = tpu.memref_squeeze %dma_start3A_85 : memref<1x640xi32, #tpu.memory_space<vmem_shared>> -> memref<640xi32, #tpu.memory_space<vmem_shared>>
        %dma_start3A_87 = arith.constant 0 : i32
        %dma_start3A_88 = tpu.memref_slice %arg9[%run_scoped3A_61, %dma_start3A_87] : memref<16x640xi32, #tpu.memory_space<vmem>> -> memref<1x640xi32, #tpu.memory_space<vmem>>
        %dma_start3A_89 = tpu.memref_squeeze %dma_start3A_88 : memref<1x640xi32, #tpu.memory_space<vmem>> -> memref<640xi32, #tpu.memory_space<vmem>>
        %dma_start3A_90 = tpu.memref_slice %arg19[%run_scoped3A_60, %mul3A_36] : memref<16x10240xi32, #tpu.memory_space<vmem_shared>> -> memref<1x640xi32, #tpu.memory_space<vmem_shared>>
        %dma_start3A_91 = tpu.memref_squeeze %dma_start3A_90 : memref<1x640xi32, #tpu.memory_space<vmem_shared>> -> memref<640xi32, #tpu.memory_space<vmem_shared>>
        tpu.enqueue_dma source(%dma_start3A_91 : memref<640xi32, #tpu.memory_space<vmem_shared>>) target(%dma_start3A_89 : memref<640xi32, #tpu.memory_space<vmem>>) target_semaphore(%run_scoped3A_81 : memref<!tpu.dma_semaphore, #tpu.memory_space<semaphore_mem>>)
        %dma_wait3A_92 = arith.constant 0 : i32
        %dma_wait3A_93 = tpu.memref_slice %arg9[%run_scoped3A_61, %dma_wait3A_92] : memref<16x640xi32, #tpu.memory_space<vmem>> -> memref<1x640xi32, #tpu.memory_space<vmem>>
        %dma_wait3A_94 = tpu.memref_squeeze %dma_wait3A_93 : memref<1x640xi32, #tpu.memory_space<vmem>> -> memref<640xi32, #tpu.memory_space<vmem>>
        %dma_wait3A_95 = tpu.memref_slice %arg19[%run_scoped3A_60, %mul3A_36] : memref<16x10240xi32, #tpu.memory_space<vmem_shared>> -> memref<1x640xi32, #tpu.memory_space<vmem_shared>>
        %dma_wait3A_96 = tpu.memref_squeeze %dma_wait3A_95 : memref<1x640xi32, #tpu.memory_space<vmem_shared>> -> memref<640xi32, #tpu.memory_space<vmem_shared>>
        %dma_wait3A_97 = arith.constant 0 : i32
        %dma_wait3A_98 = tpu.memref_slice %arg9[%run_scoped3A_61, %dma_wait3A_97] : memref<16x640xi32, #tpu.memory_space<vmem>> -> memref<1x640xi32, #tpu.memory_space<vmem>>
        %dma_wait3A_99 = tpu.memref_squeeze %dma_wait3A_98 : memref<1x640xi32, #tpu.memory_space<vmem>> -> memref<640xi32, #tpu.memory_space<vmem>>
        %dma_wait3A_100 = tpu.memref_slice %arg19[%run_scoped3A_60, %mul3A_36] : memref<16x10240xi32, #tpu.memory_space<vmem_shared>> -> memref<1x640xi32, #tpu.memory_space<vmem_shared>>
        %dma_wait3A_101 = tpu.memref_squeeze %dma_wait3A_100 : memref<1x640xi32, #tpu.memory_space<vmem_shared>> -> memref<640xi32, #tpu.memory_space<vmem_shared>>
        tpu.wait_dma2 semaphore(%run_scoped3A_81 : memref<!tpu.dma_semaphore, #tpu.memory_space<semaphore_mem>>) src(%dma_wait3A_101 : memref<640xi32, #tpu.memory_space<vmem_shared>>) dst(%dma_wait3A_99 : memref<640xi32, #tpu.memory_space<vmem>>)
        tpu.yield
      }) : () -> ()
      %run_scoped3A_62 = arith.constant 13 : i32
      %run_scoped3A_63 = arith.constant 13 : i32
      "tpu.region"() ({
        %run_scoped3A_81 = tpu.sem_alloc : memref<!tpu.dma_semaphore, #tpu.memory_space<semaphore_mem>>
        %dma_start3A_82 = arith.constant 0 : i32
        %dma_start3A_83 = tpu.memref_slice %arg9[%run_scoped3A_63, %dma_start3A_82] : memref<16x640xi32, #tpu.memory_space<vmem>> -> memref<1x640xi32, #tpu.memory_space<vmem>>
        %dma_start3A_84 = tpu.memref_squeeze %dma_start3A_83 : memref<1x640xi32, #tpu.memory_space<vmem>> -> memref<640xi32, #tpu.memory_space<vmem>>
        %dma_start3A_85 = tpu.memref_slice %arg19[%run_scoped3A_62, %mul3A_36] : memref<16x10240xi32, #tpu.memory_space<vmem_shared>> -> memref<1x640xi32, #tpu.memory_space<vmem_shared>>
        %dma_start3A_86 = tpu.memref_squeeze %dma_start3A_85 : memref<1x640xi32, #tpu.memory_space<vmem_shared>> -> memref<640xi32, #tpu.memory_space<vmem_shared>>
        %dma_start3A_87 = arith.constant 0 : i32
        %dma_start3A_88 = tpu.memref_slice %arg9[%run_scoped3A_63, %dma_start3A_87] : memref<16x640xi32, #tpu.memory_space<vmem>> -> memref<1x640xi32, #tpu.memory_space<vmem>>
        %dma_start3A_89 = tpu.memref_squeeze %dma_start3A_88 : memref<1x640xi32, #tpu.memory_space<vmem>> -> memref<640xi32, #tpu.memory_space<vmem>>
        %dma_start3A_90 = tpu.memref_slice %arg19[%run_scoped3A_62, %mul3A_36] : memref<16x10240xi32, #tpu.memory_space<vmem_shared>> -> memref<1x640xi32, #tpu.memory_space<vmem_shared>>
        %dma_start3A_91 = tpu.memref_squeeze %dma_start3A_90 : memref<1x640xi32, #tpu.memory_space<vmem_shared>> -> memref<640xi32, #tpu.memory_space<vmem_shared>>
        tpu.enqueue_dma source(%dma_start3A_91 : memref<640xi32, #tpu.memory_space<vmem_shared>>) target(%dma_start3A_89 : memref<640xi32, #tpu.memory_space<vmem>>) target_semaphore(%run_scoped3A_81 : memref<!tpu.dma_semaphore, #tpu.memory_space<semaphore_mem>>)
        %dma_wait3A_92 = arith.constant 0 : i32
        %dma_wait3A_93 = tpu.memref_slice %arg9[%run_scoped3A_63, %dma_wait3A_92] : memref<16x640xi32, #tpu.memory_space<vmem>> -> memref<1x640xi32, #tpu.memory_space<vmem>>
        %dma_wait3A_94 = tpu.memref_squeeze %dma_wait3A_93 : memref<1x640xi32, #tpu.memory_space<vmem>> -> memref<640xi32, #tpu.memory_space<vmem>>
        %dma_wait3A_95 = tpu.memref_slice %arg19[%run_scoped3A_62, %mul3A_36] : memref<16x10240xi32, #tpu.memory_space<vmem_shared>> -> memref<1x640xi32, #tpu.memory_space<vmem_shared>>
        %dma_wait3A_96 = tpu.memref_squeeze %dma_wait3A_95 : memref<1x640xi32, #tpu.memory_space<vmem_shared>> -> memref<640xi32, #tpu.memory_space<vmem_shared>>
        %dma_wait3A_97 = arith.constant 0 : i32
        %dma_wait3A_98 = tpu.memref_slice %arg9[%run_scoped3A_63, %dma_wait3A_97] : memref<16x640xi32, #tpu.memory_space<vmem>> -> memref<1x640xi32, #tpu.memory_space<vmem>>
        %dma_wait3A_99 = tpu.memref_squeeze %dma_wait3A_98 : memref<1x640xi32, #tpu.memory_space<vmem>> -> memref<640xi32, #tpu.memory_space<vmem>>
        %dma_wait3A_100 = tpu.memref_slice %arg19[%run_scoped3A_62, %mul3A_36] : memref<16x10240xi32, #tpu.memory_space<vmem_shared>> -> memref<1x640xi32, #tpu.memory_space<vmem_shared>>
        %dma_wait3A_101 = tpu.memref_squeeze %dma_wait3A_100 : memref<1x640xi32, #tpu.memory_space<vmem_shared>> -> memref<640xi32, #tpu.memory_space<vmem_shared>>
        tpu.wait_dma2 semaphore(%run_scoped3A_81 : memref<!tpu.dma_semaphore, #tpu.memory_space<semaphore_mem>>) src(%dma_wait3A_101 : memref<640xi32, #tpu.memory_space<vmem_shared>>) dst(%dma_wait3A_99 : memref<640xi32, #tpu.memory_space<vmem>>)
        tpu.yield
      }) : () -> ()
      %run_scoped3A_64 = arith.constant 14 : i32
      %run_scoped3A_65 = arith.constant 14 : i32
      "tpu.region"() ({
        %run_scoped3A_81 = tpu.sem_alloc : memref<!tpu.dma_semaphore, #tpu.memory_space<semaphore_mem>>
        %dma_start3A_82 = arith.constant 0 : i32
        %dma_start3A_83 = tpu.memref_slice %arg9[%run_scoped3A_65, %dma_start3A_82] : memref<16x640xi32, #tpu.memory_space<vmem>> -> memref<1x640xi32, #tpu.memory_space<vmem>>
        %dma_start3A_84 = tpu.memref_squeeze %dma_start3A_83 : memref<1x640xi32, #tpu.memory_space<vmem>> -> memref<640xi32, #tpu.memory_space<vmem>>
        %dma_start3A_85 = tpu.memref_slice %arg19[%run_scoped3A_64, %mul3A_36] : memref<16x10240xi32, #tpu.memory_space<vmem_shared>> -> memref<1x640xi32, #tpu.memory_space<vmem_shared>>
        %dma_start3A_86 = tpu.memref_squeeze %dma_start3A_85 : memref<1x640xi32, #tpu.memory_space<vmem_shared>> -> memref<640xi32, #tpu.memory_space<vmem_shared>>
        %dma_start3A_87 = arith.constant 0 : i32
        %dma_start3A_88 = tpu.memref_slice %arg9[%run_scoped3A_65, %dma_start3A_87] : memref<16x640xi32, #tpu.memory_space<vmem>> -> memref<1x640xi32, #tpu.memory_space<vmem>>
        %dma_start3A_89 = tpu.memref_squeeze %dma_start3A_88 : memref<1x640xi32, #tpu.memory_space<vmem>> -> memref<640xi32, #tpu.memory_space<vmem>>
        %dma_start3A_90 = tpu.memref_slice %arg19[%run_scoped3A_64, %mul3A_36] : memref<16x10240xi32, #tpu.memory_space<vmem_shared>> -> memref<1x640xi32, #tpu.memory_space<vmem_shared>>
        %dma_start3A_91 = tpu.memref_squeeze %dma_start3A_90 : memref<1x640xi32, #tpu.memory_space<vmem_shared>> -> memref<640xi32, #tpu.memory_space<vmem_shared>>
        tpu.enqueue_dma source(%dma_start3A_91 : memref<640xi32, #tpu.memory_space<vmem_shared>>) target(%dma_start3A_89 : memref<640xi32, #tpu.memory_space<vmem>>) target_semaphore(%run_scoped3A_81 : memref<!tpu.dma_semaphore, #tpu.memory_space<semaphore_mem>>)
        %dma_wait3A_92 = arith.constant 0 : i32
        %dma_wait3A_93 = tpu.memref_slice %arg9[%run_scoped3A_65, %dma_wait3A_92] : memref<16x640xi32, #tpu.memory_space<vmem>> -> memref<1x640xi32, #tpu.memory_space<vmem>>
        %dma_wait3A_94 = tpu.memref_squeeze %dma_wait3A_93 : memref<1x640xi32, #tpu.memory_space<vmem>> -> memref<640xi32, #tpu.memory_space<vmem>>
        %dma_wait3A_95 = tpu.memref_slice %arg19[%run_scoped3A_64, %mul3A_36] : memref<16x10240xi32, #tpu.memory_space<vmem_shared>> -> memref<1x640xi32, #tpu.memory_space<vmem_shared>>
        %dma_wait3A_96 = tpu.memref_squeeze %dma_wait3A_95 : memref<1x640xi32, #tpu.memory_space<vmem_shared>> -> memref<640xi32, #tpu.memory_space<vmem_shared>>
        %dma_wait3A_97 = arith.constant 0 : i32
        %dma_wait3A_98 = tpu.memref_slice %arg9[%run_scoped3A_65, %dma_wait3A_97] : memref<16x640xi32, #tpu.memory_space<vmem>> -> memref<1x640xi32, #tpu.memory_space<vmem>>
        %dma_wait3A_99 = tpu.memref_squeeze %dma_wait3A_98 : memref<1x640xi32, #tpu.memory_space<vmem>> -> memref<640xi32, #tpu.memory_space<vmem>>
        %dma_wait3A_100 = tpu.memref_slice %arg19[%run_scoped3A_64, %mul3A_36] : memref<16x10240xi32, #tpu.memory_space<vmem_shared>> -> memref<1x640xi32, #tpu.memory_space<vmem_shared>>
        %dma_wait3A_101 = tpu.memref_squeeze %dma_wait3A_100 : memref<1x640xi32, #tpu.memory_space<vmem_shared>> -> memref<640xi32, #tpu.memory_space<vmem_shared>>
        tpu.wait_dma2 semaphore(%run_scoped3A_81 : memref<!tpu.dma_semaphore, #tpu.memory_space<semaphore_mem>>) src(%dma_wait3A_101 : memref<640xi32, #tpu.memory_space<vmem_shared>>) dst(%dma_wait3A_99 : memref<640xi32, #tpu.memory_space<vmem>>)
        tpu.yield
      }) : () -> ()
      %run_scoped3A_66 = arith.constant 15 : i32
      %run_scoped3A_67 = arith.constant 15 : i32
      "tpu.region"() ({
        %run_scoped3A_81 = tpu.sem_alloc : memref<!tpu.dma_semaphore, #tpu.memory_space<semaphore_mem>>
        %dma_start3A_82 = arith.constant 0 : i32
        %dma_start3A_83 = tpu.memref_slice %arg9[%run_scoped3A_67, %dma_start3A_82] : memref<16x640xi32, #tpu.memory_space<vmem>> -> memref<1x640xi32, #tpu.memory_space<vmem>>
        %dma_start3A_84 = tpu.memref_squeeze %dma_start3A_83 : memref<1x640xi32, #tpu.memory_space<vmem>> -> memref<640xi32, #tpu.memory_space<vmem>>
        %dma_start3A_85 = tpu.memref_slice %arg19[%run_scoped3A_66, %mul3A_36] : memref<16x10240xi32, #tpu.memory_space<vmem_shared>> -> memref<1x640xi32, #tpu.memory_space<vmem_shared>>
        %dma_start3A_86 = tpu.memref_squeeze %dma_start3A_85 : memref<1x640xi32, #tpu.memory_space<vmem_shared>> -> memref<640xi32, #tpu.memory_space<vmem_shared>>
        %dma_start3A_87 = arith.constant 0 : i32
        %dma_start3A_88 = tpu.memref_slice %arg9[%run_scoped3A_67, %dma_start3A_87] : memref<16x640xi32, #tpu.memory_space<vmem>> -> memref<1x640xi32, #tpu.memory_space<vmem>>
        %dma_start3A_89 = tpu.memref_squeeze %dma_start3A_88 : memref<1x640xi32, #tpu.memory_space<vmem>> -> memref<640xi32, #tpu.memory_space<vmem>>
        %dma_start3A_90 = tpu.memref_slice %arg19[%run_scoped3A_66, %mul3A_36] : memref<16x10240xi32, #tpu.memory_space<vmem_shared>> -> memref<1x640xi32, #tpu.memory_space<vmem_shared>>
        %dma_start3A_91 = tpu.memref_squeeze %dma_start3A_90 : memref<1x640xi32, #tpu.memory_space<vmem_shared>> -> memref<640xi32, #tpu.memory_space<vmem_shared>>
        tpu.enqueue_dma source(%dma_start3A_91 : memref<640xi32, #tpu.memory_space<vmem_shared>>) target(%dma_start3A_89 : memref<640xi32, #tpu.memory_space<vmem>>) target_semaphore(%run_scoped3A_81 : memref<!tpu.dma_semaphore, #tpu.memory_space<semaphore_mem>>)
        %dma_wait3A_92 = arith.constant 0 : i32
        %dma_wait3A_93 = tpu.memref_slice %arg9[%run_scoped3A_67, %dma_wait3A_92] : memref<16x640xi32, #tpu.memory_space<vmem>> -> memref<1x640xi32, #tpu.memory_space<vmem>>
        %dma_wait3A_94 = tpu.memref_squeeze %dma_wait3A_93 : memref<1x640xi32, #tpu.memory_space<vmem>> -> memref<640xi32, #tpu.memory_space<vmem>>
        %dma_wait3A_95 = tpu.memref_slice %arg19[%run_scoped3A_66, %mul3A_36] : memref<16x10240xi32, #tpu.memory_space<vmem_shared>> -> memref<1x640xi32, #tpu.memory_space<vmem_shared>>
        %dma_wait3A_96 = tpu.memref_squeeze %dma_wait3A_95 : memref<1x640xi32, #tpu.memory_space<vmem_shared>> -> memref<640xi32, #tpu.memory_space<vmem_shared>>
        %dma_wait3A_97 = arith.constant 0 : i32
        %dma_wait3A_98 = tpu.memref_slice %arg9[%run_scoped3A_67, %dma_wait3A_97] : memref<16x640xi32, #tpu.memory_space<vmem>> -> memref<1x640xi32, #tpu.memory_space<vmem>>
        %dma_wait3A_99 = tpu.memref_squeeze %dma_wait3A_98 : memref<1x640xi32, #tpu.memory_space<vmem>> -> memref<640xi32, #tpu.memory_space<vmem>>
        %dma_wait3A_100 = tpu.memref_slice %arg19[%run_scoped3A_66, %mul3A_36] : memref<16x10240xi32, #tpu.memory_space<vmem_shared>> -> memref<1x640xi32, #tpu.memory_space<vmem_shared>>
        %dma_wait3A_101 = tpu.memref_squeeze %dma_wait3A_100 : memref<1x640xi32, #tpu.memory_space<vmem_shared>> -> memref<640xi32, #tpu.memory_space<vmem_shared>>
        tpu.wait_dma2 semaphore(%run_scoped3A_81 : memref<!tpu.dma_semaphore, #tpu.memory_space<semaphore_mem>>) src(%dma_wait3A_101 : memref<640xi32, #tpu.memory_space<vmem_shared>>) dst(%dma_wait3A_99 : memref<640xi32, #tpu.memory_space<vmem>>)
        tpu.yield
      }) : () -> ()
      %scan3A_68 = arith.constant 0 : i32
      %scan3A_69 = arith.constant 0 : i32
      %scan3A_70 = arith.constant 40 : i32
      %scan3A_71 = arith.addi %scan3A_69, %scan3A_70 : i32
      %scan3A_72 = arith.constant 4 : i32
      scf.for %scan3A_81 = %scan3A_69 to %scan3A_71 step %scan3A_72  : i32 {
        %mul3A_82 = arith.constant 16 : i32
        %mul3A_83 = arith.muli %scan3A_81, %mul3A_82 : i32
        %get3A_84 = arith.constant 0 : i32
        %get3A_85 = arith.index_cast %get3A_84 : i32 to index
        %get3A_86 = arith.index_cast %mul3A_83 : i32 to index
        %get3A_87 = tpu.vector_load %arg9[%get3A_85, %get3A_86] {strides = array<i32>} : memref<16x640xi32, #tpu.memory_space<vmem>>, vector<16xi32>,
        %mul3A_88 = arith.constant 16 : i32
        %mul3A_89 = arith.muli %scan3A_81, %mul3A_88 : i32
        %get3A_90 = arith.constant 1 : i32
        %get3A_91 = arith.index_cast %get3A_90 : i32 to index
        %get3A_92 = arith.index_cast %mul3A_89 : i32 to index
        %get3A_93 = tpu.vector_load %arg9[%get3A_91, %get3A_92] {strides = array<i32>} : memref<16x640xi32, #tpu.memory_space<vmem>>, vector<16xi32>,
        %add3A = arith.addi %get3A_87, %get3A_93 : vector<16xi32>
        %mul3A_94 = arith.constant 16 : i32
        %mul3A_95 = arith.muli %scan3A_81, %mul3A_94 : i32
        %get3A_96 = arith.constant 2 : i32
        %get3A_97 = arith.index_cast %get3A_96 : i32 to index
        %get3A_98 = arith.index_cast %mul3A_95 : i32 to index
        %get3A_99 = tpu.vector_load %arg9[%get3A_97, %get3A_98] {strides = array<i32>} : memref<16x640xi32, #tpu.memory_space<vmem>>, vector<16xi32>,
        %add3A_100 = arith.addi %add3A, %get3A_99 : vector<16xi32>
        %mul3A_101 = arith.constant 16 : i32
        %mul3A_102 = arith.muli %scan3A_81, %mul3A_101 : i32
        %get3A_103 = arith.constant 3 : i32
        %get3A_104 = arith.index_cast %get3A_103 : i32 to index
        %get3A_105 = arith.index_cast %mul3A_102 : i32 to index
        %get3A_106 = tpu.vector_load %arg9[%get3A_104, %get3A_105] {strides = array<i32>} : memref<16x640xi32, #tpu.memory_space<vmem>>, vector<16xi32>,
        %add3A_107 = arith.addi %add3A_100, %get3A_106 : vector<16xi32>
        %mul3A_108 = arith.constant 16 : i32
        %mul3A_109 = arith.muli %scan3A_81, %mul3A_108 : i32
        %get3A_110 = arith.constant 4 : i32
        %get3A_111 = arith.index_cast %get3A_110 : i32 to index
        %get3A_112 = arith.index_cast %mul3A_109 : i32 to index
        %get3A_113 = tpu.vector_load %arg9[%get3A_111, %get3A_112] {strides = array<i32>} : memref<16x640xi32, #tpu.memory_space<vmem>>, vector<16xi32>,
        %add3A_114 = arith.addi %add3A_107, %get3A_113 : vector<16xi32>
        %mul3A_115 = arith.constant 16 : i32
        %mul3A_116 = arith.muli %scan3A_81, %mul3A_115 : i32
        %get3A_117 = arith.constant 5 : i32
        %get3A_118 = arith.index_cast %get3A_117 : i32 to index
        %get3A_119 = arith.index_cast %mul3A_116 : i32 to index
        %get3A_120 = tpu.vector_load %arg9[%get3A_118, %get3A_119] {strides = array<i32>} : memref<16x640xi32, #tpu.memory_space<vmem>>, vector<16xi32>,
        %add3A_121 = arith.addi %add3A_114, %get3A_120 : vector<16xi32>
        %mul3A_122 = arith.constant 16 : i32
        %mul3A_123 = arith.muli %scan3A_81, %mul3A_122 : i32
        %get3A_124 = arith.constant 6 : i32
        %get3A_125 = arith.index_cast %get3A_124 : i32 to index
        %get3A_126 = arith.index_cast %mul3A_123 : i32 to index
        %get3A_127 = tpu.vector_load %arg9[%get3A_125, %get3A_126] {strides = array<i32>} : memref<16x640xi32, #tpu.memory_space<vmem>>, vector<16xi32>,
        %add3A_128 = arith.addi %add3A_121, %get3A_127 : vector<16xi32>
        %mul3A_129 = arith.constant 16 : i32
        %mul3A_130 = arith.muli %scan3A_81, %mul3A_129 : i32
        %get3A_131 = arith.constant 7 : i32
        %get3A_132 = arith.index_cast %get3A_131 : i32 to index
        %get3A_133 = arith.index_cast %mul3A_130 : i32 to index
        %get3A_134 = tpu.vector_load %arg9[%get3A_132, %get3A_133] {strides = array<i32>} : memref<16x640xi32, #tpu.memory_space<vmem>>, vector<16xi32>,
        %add3A_135 = arith.addi %add3A_128, %get3A_134 : vector<16xi32>
        %mul3A_136 = arith.constant 16 : i32
        %mul3A_137 = arith.muli %scan3A_81, %mul3A_136 : i32
        %get3A_138 = arith.constant 8 : i32
        %get3A_139 = arith.index_cast %get3A_138 : i32 to index
        %get3A_140 = arith.index_cast %mul3A_137 : i32 to index
        %get3A_141 = tpu.vector_load %arg9[%get3A_139, %get3A_140] {strides = array<i32>} : memref<16x640xi32, #tpu.memory_space<vmem>>, vector<16xi32>,
        %add3A_142 = arith.addi %add3A_135, %get3A_141 : vector<16xi32>
        %mul3A_143 = arith.constant 16 : i32
        %mul3A_144 = arith.muli %scan3A_81, %mul3A_143 : i32
        %get3A_145 = arith.constant 9 : i32
        %get3A_146 = arith.index_cast %get3A_145 : i32 to index
        %get3A_147 = arith.index_cast %mul3A_144 : i32 to index
        %get3A_148 = tpu.vector_load %arg9[%get3A_146, %get3A_147] {strides = array<i32>} : memref<16x640xi32, #tpu.memory_space<vmem>>, vector<16xi32>,
        %add3A_149 = arith.addi %add3A_142, %get3A_148 : vector<16xi32>
        %mul3A_150 = arith.constant 16 : i32
        %mul3A_151 = arith.muli %scan3A_81, %mul3A_150 : i32
        %get3A_152 = arith.constant 10 : i32
        %get3A_153 = arith.index_cast %get3A_152 : i32 to index
        %get3A_154 = arith.index_cast %mul3A_151 : i32 to index
        %get3A_155 = tpu.vector_load %arg9[%get3A_153, %get3A_154] {strides = array<i32>} : memref<16x640xi32, #tpu.memory_space<vmem>>, vector<16xi32>,
        %add3A_156 = arith.addi %add3A_149, %get3A_155 : vector<16xi32>
        %mul3A_157 = arith.constant 16 : i32
        %mul3A_158 = arith.muli %scan3A_81, %mul3A_157 : i32
        %get3A_159 = arith.constant 11 : i32
        %get3A_160 = arith.index_cast %get3A_159 : i32 to index
        %get3A_161 = arith.index_cast %mul3A_158 : i32 to index
        %get3A_162 = tpu.vector_load %arg9[%get3A_160, %get3A_161] {strides = array<i32>} : memref<16x640xi32, #tpu.memory_space<vmem>>, vector<16xi32>,
        %add3A_163 = arith.addi %add3A_156, %get3A_162 : vector<16xi32>
        %mul3A_164 = arith.constant 16 : i32
        %mul3A_165 = arith.muli %scan3A_81, %mul3A_164 : i32
        %get3A_166 = arith.constant 12 : i32
        %get3A_167 = arith.index_cast %get3A_166 : i32 to index
        %get3A_168 = arith.index_cast %mul3A_165 : i32 to index
        %get3A_169 = tpu.vector_load %arg9[%get3A_167, %get3A_168] {strides = array<i32>} : memref<16x640xi32, #tpu.memory_space<vmem>>, vector<16xi32>,
        %add3A_170 = arith.addi %add3A_163, %get3A_169 : vector<16xi32>
        %mul3A_171 = arith.constant 16 : i32
        %mul3A_172 = arith.muli %scan3A_81, %mul3A_171 : i32
        %get3A_173 = arith.constant 13 : i32
        %get3A_174 = arith.index_cast %get3A_173 : i32 to index
        %get3A_175 = arith.index_cast %mul3A_172 : i32 to index
        %get3A_176 = tpu.vector_load %arg9[%get3A_174, %get3A_175] {strides = array<i32>} : memref<16x640xi32, #tpu.memory_space<vmem>>, vector<16xi32>,
        %add3A_177 = arith.addi %add3A_170, %get3A_176 : vector<16xi32>
        %mul3A_178 = arith.constant 16 : i32
        %mul3A_179 = arith.muli %scan3A_81, %mul3A_178 : i32
        %get3A_180 = arith.constant 14 : i32
        %get3A_181 = arith.index_cast %get3A_180 : i32 to index
        %get3A_182 = arith.index_cast %mul3A_179 : i32 to index
        %get3A_183 = tpu.vector_load %arg9[%get3A_181, %get3A_182] {strides = array<i32>} : memref<16x640xi32, #tpu.memory_space<vmem>>, vector<16xi32>,
        %add3A_184 = arith.addi %add3A_177, %get3A_183 : vector<16xi32>
        %mul3A_185 = arith.constant 16 : i32
        %mul3A_186 = arith.muli %scan3A_81, %mul3A_185 : i32
        %get3A_187 = arith.constant 15 : i32
        %get3A_188 = arith.index_cast %get3A_187 : i32 to index
        %get3A_189 = arith.index_cast %mul3A_186 : i32 to index
        %get3A_190 = tpu.vector_load %arg9[%get3A_188, %get3A_189] {strides = array<i32>} : memref<16x640xi32, #tpu.memory_space<vmem>>, vector<16xi32>,
        %add3A_191 = arith.addi %add3A_184, %get3A_190 : vector<16xi32>
        %mul3A_192 = arith.constant 16 : i32
        %mul3A_193 = arith.muli %scan3A_81, %mul3A_192 : i32
        %swap3A = arith.constant 0 : i32
        %swap3A_194 = arith.index_cast %swap3A : i32 to index
        %swap3A_195 = arith.index_cast %mul3A_193 : i32 to index
        %swap3A_196 = tpu.vector_load %arg9[%swap3A_194, %swap3A_195] {strides = array<i32>} : memref<16x640xi32, #tpu.memory_space<vmem>>, vector<16xi32>,
        tpu.vector_store %arg9[%swap3A_194, %swap3A_195], %add3A_191 {strides = array<i32>} : memref<16x640xi32, #tpu.memory_space<vmem>>, vector<16xi32>,
        %scan3A_197 = arith.constant 1 : i32
        %scan3A_198 = arith.addi %scan3A_81, %scan3A_197 : i32
        %mul3A_199 = arith.constant 16 : i32
        %mul3A_200 = arith.muli %scan3A_198, %mul3A_199 : i32
        %get3A_201 = arith.constant 0 : i32
        %get3A_202 = arith.index_cast %get3A_201 : i32 to index
        %get3A_203 = arith.index_cast %mul3A_200 : i32 to index
        %get3A_204 = tpu.vector_load %arg9[%get3A_202, %get3A_203] {strides = array<i32>} : memref<16x640xi32, #tpu.memory_space<vmem>>, vector<16xi32>,
        %mul3A_205 = arith.constant 16 : i32
        %mul3A_206 = arith.muli %scan3A_198, %mul3A_205 : i32
        %get3A_207 = arith.constant 1 : i32
        %get3A_208 = arith.index_cast %get3A_207 : i32 to index
        %get3A_209 = arith.index_cast %mul3A_206 : i32 to index
        %get3A_210 = tpu.vector_load %arg9[%get3A_208, %get3A_209] {strides = array<i32>} : memref<16x640xi32, #tpu.memory_space<vmem>>, vector<16xi32>,
        %add3A_211 = arith.addi %get3A_204, %get3A_210 : vector<16xi32>
        %mul3A_212 = arith.constant 16 : i32
        %mul3A_213 = arith.muli %scan3A_198, %mul3A_212 : i32
        %get3A_214 = arith.constant 2 : i32
        %get3A_215 = arith.index_cast %get3A_214 : i32 to index
        %get3A_216 = arith.index_cast %mul3A_213 : i32 to index
        %get3A_217 = tpu.vector_load %arg9[%get3A_215, %get3A_216] {strides = array<i32>} : memref<16x640xi32, #tpu.memory_space<vmem>>, vector<16xi32>,
        %add3A_218 = arith.addi %add3A_211, %get3A_217 : vector<16xi32>
        %mul3A_219 = arith.constant 16 : i32
        %mul3A_220 = arith.muli %scan3A_198, %mul3A_219 : i32
        %get3A_221 = arith.constant 3 : i32
        %get3A_222 = arith.index_cast %get3A_221 : i32 to index
        %get3A_223 = arith.index_cast %mul3A_220 : i32 to index
        %get3A_224 = tpu.vector_load %arg9[%get3A_222, %get3A_223] {strides = array<i32>} : memref<16x640xi32, #tpu.memory_space<vmem>>, vector<16xi32>,
        %add3A_225 = arith.addi %add3A_218, %get3A_224 : vector<16xi32>
        %mul3A_226 = arith.constant 16 : i32
        %mul3A_227 = arith.muli %scan3A_198, %mul3A_226 : i32
        %get3A_228 = arith.constant 4 : i32
        %get3A_229 = arith.index_cast %get3A_228 : i32 to index
        %get3A_230 = arith.index_cast %mul3A_227 : i32 to index
        %get3A_231 = tpu.vector_load %arg9[%get3A_229, %get3A_230] {strides = array<i32>} : memref<16x640xi32, #tpu.memory_space<vmem>>, vector<16xi32>,
        %add3A_232 = arith.addi %add3A_225, %get3A_231 : vector<16xi32>
        %mul3A_233 = arith.constant 16 : i32
        %mul3A_234 = arith.muli %scan3A_198, %mul3A_233 : i32
        %get3A_235 = arith.constant 5 : i32
        %get3A_236 = arith.index_cast %get3A_235 : i32 to index
        %get3A_237 = arith.index_cast %mul3A_234 : i32 to index
        %get3A_238 = tpu.vector_load %arg9[%get3A_236, %get3A_237] {strides = array<i32>} : memref<16x640xi32, #tpu.memory_space<vmem>>, vector<16xi32>,
        %add3A_239 = arith.addi %add3A_232, %get3A_238 : vector<16xi32>
        %mul3A_240 = arith.constant 16 : i32
        %mul3A_241 = arith.muli %scan3A_198, %mul3A_240 : i32
        %get3A_242 = arith.constant 6 : i32
        %get3A_243 = arith.index_cast %get3A_242 : i32 to index
        %get3A_244 = arith.index_cast %mul3A_241 : i32 to index
        %get3A_245 = tpu.vector_load %arg9[%get3A_243, %get3A_244] {strides = array<i32>} : memref<16x640xi32, #tpu.memory_space<vmem>>, vector<16xi32>,
        %add3A_246 = arith.addi %add3A_239, %get3A_245 : vector<16xi32>
        %mul3A_247 = arith.constant 16 : i32
        %mul3A_248 = arith.muli %scan3A_198, %mul3A_247 : i32
        %get3A_249 = arith.constant 7 : i32
        %get3A_250 = arith.index_cast %get3A_249 : i32 to index
        %get3A_251 = arith.index_cast %mul3A_248 : i32 to index
        %get3A_252 = tpu.vector_load %arg9[%get3A_250, %get3A_251] {strides = array<i32>} : memref<16x640xi32, #tpu.memory_space<vmem>>, vector<16xi32>,
        %add3A_253 = arith.addi %add3A_246, %get3A_252 : vector<16xi32>
        %mul3A_254 = arith.constant 16 : i32
        %mul3A_255 = arith.muli %scan3A_198, %mul3A_254 : i32
        %get3A_256 = arith.constant 8 : i32
        %get3A_257 = arith.index_cast %get3A_256 : i32 to index
        %get3A_258 = arith.index_cast %mul3A_255 : i32 to index
        %get3A_259 = tpu.vector_load %arg9[%get3A_257, %get3A_258] {strides = array<i32>} : memref<16x640xi32, #tpu.memory_space<vmem>>, vector<16xi32>,
        %add3A_260 = arith.addi %add3A_253, %get3A_259 : vector<16xi32>
        %mul3A_261 = arith.constant 16 : i32
        %mul3A_262 = arith.muli %scan3A_198, %mul3A_261 : i32
        %get3A_263 = arith.constant 9 : i32
        %get3A_264 = arith.index_cast %get3A_263 : i32 to index
        %get3A_265 = arith.index_cast %mul3A_262 : i32 to index
        %get3A_266 = tpu.vector_load %arg9[%get3A_264, %get3A_265] {strides = array<i32>} : memref<16x640xi32, #tpu.memory_space<vmem>>, vector<16xi32>,
        %add3A_267 = arith.addi %add3A_260, %get3A_266 : vector<16xi32>
        %mul3A_268 = arith.constant 16 : i32
        %mul3A_269 = arith.muli %scan3A_198, %mul3A_268 : i32
        %get3A_270 = arith.constant 10 : i32
        %get3A_271 = arith.index_cast %get3A_270 : i32 to index
        %get3A_272 = arith.index_cast %mul3A_269 : i32 to index
        %get3A_273 = tpu.vector_load %arg9[%get3A_271, %get3A_272] {strides = array<i32>} : memref<16x640xi32, #tpu.memory_space<vmem>>, vector<16xi32>,
        %add3A_274 = arith.addi %add3A_267, %get3A_273 : vector<16xi32>
        %mul3A_275 = arith.constant 16 : i32
        %mul3A_276 = arith.muli %scan3A_198, %mul3A_275 : i32
        %get3A_277 = arith.constant 11 : i32
        %get3A_278 = arith.index_cast %get3A_277 : i32 to index
        %get3A_279 = arith.index_cast %mul3A_276 : i32 to index
        %get3A_280 = tpu.vector_load %arg9[%get3A_278, %get3A_279] {strides = array<i32>} : memref<16x640xi32, #tpu.memory_space<vmem>>, vector<16xi32>,
        %add3A_281 = arith.addi %add3A_274, %get3A_280 : vector<16xi32>
        %mul3A_282 = arith.constant 16 : i32
        %mul3A_283 = arith.muli %scan3A_198, %mul3A_282 : i32
        %get3A_284 = arith.constant 12 : i32
        %get3A_285 = arith.index_cast %get3A_284 : i32 to index
        %get3A_286 = arith.index_cast %mul3A_283 : i32 to index
        %get3A_287 = tpu.vector_load %arg9[%get3A_285, %get3A_286] {strides = array<i32>} : memref<16x640xi32, #tpu.memory_space<vmem>>, vector<16xi32>,
        %add3A_288 = arith.addi %add3A_281, %get3A_287 : vector<16xi32>
        %mul3A_289 = arith.constant 16 : i32
        %mul3A_290 = arith.muli %scan3A_198, %mul3A_289 : i32
        %get3A_291 = arith.constant 13 : i32
        %get3A_292 = arith.index_cast %get3A_291 : i32 to index
        %get3A_293 = arith.index_cast %mul3A_290 : i32 to index
        %get3A_294 = tpu.vector_load %arg9[%get3A_292, %get3A_293] {strides = array<i32>} : memref<16x640xi32, #tpu.memory_space<vmem>>, vector<16xi32>,
        %add3A_295 = arith.addi %add3A_288, %get3A_294 : vector<16xi32>
        %mul3A_296 = arith.constant 16 : i32
        %mul3A_297 = arith.muli %scan3A_198, %mul3A_296 : i32
        %get3A_298 = arith.constant 14 : i32
        %get3A_299 = arith.index_cast %get3A_298 : i32 to index
        %get3A_300 = arith.index_cast %mul3A_297 : i32 to index
        %get3A_301 = tpu.vector_load %arg9[%get3A_299, %get3A_300] {strides = array<i32>} : memref<16x640xi32, #tpu.memory_space<vmem>>, vector<16xi32>,
        %add3A_302 = arith.addi %add3A_295, %get3A_301 : vector<16xi32>
        %mul3A_303 = arith.constant 16 : i32
        %mul3A_304 = arith.muli %scan3A_198, %mul3A_303 : i32
        %get3A_305 = arith.constant 15 : i32
        %get3A_306 = arith.index_cast %get3A_305 : i32 to index
        %get3A_307 = arith.index_cast %mul3A_304 : i32 to index
        %get3A_308 = tpu.vector_load %arg9[%get3A_306, %get3A_307] {strides = array<i32>} : memref<16x640xi32, #tpu.memory_space<vmem>>, vector<16xi32>,
        %add3A_309 = arith.addi %add3A_302, %get3A_308 : vector<16xi32>
        %mul3A_310 = arith.constant 16 : i32
        %mul3A_311 = arith.muli %scan3A_198, %mul3A_310 : i32
        %swap3A_312 = arith.constant 0 : i32
        %swap3A_313 = arith.index_cast %swap3A_312 : i32 to index
        %swap3A_314 = arith.index_cast %mul3A_311 : i32 to index
        %swap3A_315 = tpu.vector_load %arg9[%swap3A_313, %swap3A_314] {strides = array<i32>} : memref<16x640xi32, #tpu.memory_space<vmem>>, vector<16xi32>,
        tpu.vector_store %arg9[%swap3A_313, %swap3A_314], %add3A_309 {strides = array<i32>} : memref<16x640xi32, #tpu.memory_space<vmem>>, vector<16xi32>,
        %scan3A_316 = arith.constant 2 : i32
        %scan3A_317 = arith.addi %scan3A_81, %scan3A_316 : i32
        %mul3A_318 = arith.constant 16 : i32
        %mul3A_319 = arith.muli %scan3A_317, %mul3A_318 : i32
        %get3A_320 = arith.constant 0 : i32
        %get3A_321 = arith.index_cast %get3A_320 : i32 to index
        %get3A_322 = arith.index_cast %mul3A_319 : i32 to index
        %get3A_323 = tpu.vector_load %arg9[%get3A_321, %get3A_322] {strides = array<i32>} : memref<16x640xi32, #tpu.memory_space<vmem>>, vector<16xi32>,
        %mul3A_324 = arith.constant 16 : i32
        %mul3A_325 = arith.muli %scan3A_317, %mul3A_324 : i32
        %get3A_326 = arith.constant 1 : i32
        %get3A_327 = arith.index_cast %get3A_326 : i32 to index
        %get3A_328 = arith.index_cast %mul3A_325 : i32 to index
        %get3A_329 = tpu.vector_load %arg9[%get3A_327, %get3A_328] {strides = array<i32>} : memref<16x640xi32, #tpu.memory_space<vmem>>, vector<16xi32>,
        %add3A_330 = arith.addi %get3A_323, %get3A_329 : vector<16xi32>
        %mul3A_331 = arith.constant 16 : i32
        %mul3A_332 = arith.muli %scan3A_317, %mul3A_331 : i32
        %get3A_333 = arith.constant 2 : i32
        %get3A_334 = arith.index_cast %get3A_333 : i32 to index
        %get3A_335 = arith.index_cast %mul3A_332 : i32 to index
        %get3A_336 = tpu.vector_load %arg9[%get3A_334, %get3A_335] {strides = array<i32>} : memref<16x640xi32, #tpu.memory_space<vmem>>, vector<16xi32>,
        %add3A_337 = arith.addi %add3A_330, %get3A_336 : vector<16xi32>
        %mul3A_338 = arith.constant 16 : i32
        %mul3A_339 = arith.muli %scan3A_317, %mul3A_338 : i32
        %get3A_340 = arith.constant 3 : i32
        %get3A_341 = arith.index_cast %get3A_340 : i32 to index
        %get3A_342 = arith.index_cast %mul3A_339 : i32 to index
        %get3A_343 = tpu.vector_load %arg9[%get3A_341, %get3A_342] {strides = array<i32>} : memref<16x640xi32, #tpu.memory_space<vmem>>, vector<16xi32>,
        %add3A_344 = arith.addi %add3A_337, %get3A_343 : vector<16xi32>
        %mul3A_345 = arith.constant 16 : i32
        %mul3A_346 = arith.muli %scan3A_317, %mul3A_345 : i32
        %get3A_347 = arith.constant 4 : i32
        %get3A_348 = arith.index_cast %get3A_347 : i32 to index
        %get3A_349 = arith.index_cast %mul3A_346 : i32 to index
        %get3A_350 = tpu.vector_load %arg9[%get3A_348, %get3A_349] {strides = array<i32>} : memref<16x640xi32, #tpu.memory_space<vmem>>, vector<16xi32>,
        %add3A_351 = arith.addi %add3A_344, %get3A_350 : vector<16xi32>
        %mul3A_352 = arith.constant 16 : i32
        %mul3A_353 = arith.muli %scan3A_317, %mul3A_352 : i32
        %get3A_354 = arith.constant 5 : i32
        %get3A_355 = arith.index_cast %get3A_354 : i32 to index
        %get3A_356 = arith.index_cast %mul3A_353 : i32 to index
        %get3A_357 = tpu.vector_load %arg9[%get3A_355, %get3A_356] {strides = array<i32>} : memref<16x640xi32, #tpu.memory_space<vmem>>, vector<16xi32>,
        %add3A_358 = arith.addi %add3A_351, %get3A_357 : vector<16xi32>
        %mul3A_359 = arith.constant 16 : i32
        %mul3A_360 = arith.muli %scan3A_317, %mul3A_359 : i32
        %get3A_361 = arith.constant 6 : i32
        %get3A_362 = arith.index_cast %get3A_361 : i32 to index
        %get3A_363 = arith.index_cast %mul3A_360 : i32 to index
        %get3A_364 = tpu.vector_load %arg9[%get3A_362, %get3A_363] {strides = array<i32>} : memref<16x640xi32, #tpu.memory_space<vmem>>, vector<16xi32>,
        %add3A_365 = arith.addi %add3A_358, %get3A_364 : vector<16xi32>
        %mul3A_366 = arith.constant 16 : i32
        %mul3A_367 = arith.muli %scan3A_317, %mul3A_366 : i32
        %get3A_368 = arith.constant 7 : i32
        %get3A_369 = arith.index_cast %get3A_368 : i32 to index
        %get3A_370 = arith.index_cast %mul3A_367 : i32 to index
        %get3A_371 = tpu.vector_load %arg9[%get3A_369, %get3A_370] {strides = array<i32>} : memref<16x640xi32, #tpu.memory_space<vmem>>, vector<16xi32>,
        %add3A_372 = arith.addi %add3A_365, %get3A_371 : vector<16xi32>
        %mul3A_373 = arith.constant 16 : i32
        %mul3A_374 = arith.muli %scan3A_317, %mul3A_373 : i32
        %get3A_375 = arith.constant 8 : i32
        %get3A_376 = arith.index_cast %get3A_375 : i32 to index
        %get3A_377 = arith.index_cast %mul3A_374 : i32 to index
        %get3A_378 = tpu.vector_load %arg9[%get3A_376, %get3A_377] {strides = array<i32>} : memref<16x640xi32, #tpu.memory_space<vmem>>, vector<16xi32>,
        %add3A_379 = arith.addi %add3A_372, %get3A_378 : vector<16xi32>
        %mul3A_380 = arith.constant 16 : i32
        %mul3A_381 = arith.muli %scan3A_317, %mul3A_380 : i32
        %get3A_382 = arith.constant 9 : i32
        %get3A_383 = arith.index_cast %get3A_382 : i32 to index
        %get3A_384 = arith.index_cast %mul3A_381 : i32 to index
        %get3A_385 = tpu.vector_load %arg9[%get3A_383, %get3A_384] {strides = array<i32>} : memref<16x640xi32, #tpu.memory_space<vmem>>, vector<16xi32>,
        %add3A_386 = arith.addi %add3A_379, %get3A_385 : vector<16xi32>
        %mul3A_387 = arith.constant 16 : i32
        %mul3A_388 = arith.muli %scan3A_317, %mul3A_387 : i32
        %get3A_389 = arith.constant 10 : i32
        %get3A_390 = arith.index_cast %get3A_389 : i32 to index
        %get3A_391 = arith.index_cast %mul3A_388 : i32 to index
        %get3A_392 = tpu.vector_load %arg9[%get3A_390, %get3A_391] {strides = array<i32>} : memref<16x640xi32, #tpu.memory_space<vmem>>, vector<16xi32>,
        %add3A_393 = arith.addi %add3A_386, %get3A_392 : vector<16xi32>
        %mul3A_394 = arith.constant 16 : i32
        %mul3A_395 = arith.muli %scan3A_317, %mul3A_394 : i32
        %get3A_396 = arith.constant 11 : i32
        %get3A_397 = arith.index_cast %get3A_396 : i32 to index
        %get3A_398 = arith.index_cast %mul3A_395 : i32 to index
        %get3A_399 = tpu.vector_load %arg9[%get3A_397, %get3A_398] {strides = array<i32>} : memref<16x640xi32, #tpu.memory_space<vmem>>, vector<16xi32>,
        %add3A_400 = arith.addi %add3A_393, %get3A_399 : vector<16xi32>
        %mul3A_401 = arith.constant 16 : i32
        %mul3A_402 = arith.muli %scan3A_317, %mul3A_401 : i32
        %get3A_403 = arith.constant 12 : i32
        %get3A_404 = arith.index_cast %get3A_403 : i32 to index
        %get3A_405 = arith.index_cast %mul3A_402 : i32 to index
        %get3A_406 = tpu.vector_load %arg9[%get3A_404, %get3A_405] {strides = array<i32>} : memref<16x640xi32, #tpu.memory_space<vmem>>, vector<16xi32>,
        %add3A_407 = arith.addi %add3A_400, %get3A_406 : vector<16xi32>
        %mul3A_408 = arith.constant 16 : i32
        %mul3A_409 = arith.muli %scan3A_317, %mul3A_408 : i32
        %get3A_410 = arith.constant 13 : i32
        %get3A_411 = arith.index_cast %get3A_410 : i32 to index
        %get3A_412 = arith.index_cast %mul3A_409 : i32 to index
        %get3A_413 = tpu.vector_load %arg9[%get3A_411, %get3A_412] {strides = array<i32>} : memref<16x640xi32, #tpu.memory_space<vmem>>, vector<16xi32>,
        %add3A_414 = arith.addi %add3A_407, %get3A_413 : vector<16xi32>
        %mul3A_415 = arith.constant 16 : i32
        %mul3A_416 = arith.muli %scan3A_317, %mul3A_415 : i32
        %get3A_417 = arith.constant 14 : i32
        %get3A_418 = arith.index_cast %get3A_417 : i32 to index
        %get3A_419 = arith.index_cast %mul3A_416 : i32 to index
        %get3A_420 = tpu.vector_load %arg9[%get3A_418, %get3A_419] {strides = array<i32>} : memref<16x640xi32, #tpu.memory_space<vmem>>, vector<16xi32>,
        %add3A_421 = arith.addi %add3A_414, %get3A_420 : vector<16xi32>
        %mul3A_422 = arith.constant 16 : i32
        %mul3A_423 = arith.muli %scan3A_317, %mul3A_422 : i32
        %get3A_424 = arith.constant 15 : i32
        %get3A_425 = arith.index_cast %get3A_424 : i32 to index
        %get3A_426 = arith.index_cast %mul3A_423 : i32 to index
        %get3A_427 = tpu.vector_load %arg9[%get3A_425, %get3A_426] {strides = array<i32>} : memref<16x640xi32, #tpu.memory_space<vmem>>, vector<16xi32>,
        %add3A_428 = arith.addi %add3A_421, %get3A_427 : vector<16xi32>
        %mul3A_429 = arith.constant 16 : i32
        %mul3A_430 = arith.muli %scan3A_317, %mul3A_429 : i32
        %swap3A_431 = arith.constant 0 : i32
        %swap3A_432 = arith.index_cast %swap3A_431 : i32 to index
        %swap3A_433 = arith.index_cast %mul3A_430 : i32 to index
        %swap3A_434 = tpu.vector_load %arg9[%swap3A_432, %swap3A_433] {strides = array<i32>} : memref<16x640xi32, #tpu.memory_space<vmem>>, vector<16xi32>,
        tpu.vector_store %arg9[%swap3A_432, %swap3A_433], %add3A_428 {strides = array<i32>} : memref<16x640xi32, #tpu.memory_space<vmem>>, vector<16xi32>,
        %scan3A_435 = arith.constant 3 : i32
        %scan3A_436 = arith.addi %scan3A_81, %scan3A_435 : i32
        %mul3A_437 = arith.constant 16 : i32
        %mul3A_438 = arith.muli %scan3A_436, %mul3A_437 : i32
        %get3A_439 = arith.constant 0 : i32
        %get3A_440 = arith.index_cast %get3A_439 : i32 to index
        %get3A_441 = arith.index_cast %mul3A_438 : i32 to index
        %get3A_442 = tpu.vector_load %arg9[%get3A_440, %get3A_441] {strides = array<i32>} : memref<16x640xi32, #tpu.memory_space<vmem>>, vector<16xi32>,
        %mul3A_443 = arith.constant 16 : i32
        %mul3A_444 = arith.muli %scan3A_436, %mul3A_443 : i32
        %get3A_445 = arith.constant 1 : i32
        %get3A_446 = arith.index_cast %get3A_445 : i32 to index
        %get3A_447 = arith.index_cast %mul3A_444 : i32 to index
        %get3A_448 = tpu.vector_load %arg9[%get3A_446, %get3A_447] {strides = array<i32>} : memref<16x640xi32, #tpu.memory_space<vmem>>, vector<16xi32>,
        %add3A_449 = arith.addi %get3A_442, %get3A_448 : vector<16xi32>
        %mul3A_450 = arith.constant 16 : i32
        %mul3A_451 = arith.muli %scan3A_436, %mul3A_450 : i32
        %get3A_452 = arith.constant 2 : i32
        %get3A_453 = arith.index_cast %get3A_452 : i32 to index
        %get3A_454 = arith.index_cast %mul3A_451 : i32 to index
        %get3A_455 = tpu.vector_load %arg9[%get3A_453, %get3A_454] {strides = array<i32>} : memref<16x640xi32, #tpu.memory_space<vmem>>, vector<16xi32>,
        %add3A_456 = arith.addi %add3A_449, %get3A_455 : vector<16xi32>
        %mul3A_457 = arith.constant 16 : i32
        %mul3A_458 = arith.muli %scan3A_436, %mul3A_457 : i32
        %get3A_459 = arith.constant 3 : i32
        %get3A_460 = arith.index_cast %get3A_459 : i32 to index
        %get3A_461 = arith.index_cast %mul3A_458 : i32 to index
        %get3A_462 = tpu.vector_load %arg9[%get3A_460, %get3A_461] {strides = array<i32>} : memref<16x640xi32, #tpu.memory_space<vmem>>, vector<16xi32>,
        %add3A_463 = arith.addi %add3A_456, %get3A_462 : vector<16xi32>
        %mul3A_464 = arith.constant 16 : i32
        %mul3A_465 = arith.muli %scan3A_436, %mul3A_464 : i32
        %get3A_466 = arith.constant 4 : i32
        %get3A_467 = arith.index_cast %get3A_466 : i32 to index
        %get3A_468 = arith.index_cast %mul3A_465 : i32 to index
        %get3A_469 = tpu.vector_load %arg9[%get3A_467, %get3A_468] {strides = array<i32>} : memref<16x640xi32, #tpu.memory_space<vmem>>, vector<16xi32>,
        %add3A_470 = arith.addi %add3A_463, %get3A_469 : vector<16xi32>
        %mul3A_471 = arith.constant 16 : i32
        %mul3A_472 = arith.muli %scan3A_436, %mul3A_471 : i32
        %get3A_473 = arith.constant 5 : i32
        %get3A_474 = arith.index_cast %get3A_473 : i32 to index
        %get3A_475 = arith.index_cast %mul3A_472 : i32 to index
        %get3A_476 = tpu.vector_load %arg9[%get3A_474, %get3A_475] {strides = array<i32>} : memref<16x640xi32, #tpu.memory_space<vmem>>, vector<16xi32>,
        %add3A_477 = arith.addi %add3A_470, %get3A_476 : vector<16xi32>
        %mul3A_478 = arith.constant 16 : i32
        %mul3A_479 = arith.muli %scan3A_436, %mul3A_478 : i32
        %get3A_480 = arith.constant 6 : i32
        %get3A_481 = arith.index_cast %get3A_480 : i32 to index
        %get3A_482 = arith.index_cast %mul3A_479 : i32 to index
        %get3A_483 = tpu.vector_load %arg9[%get3A_481, %get3A_482] {strides = array<i32>} : memref<16x640xi32, #tpu.memory_space<vmem>>, vector<16xi32>,
        %add3A_484 = arith.addi %add3A_477, %get3A_483 : vector<16xi32>
        %mul3A_485 = arith.constant 16 : i32
        %mul3A_486 = arith.muli %scan3A_436, %mul3A_485 : i32
        %get3A_487 = arith.constant 7 : i32
        %get3A_488 = arith.index_cast %get3A_487 : i32 to index
        %get3A_489 = arith.index_cast %mul3A_486 : i32 to index
        %get3A_490 = tpu.vector_load %arg9[%get3A_488, %get3A_489] {strides = array<i32>} : memref<16x640xi32, #tpu.memory_space<vmem>>, vector<16xi32>,
        %add3A_491 = arith.addi %add3A_484, %get3A_490 : vector<16xi32>
        %mul3A_492 = arith.constant 16 : i32
        %mul3A_493 = arith.muli %scan3A_436, %mul3A_492 : i32
        %get3A_494 = arith.constant 8 : i32
        %get3A_495 = arith.index_cast %get3A_494 : i32 to index
        %get3A_496 = arith.index_cast %mul3A_493 : i32 to index
        %get3A_497 = tpu.vector_load %arg9[%get3A_495, %get3A_496] {strides = array<i32>} : memref<16x640xi32, #tpu.memory_space<vmem>>, vector<16xi32>,
        %add3A_498 = arith.addi %add3A_491, %get3A_497 : vector<16xi32>
        %mul3A_499 = arith.constant 16 : i32
        %mul3A_500 = arith.muli %scan3A_436, %mul3A_499 : i32
        %get3A_501 = arith.constant 9 : i32
        %get3A_502 = arith.index_cast %get3A_501 : i32 to index
        %get3A_503 = arith.index_cast %mul3A_500 : i32 to index
        %get3A_504 = tpu.vector_load %arg9[%get3A_502, %get3A_503] {strides = array<i32>} : memref<16x640xi32, #tpu.memory_space<vmem>>, vector<16xi32>,
        %add3A_505 = arith.addi %add3A_498, %get3A_504 : vector<16xi32>
        %mul3A_506 = arith.constant 16 : i32
        %mul3A_507 = arith.muli %scan3A_436, %mul3A_506 : i32
        %get3A_508 = arith.constant 10 : i32
        %get3A_509 = arith.index_cast %get3A_508 : i32 to index
        %get3A_510 = arith.index_cast %mul3A_507 : i32 to index
        %get3A_511 = tpu.vector_load %arg9[%get3A_509, %get3A_510] {strides = array<i32>} : memref<16x640xi32, #tpu.memory_space<vmem>>, vector<16xi32>,
        %add3A_512 = arith.addi %add3A_505, %get3A_511 : vector<16xi32>
        %mul3A_513 = arith.constant 16 : i32
        %mul3A_514 = arith.muli %scan3A_436, %mul3A_513 : i32
        %get3A_515 = arith.constant 11 : i32
        %get3A_516 = arith.index_cast %get3A_515 : i32 to index
        %get3A_517 = arith.index_cast %mul3A_514 : i32 to index
        %get3A_518 = tpu.vector_load %arg9[%get3A_516, %get3A_517] {strides = array<i32>} : memref<16x640xi32, #tpu.memory_space<vmem>>, vector<16xi32>,
        %add3A_519 = arith.addi %add3A_512, %get3A_518 : vector<16xi32>
        %mul3A_520 = arith.constant 16 : i32
        %mul3A_521 = arith.muli %scan3A_436, %mul3A_520 : i32
        %get3A_522 = arith.constant 12 : i32
        %get3A_523 = arith.index_cast %get3A_522 : i32 to index
        %get3A_524 = arith.index_cast %mul3A_521 : i32 to index
        %get3A_525 = tpu.vector_load %arg9[%get3A_523, %get3A_524] {strides = array<i32>} : memref<16x640xi32, #tpu.memory_space<vmem>>, vector<16xi32>,
        %add3A_526 = arith.addi %add3A_519, %get3A_525 : vector<16xi32>
        %mul3A_527 = arith.constant 16 : i32
        %mul3A_528 = arith.muli %scan3A_436, %mul3A_527 : i32
        %get3A_529 = arith.constant 13 : i32
        %get3A_530 = arith.index_cast %get3A_529 : i32 to index
        %get3A_531 = arith.index_cast %mul3A_528 : i32 to index
        %get3A_532 = tpu.vector_load %arg9[%get3A_530, %get3A_531] {strides = array<i32>} : memref<16x640xi32, #tpu.memory_space<vmem>>, vector<16xi32>,
        %add3A_533 = arith.addi %add3A_526, %get3A_532 : vector<16xi32>
        %mul3A_534 = arith.constant 16 : i32
        %mul3A_535 = arith.muli %scan3A_436, %mul3A_534 : i32
        %get3A_536 = arith.constant 14 : i32
        %get3A_537 = arith.index_cast %get3A_536 : i32 to index
        %get3A_538 = arith.index_cast %mul3A_535 : i32 to index
        %get3A_539 = tpu.vector_load %arg9[%get3A_537, %get3A_538] {strides = array<i32>} : memref<16x640xi32, #tpu.memory_space<vmem>>, vector<16xi32>,
        %add3A_540 = arith.addi %add3A_533, %get3A_539 : vector<16xi32>
        %mul3A_541 = arith.constant 16 : i32
        %mul3A_542 = arith.muli %scan3A_436, %mul3A_541 : i32
        %get3A_543 = arith.constant 15 : i32
        %get3A_544 = arith.index_cast %get3A_543 : i32 to index
        %get3A_545 = arith.index_cast %mul3A_542 : i32 to index
        %get3A_546 = tpu.vector_load %arg9[%get3A_544, %get3A_545] {strides = array<i32>} : memref<16x640xi32, #tpu.memory_space<vmem>>, vector<16xi32>,
        %add3A_547 = arith.addi %add3A_540, %get3A_546 : vector<16xi32>
        %mul3A_548 = arith.constant 16 : i32
        %mul3A_549 = arith.muli %scan3A_436, %mul3A_548 : i32
        %swap3A_550 = arith.constant 0 : i32
        %swap3A_551 = arith.index_cast %swap3A_550 : i32 to index
        %swap3A_552 = arith.index_cast %mul3A_549 : i32 to index
        %swap3A_553 = tpu.vector_load %arg9[%swap3A_551, %swap3A_552] {strides = array<i32>} : memref<16x640xi32, #tpu.memory_space<vmem>>, vector<16xi32>,
        tpu.vector_store %arg9[%swap3A_551, %swap3A_552], %add3A_547 {strides = array<i32>} : memref<16x640xi32, #tpu.memory_space<vmem>>, vector<16xi32>,
      }
      %scan3A_73 = arith.constant 40 : i32
      %run_scoped3A_74 = arith.constant 0 : i32
      "tpu.region"() ({
        %run_scoped3A_81 = tpu.sem_alloc : memref<!tpu.dma_semaphore, #tpu.memory_space<semaphore_mem>>
        %dma_start3A_82 = arith.constant 0 : i32
        %dma_start3A_83 = tpu.memref_slice %arg9[%run_scoped3A_74, %dma_start3A_82] : memref<16x640xi32, #tpu.memory_space<vmem>> -> memref<1x640xi32, #tpu.memory_space<vmem>>
        %dma_start3A_84 = tpu.memref_squeeze %dma_start3A_83 : memref<1x640xi32, #tpu.memory_space<vmem>> -> memref<640xi32, #tpu.memory_space<vmem>>
        %dma_start3A_85 = tpu.memref_slice %arg20[%mul3A_36] : memref<10240xi32, #tpu.memory_space<vmem_shared>> -> memref<640xi32, #tpu.memory_space<vmem_shared>>
        %dma_start3A_86 = tpu.memref_slice %arg20[%mul3A_36] : memref<10240xi32, #tpu.memory_space<vmem_shared>> -> memref<640xi32, #tpu.memory_space<vmem_shared>>
        %dma_start3A_87 = arith.constant 0 : i32
        %dma_start3A_88 = tpu.memref_slice %arg9[%run_scoped3A_74, %dma_start3A_87] : memref<16x640xi32, #tpu.memory_space<vmem>> -> memref<1x640xi32, #tpu.memory_space<vmem>>
        %dma_start3A_89 = tpu.memref_squeeze %dma_start3A_88 : memref<1x640xi32, #tpu.memory_space<vmem>> -> memref<640xi32, #tpu.memory_space<vmem>>
        tpu.enqueue_dma source(%dma_start3A_89 : memref<640xi32, #tpu.memory_space<vmem>>) target(%dma_start3A_86 : memref<640xi32, #tpu.memory_space<vmem_shared>>) target_semaphore(%run_scoped3A_81 : memref<!tpu.dma_semaphore, #tpu.memory_space<semaphore_mem>>)
        %dma_wait3A_90 = arith.constant 0 : i32
        %dma_wait3A_91 = tpu.memref_slice %arg9[%run_scoped3A_74, %dma_wait3A_90] : memref<16x640xi32, #tpu.memory_space<vmem>> -> memref<1x640xi32, #tpu.memory_space<vmem>>
        %dma_wait3A_92 = tpu.memref_squeeze %dma_wait3A_91 : memref<1x640xi32, #tpu.memory_space<vmem>> -> memref<640xi32, #tpu.memory_space<vmem>>
        %dma_wait3A_93 = tpu.memref_slice %arg20[%mul3A_36] : memref<10240xi32, #tpu.memory_space<vmem_shared>> -> memref<640xi32, #tpu.memory_space<vmem_shared>>
        %dma_wait3A_94 = tpu.memref_slice %arg20[%mul3A_36] : memref<10240xi32, #tpu.memory_space<vmem_shared>> -> memref<640xi32, #tpu.memory_space<vmem_shared>>
        %dma_wait3A_95 = arith.constant 0 : i32
        %dma_wait3A_96 = tpu.memref_slice %arg9[%run_scoped3A_74, %dma_wait3A_95] : memref<16x640xi32, #tpu.memory_space<vmem>> -> memref<1x640xi32, #tpu.memory_space<vmem>>
        %dma_wait3A_97 = tpu.memref_squeeze %dma_wait3A_96 : memref<1x640xi32, #tpu.memory_space<vmem>> -> memref<640xi32, #tpu.memory_space<vmem>>
        tpu.wait_dma2 semaphore(%run_scoped3A_81 : memref<!tpu.dma_semaphore, #tpu.memory_space<semaphore_mem>>) src(%dma_wait3A_97 : memref<640xi32, #tpu.memory_space<vmem>>) dst(%dma_wait3A_94 : memref<640xi32, #tpu.memory_space<vmem_shared>>)
        tpu.yield
      }) : () -> ()
      %barrier3A_75 = arith.constant 0 : index
      tpu.barrier barrier_id(%barrier3A_75)
      %eq3A_76 = arith.constant 0 : i32
      %eq3A_77 = arith.cmpi eq, %arg1, %eq3A_76 : i32
      %convert_element_type3A_78 = arith.extui %eq3A_77 : i1 to i32
      %cond3A_79 = arith.constant 0 : i32
      %cond3A_80 = arith.cmpi ne, %convert_element_type3A_78, %cond3A_79 : i32
      scf.if %cond3A_80 {
        "tpu.region"() ({
          %run_scoped3A_94 = tpu.sem_alloc : memref<!tpu.dma_semaphore, #tpu.memory_space<semaphore_mem>>
          tpu.enqueue_dma source(%arg20 : memref<10240xi32, #tpu.memory_space<vmem_shared>>) target(%arg8 : memref<10240xi32, #tpu.memory_space<vmem>>) target_semaphore(%run_scoped3A_94 : memref<!tpu.dma_semaphore, #tpu.memory_space<semaphore_mem>>)
          tpu.wait_dma2 semaphore(%run_scoped3A_94 : memref<!tpu.dma_semaphore, #tpu.memory_space<semaphore_mem>>) src(%arg20 : memref<10240xi32, #tpu.memory_space<vmem_shared>>) dst(%arg8 : memref<10240xi32, #tpu.memory_space<vmem>>)
          tpu.yield
        }) : () -> ()
        %scan3A_81 = arith.constant 0 : i32
        %scan3A_82 = arith.constant 0 : i32
        %scan3A_83 = arith.constant 640 : i32
        %scan3A_84 = arith.addi %scan3A_82, %scan3A_83 : i32
        %scan3A_85 = arith.constant 8 : i32
        scf.for %scan3A_94 = %scan3A_82 to %scan3A_84 step %scan3A_85  : i32 {
          %mul3A_95 = arith.constant 16 : i32
          %mul3A_96 = arith.muli %scan3A_94, %mul3A_95 : i32
          %swap3A = arith.index_cast %mul3A_96 : i32 to index
          %swap3A_97 = tpu.vector_load %arg10[%swap3A] {strides = array<i32>} : memref<10240xi32, #tpu.memory_space<vmem>>, vector<16xi32>,
          tpu.vector_store %arg10[%swap3A], %broadcast_in_dim3A_0 {strides = array<i32>} : memref<10240xi32, #tpu.memory_space<vmem>>, vector<16xi32>,
          %scan3A_98 = arith.constant 1 : i32
          %scan3A_99 = arith.addi %scan3A_94, %scan3A_98 : i32
          %mul3A_100 = arith.constant 16 : i32
          %mul3A_101 = arith.muli %scan3A_99, %mul3A_100 : i32
          %swap3A_102 = arith.index_cast %mul3A_101 : i32 to index
          %swap3A_103 = tpu.vector_load %arg10[%swap3A_102] {strides = array<i32>} : memref<10240xi32, #tpu.memory_space<vmem>>, vector<16xi32>,
          tpu.vector_store %arg10[%swap3A_102], %broadcast_in_dim3A_0 {strides = array<i32>} : memref<10240xi32, #tpu.memory_space<vmem>>, vector<16xi32>,
          %scan3A_104 = arith.constant 2 : i32
          %scan3A_105 = arith.addi %scan3A_94, %scan3A_104 : i32
          %mul3A_106 = arith.constant 16 : i32
          %mul3A_107 = arith.muli %scan3A_105, %mul3A_106 : i32
          %swap3A_108 = arith.index_cast %mul3A_107 : i32 to index
          %swap3A_109 = tpu.vector_load %arg10[%swap3A_108] {strides = array<i32>} : memref<10240xi32, #tpu.memory_space<vmem>>, vector<16xi32>,
          tpu.vector_store %arg10[%swap3A_108], %broadcast_in_dim3A_0 {strides = array<i32>} : memref<10240xi32, #tpu.memory_space<vmem>>, vector<16xi32>,
          %scan3A_110 = arith.constant 3 : i32
          %scan3A_111 = arith.addi %scan3A_94, %scan3A_110 : i32
          %mul3A_112 = arith.constant 16 : i32
          %mul3A_113 = arith.muli %scan3A_111, %mul3A_112 : i32
          %swap3A_114 = arith.index_cast %mul3A_113 : i32 to index
          %swap3A_115 = tpu.vector_load %arg10[%swap3A_114] {strides = array<i32>} : memref<10240xi32, #tpu.memory_space<vmem>>, vector<16xi32>,
          tpu.vector_store %arg10[%swap3A_114], %broadcast_in_dim3A_0 {strides = array<i32>} : memref<10240xi32, #tpu.memory_space<vmem>>, vector<16xi32>,
          %scan3A_116 = arith.constant 4 : i32
          %scan3A_117 = arith.addi %scan3A_94, %scan3A_116 : i32
          %mul3A_118 = arith.constant 16 : i32
          %mul3A_119 = arith.muli %scan3A_117, %mul3A_118 : i32
          %swap3A_120 = arith.index_cast %mul3A_119 : i32 to index
          %swap3A_121 = tpu.vector_load %arg10[%swap3A_120] {strides = array<i32>} : memref<10240xi32, #tpu.memory_space<vmem>>, vector<16xi32>,
          tpu.vector_store %arg10[%swap3A_120], %broadcast_in_dim3A_0 {strides = array<i32>} : memref<10240xi32, #tpu.memory_space<vmem>>, vector<16xi32>,
          %scan3A_122 = arith.constant 5 : i32
          %scan3A_123 = arith.addi %scan3A_94, %scan3A_122 : i32
          %mul3A_124 = arith.constant 16 : i32
          %mul3A_125 = arith.muli %scan3A_123, %mul3A_124 : i32
          %swap3A_126 = arith.index_cast %mul3A_125 : i32 to index
          %swap3A_127 = tpu.vector_load %arg10[%swap3A_126] {strides = array<i32>} : memref<10240xi32, #tpu.memory_space<vmem>>, vector<16xi32>,
          tpu.vector_store %arg10[%swap3A_126], %broadcast_in_dim3A_0 {strides = array<i32>} : memref<10240xi32, #tpu.memory_space<vmem>>, vector<16xi32>,
          %scan3A_128 = arith.constant 6 : i32
          %scan3A_129 = arith.addi %scan3A_94, %scan3A_128 : i32
          %mul3A_130 = arith.constant 16 : i32
          %mul3A_131 = arith.muli %scan3A_129, %mul3A_130 : i32
          %swap3A_132 = arith.index_cast %mul3A_131 : i32 to index
          %swap3A_133 = tpu.vector_load %arg10[%swap3A_132] {strides = array<i32>} : memref<10240xi32, #tpu.memory_space<vmem>>, vector<16xi32>,
          tpu.vector_store %arg10[%swap3A_132], %broadcast_in_dim3A_0 {strides = array<i32>} : memref<10240xi32, #tpu.memory_space<vmem>>, vector<16xi32>,
          %scan3A_134 = arith.constant 7 : i32
          %scan3A_135 = arith.addi %scan3A_94, %scan3A_134 : i32
          %mul3A_136 = arith.constant 16 : i32
          %mul3A_137 = arith.muli %scan3A_135, %mul3A_136 : i32
          %swap3A_138 = arith.index_cast %mul3A_137 : i32 to index
          %swap3A_139 = tpu.vector_load %arg10[%swap3A_138] {strides = array<i32>} : memref<10240xi32, #tpu.memory_space<vmem>>, vector<16xi32>,
          tpu.vector_store %arg10[%swap3A_138], %broadcast_in_dim3A_0 {strides = array<i32>} : memref<10240xi32, #tpu.memory_space<vmem>>, vector<16xi32>,
        }
        %scan3A_86 = arith.constant 640 : i32
        %scan3A_87 = arith.constant 0 : i32
        %scan3A_88 = arith.constant 0 : i32
        %scan3A_89 = arith.constant 640 : i32
        %scan3A_90 = arith.addi %scan3A_88, %scan3A_89 : i32
        %scan3A_91 = arith.constant 4 : i32
        %scan3A_92 = scf.for %scan3A_94 = %scan3A_88 to %scan3A_90 step %scan3A_91 iter_args(%scan3A_95 = %scan3A_87) -> (i32)  : i32 {
          %mul3A_96 = arith.constant 16 : i32
          %mul3A_97 = arith.muli %scan3A_94, %mul3A_96 : i32
          %get3A_98 = arith.index_cast %mul3A_97 : i32 to index
          %get3A_99 = tpu.vector_load %arg8[%get3A_98] {strides = array<i32>} : memref<10240xi32, #tpu.memory_space<vmem>>, vector<16xi32>,
          %gt3A = arith.constant 0 : i32
          %gt3A_100 = vector.broadcast %gt3A : i32 to vector<16xi32>
          %gt3A_101 = arith.cmpi sgt, %get3A_99, %gt3A_100 : vector<16xi32>
          %convert_element_type3A_102 = arith.extui %gt3A_101 : vector<16xi1> to vector<16xi32>
          %broadcast_in_dim3A_103 = arith.constant true
          %broadcast_in_dim3A_104 = vector.broadcast %broadcast_in_dim3A_103 : i1 to vector<16xi1>
          %masked_cumsum3A = tpu.scan <sum>, %convert_element_type3A_102 masked %broadcast_in_dim3A_104 : vector<16xi32>, vector<16xi1> -> vector<16xi32>
          %add3A = vector.broadcast %scan3A_95 : i32 to vector<16xi32>
          %add3A_105 = arith.addi %add3A, %masked_cumsum3A : vector<16xi32>
          %sub3A = arith.subi %add3A_105, %convert_element_type3A_102 : vector<16xi32>
          %gt3A_106 = arith.constant 0 : i32
          %gt3A_107 = vector.broadcast %gt3A_106 : i32 to vector<16xi32>
          %gt3A_108 = arith.cmpi sgt, %get3A_99, %gt3A_107 : vector<16xi32>
          %jit3A = arith.constant 0 : i32
          %broadcast_in_dim3A_109 = vector.broadcast %jit3A : i32 to vector<16xi32>
          %select_n3A = arith.select %gt3A_108, %get3A_99, %broadcast_in_dim3A_109 : vector<16xi1>, vector<16xi32>
          tpu.vector_store_idx %arg10[%sub3A], %select_n3A {add = true} : memref<10240xi32, #tpu.memory_space<vmem>>[vector<16xi32>], vector<16xi32>,
          %slice3A = vector.extract_strided_slice %masked_cumsum3A {offsets = [15], sizes = [1], strides = [1]} : vector<16xi32> to vector<1xi32>
          %squeeze3A = vector.extract %slice3A[0] : i32 from vector<1xi32>
          %add3A_110 = arith.addi %scan3A_95, %squeeze3A : i32
          %scan3A_111 = arith.constant 1 : i32
          %scan3A_112 = arith.addi %scan3A_94, %scan3A_111 : i32
          %mul3A_113 = arith.constant 16 : i32
          %mul3A_114 = arith.muli %scan3A_112, %mul3A_113 : i32
          %get3A_115 = arith.index_cast %mul3A_114 : i32 to index
          %get3A_116 = tpu.vector_load %arg8[%get3A_115] {strides = array<i32>} : memref<10240xi32, #tpu.memory_space<vmem>>, vector<16xi32>,
          %gt3A_117 = arith.constant 0 : i32
          %gt3A_118 = vector.broadcast %gt3A_117 : i32 to vector<16xi32>
          %gt3A_119 = arith.cmpi sgt, %get3A_116, %gt3A_118 : vector<16xi32>
          %convert_element_type3A_120 = arith.extui %gt3A_119 : vector<16xi1> to vector<16xi32>
          %broadcast_in_dim3A_121 = arith.constant true
          %broadcast_in_dim3A_122 = vector.broadcast %broadcast_in_dim3A_121 : i1 to vector<16xi1>
          %masked_cumsum3A_123 = tpu.scan <sum>, %convert_element_type3A_120 masked %broadcast_in_dim3A_122 : vector<16xi32>, vector<16xi1> -> vector<16xi32>
          %add3A_124 = vector.broadcast %add3A_110 : i32 to vector<16xi32>
          %add3A_125 = arith.addi %add3A_124, %masked_cumsum3A_123 : vector<16xi32>
          %sub3A_126 = arith.subi %add3A_125, %convert_element_type3A_120 : vector<16xi32>
          %gt3A_127 = arith.constant 0 : i32
          %gt3A_128 = vector.broadcast %gt3A_127 : i32 to vector<16xi32>
          %gt3A_129 = arith.cmpi sgt, %get3A_116, %gt3A_128 : vector<16xi32>
          %jit3A_130 = arith.constant 0 : i32
          %broadcast_in_dim3A_131 = vector.broadcast %jit3A_130 : i32 to vector<16xi32>
          %select_n3A_132 = arith.select %gt3A_129, %get3A_116, %broadcast_in_dim3A_131 : vector<16xi1>, vector<16xi32>
          tpu.vector_store_idx %arg10[%sub3A_126], %select_n3A_132 {add = true} : memref<10240xi32, #tpu.memory_space<vmem>>[vector<16xi32>], vector<16xi32>,
          %slice3A_133 = vector.extract_strided_slice %masked_cumsum3A_123 {offsets = [15], sizes = [1], strides = [1]} : vector<16xi32> to vector<1xi32>
          %squeeze3A_134 = vector.extract %slice3A_133[0] : i32 from vector<1xi32>
          %add3A_135 = arith.addi %add3A_110, %squeeze3A_134 : i32
          %scan3A_136 = arith.constant 2 : i32
          %scan3A_137 = arith.addi %scan3A_94, %scan3A_136 : i32
          %mul3A_138 = arith.constant 16 : i32
          %mul3A_139 = arith.muli %scan3A_137, %mul3A_138 : i32
          %get3A_140 = arith.index_cast %mul3A_139 : i32 to index
          %get3A_141 = tpu.vector_load %arg8[%get3A_140] {strides = array<i32>} : memref<10240xi32, #tpu.memory_space<vmem>>, vector<16xi32>,
          %gt3A_142 = arith.constant 0 : i32
          %gt3A_143 = vector.broadcast %gt3A_142 : i32 to vector<16xi32>
          %gt3A_144 = arith.cmpi sgt, %get3A_141, %gt3A_143 : vector<16xi32>
          %convert_element_type3A_145 = arith.extui %gt3A_144 : vector<16xi1> to vector<16xi32>
          %broadcast_in_dim3A_146 = arith.constant true
          %broadcast_in_dim3A_147 = vector.broadcast %broadcast_in_dim3A_146 : i1 to vector<16xi1>
          %masked_cumsum3A_148 = tpu.scan <sum>, %convert_element_type3A_145 masked %broadcast_in_dim3A_147 : vector<16xi32>, vector<16xi1> -> vector<16xi32>
          %add3A_149 = vector.broadcast %add3A_135 : i32 to vector<16xi32>
          %add3A_150 = arith.addi %add3A_149, %masked_cumsum3A_148 : vector<16xi32>
          %sub3A_151 = arith.subi %add3A_150, %convert_element_type3A_145 : vector<16xi32>
          %gt3A_152 = arith.constant 0 : i32
          %gt3A_153 = vector.broadcast %gt3A_152 : i32 to vector<16xi32>
          %gt3A_154 = arith.cmpi sgt, %get3A_141, %gt3A_153 : vector<16xi32>
          %jit3A_155 = arith.constant 0 : i32
          %broadcast_in_dim3A_156 = vector.broadcast %jit3A_155 : i32 to vector<16xi32>
          %select_n3A_157 = arith.select %gt3A_154, %get3A_141, %broadcast_in_dim3A_156 : vector<16xi1>, vector<16xi32>
          tpu.vector_store_idx %arg10[%sub3A_151], %select_n3A_157 {add = true} : memref<10240xi32, #tpu.memory_space<vmem>>[vector<16xi32>], vector<16xi32>,
          %slice3A_158 = vector.extract_strided_slice %masked_cumsum3A_148 {offsets = [15], sizes = [1], strides = [1]} : vector<16xi32> to vector<1xi32>
          %squeeze3A_159 = vector.extract %slice3A_158[0] : i32 from vector<1xi32>
          %add3A_160 = arith.addi %add3A_135, %squeeze3A_159 : i32
          %scan3A_161 = arith.constant 3 : i32
          %scan3A_162 = arith.addi %scan3A_94, %scan3A_161 : i32
          %mul3A_163 = arith.constant 16 : i32
          %mul3A_164 = arith.muli %scan3A_162, %mul3A_163 : i32
          %get3A_165 = arith.index_cast %mul3A_164 : i32 to index
          %get3A_166 = tpu.vector_load %arg8[%get3A_165] {strides = array<i32>} : memref<10240xi32, #tpu.memory_space<vmem>>, vector<16xi32>,
          %gt3A_167 = arith.constant 0 : i32
          %gt3A_168 = vector.broadcast %gt3A_167 : i32 to vector<16xi32>
          %gt3A_169 = arith.cmpi sgt, %get3A_166, %gt3A_168 : vector<16xi32>
          %convert_element_type3A_170 = arith.extui %gt3A_169 : vector<16xi1> to vector<16xi32>
          %broadcast_in_dim3A_171 = arith.constant true
          %broadcast_in_dim3A_172 = vector.broadcast %broadcast_in_dim3A_171 : i1 to vector<16xi1>
          %masked_cumsum3A_173 = tpu.scan <sum>, %convert_element_type3A_170 masked %broadcast_in_dim3A_172 : vector<16xi32>, vector<16xi1> -> vector<16xi32>
          %add3A_174 = vector.broadcast %add3A_160 : i32 to vector<16xi32>
          %add3A_175 = arith.addi %add3A_174, %masked_cumsum3A_173 : vector<16xi32>
          %sub3A_176 = arith.subi %add3A_175, %convert_element_type3A_170 : vector<16xi32>
          %gt3A_177 = arith.constant 0 : i32
          %gt3A_178 = vector.broadcast %gt3A_177 : i32 to vector<16xi32>
          %gt3A_179 = arith.cmpi sgt, %get3A_166, %gt3A_178 : vector<16xi32>
          %jit3A_180 = arith.constant 0 : i32
          %broadcast_in_dim3A_181 = vector.broadcast %jit3A_180 : i32 to vector<16xi32>
          %select_n3A_182 = arith.select %gt3A_179, %get3A_166, %broadcast_in_dim3A_181 : vector<16xi1>, vector<16xi32>
          tpu.vector_store_idx %arg10[%sub3A_176], %select_n3A_182 {add = true} : memref<10240xi32, #tpu.memory_space<vmem>>[vector<16xi32>], vector<16xi32>,
          %slice3A_183 = vector.extract_strided_slice %masked_cumsum3A_173 {offsets = [15], sizes = [1], strides = [1]} : vector<16xi32> to vector<1xi32>
          %squeeze3A_184 = vector.extract %slice3A_183[0] : i32 from vector<1xi32>
          %add3A_185 = arith.addi %add3A_160, %squeeze3A_184 : i32
          scf.yield %add3A_185 : i32
        }
        %scan3A_93 = arith.constant 640 : i32
        "tpu.region"() ({
          %run_scoped3A_94 = tpu.sem_alloc : memref<!tpu.dma_semaphore, #tpu.memory_space<semaphore_mem>>
          tpu.enqueue_dma source(%arg10 : memref<10240xi32, #tpu.memory_space<vmem>>) target(%arg5 : memref<10240xi32, #tpu.memory_space<hbm>>) target_semaphore(%run_scoped3A_94 : memref<!tpu.dma_semaphore, #tpu.memory_space<semaphore_mem>>)
          tpu.wait_dma2 semaphore(%run_scoped3A_94 : memref<!tpu.dma_semaphore, #tpu.memory_space<semaphore_mem>>) src(%arg10 : memref<10240xi32, #tpu.memory_space<vmem>>) dst(%arg5 : memref<10240xi32, #tpu.memory_space<hbm>>)
          tpu.yield
        }) : () -> ()
      } else {
      }
    } else {
    }
    %eq3A_5 = arith.constant 1 : i32
    %eq3A_6 = arith.cmpi eq, %arg0, %eq3A_5 : i32
    %convert_element_type3A_7 = arith.extui %eq3A_6 : i1 to i32
    %cond3A_8 = arith.constant 0 : i32
    %cond3A_9 = arith.cmpi ne, %convert_element_type3A_7, %cond3A_8 : i32
    scf.if %cond3A_9 {
      %mul3A = arith.constant 640 : i32
      %mul3A_10 = arith.muli %arg1, %mul3A : i32
      "tpu.region"() ({
        %run_scoped3A = tpu.sem_alloc : memref<!tpu.dma_semaphore, #tpu.memory_space<semaphore_mem>>
        %dma_start3A_88 = tpu.memref_slice %arg3[%mul3A_10] : memref<10240xi32, #tpu.memory_space<hbm>> -> memref<640xi32, #tpu.memory_space<hbm>>
        %dma_start3A_89 = tpu.memref_slice %arg3[%mul3A_10] : memref<10240xi32, #tpu.memory_space<hbm>> -> memref<640xi32, #tpu.memory_space<hbm>>
        tpu.enqueue_dma source(%dma_start3A_89 : memref<640xi32, #tpu.memory_space<hbm>>) target(%arg11 : memref<640xi32, #tpu.memory_space<vmem>>) target_semaphore(%run_scoped3A : memref<!tpu.dma_semaphore, #tpu.memory_space<semaphore_mem>>)
        %dma_wait3A_90 = tpu.memref_slice %arg3[%mul3A_10] : memref<10240xi32, #tpu.memory_space<hbm>> -> memref<640xi32, #tpu.memory_space<hbm>>
        %dma_wait3A_91 = tpu.memref_slice %arg3[%mul3A_10] : memref<10240xi32, #tpu.memory_space<hbm>> -> memref<640xi32, #tpu.memory_space<hbm>>
        tpu.wait_dma2 semaphore(%run_scoped3A : memref<!tpu.dma_semaphore, #tpu.memory_space<semaphore_mem>>) src(%dma_wait3A_91 : memref<640xi32, #tpu.memory_space<hbm>>) dst(%arg11 : memref<640xi32, #tpu.memory_space<vmem>>)
        tpu.yield
      }) : () -> ()
      %dma_start3A = arith.constant 0 : i32
      %dma_start3A_11 = tpu.memref_slice %arg11[%dma_start3A] : memref<640xi32, #tpu.memory_space<vmem>> -> memref<160xi32, #tpu.memory_space<vmem>>
      %dma_start3A_12 = arith.constant 0 : i32
      %dma_start3A_13 = arith.constant 0 : i32
      %dma_start3A_14 = tpu.memref_slice %arg4[%dma_start3A_12, %dma_start3A_13] : memref<10000x128xf32, #tpu.memory_space<hbm>> -> memref<10000x128xf32, #tpu.memory_space<hbm>>
      tpu.enqueue_indirect_dma source(%dma_start3A_14 : memref<10000x128xf32, #tpu.memory_space<hbm>>) target(%arg12 : memref<160x128xf32, #tpu.memory_space<vmem>>) offsets(%dma_start3A_11 : memref<160xi32, #tpu.memory_space<vmem>>) semaphore(%arg15 : memref<!tpu.dma_semaphore, #tpu.memory_space<semaphore_mem>>)
      %dma_start3A_15 = arith.constant 160 : i32
      %dma_start3A_16 = tpu.memref_slice %arg11[%dma_start3A_15] : memref<640xi32, #tpu.memory_space<vmem>> -> memref<160xi32, #tpu.memory_space<vmem>>
      %dma_start3A_17 = arith.constant 0 : i32
      %dma_start3A_18 = arith.constant 0 : i32
      %dma_start3A_19 = tpu.memref_slice %arg4[%dma_start3A_17, %dma_start3A_18] : memref<10000x128xf32, #tpu.memory_space<hbm>> -> memref<10000x128xf32, #tpu.memory_space<hbm>>
      tpu.enqueue_indirect_dma source(%dma_start3A_19 : memref<10000x128xf32, #tpu.memory_space<hbm>>) target(%arg13 : memref<160x128xf32, #tpu.memory_space<vmem>>) offsets(%dma_start3A_16 : memref<160xi32, #tpu.memory_space<vmem>>) semaphore(%arg16 : memref<!tpu.dma_semaphore, #tpu.memory_space<semaphore_mem>>)
      %dma_wait3A = arith.constant 0 : i32
      %dma_wait3A_20 = tpu.memref_slice %arg11[%dma_wait3A] : memref<640xi32, #tpu.memory_space<vmem>> -> memref<160xi32, #tpu.memory_space<vmem>>
      %dma_wait3A_21 = arith.constant 0 : i32
      %dma_wait3A_22 = arith.constant 0 : i32
      %dma_wait3A_23 = tpu.memref_slice %arg4[%dma_wait3A_21, %dma_wait3A_22] : memref<10000x128xf32, #tpu.memory_space<hbm>> -> memref<10000x128xf32, #tpu.memory_space<hbm>>
      tpu.wait_indirect_dma semaphore(%arg15 : memref<!tpu.dma_semaphore, #tpu.memory_space<semaphore_mem>>) src(%dma_wait3A_23 : memref<10000x128xf32, #tpu.memory_space<hbm>>) dst(%arg12 : memref<160x128xf32, #tpu.memory_space<vmem>>)
      %add3A = arith.constant 0 : i32
      %add3A_24 = arith.addi %mul3A_10, %add3A : i32
      %dma_start3A_25 = arith.constant 0 : i32
      %dma_start3A_26 = tpu.memref_slice %arg6[%add3A_24, %dma_start3A_25] : memref<10240x128xf32, #tpu.memory_space<hbm>> -> memref<160x128xf32, #tpu.memory_space<hbm>>
      %dma_start3A_27 = arith.constant 0 : i32
      %dma_start3A_28 = tpu.memref_slice %arg6[%add3A_24, %dma_start3A_27] : memref<10240x128xf32, #tpu.memory_space<hbm>> -> memref<160x128xf32, #tpu.memory_space<hbm>>
      tpu.enqueue_dma source(%arg12 : memref<160x128xf32, #tpu.memory_space<vmem>>) target(%dma_start3A_28 : memref<160x128xf32, #tpu.memory_space<hbm>>) target_semaphore(%arg17 : memref<!tpu.dma_semaphore, #tpu.memory_space<semaphore_mem>>)
      %dma_wait3A_29 = arith.constant 0 : i32
      %dma_wait3A_30 = tpu.memref_slice %arg6[%add3A_24, %dma_wait3A_29] : memref<10240x128xf32, #tpu.memory_space<hbm>> -> memref<160x128xf32, #tpu.memory_space<hbm>>
      %dma_wait3A_31 = arith.constant 0 : i32
      %dma_wait3A_32 = tpu.memref_slice %arg6[%add3A_24, %dma_wait3A_31] : memref<10240x128xf32, #tpu.memory_space<hbm>> -> memref<160x128xf32, #tpu.memory_space<hbm>>
      tpu.wait_dma2 semaphore(%arg17 : memref<!tpu.dma_semaphore, #tpu.memory_space<semaphore_mem>>) src(%arg12 : memref<160x128xf32, #tpu.memory_space<vmem>>) dst(%dma_wait3A_32 : memref<160x128xf32, #tpu.memory_space<hbm>>)
      %dma_start3A_33 = arith.constant 320 : i32
      %dma_start3A_34 = tpu.memref_slice %arg11[%dma_start3A_33] : memref<640xi32, #tpu.memory_space<vmem>> -> memref<160xi32, #tpu.memory_space<vmem>>
      %dma_start3A_35 = arith.constant 0 : i32
      %dma_start3A_36 = arith.constant 0 : i32
      %dma_start3A_37 = tpu.memref_slice %arg4[%dma_start3A_35, %dma_start3A_36] : memref<10000x128xf32, #tpu.memory_space<hbm>> -> memref<10000x128xf32, #tpu.memory_space<hbm>>
      tpu.enqueue_indirect_dma source(%dma_start3A_37 : memref<10000x128xf32, #tpu.memory_space<hbm>>) target(%arg12 : memref<160x128xf32, #tpu.memory_space<vmem>>) offsets(%dma_start3A_34 : memref<160xi32, #tpu.memory_space<vmem>>) semaphore(%arg15 : memref<!tpu.dma_semaphore, #tpu.memory_space<semaphore_mem>>)
      %dma_wait3A_38 = arith.constant 160 : i32
      %dma_wait3A_39 = tpu.memref_slice %arg11[%dma_wait3A_38] : memref<640xi32, #tpu.memory_space<vmem>> -> memref<160xi32, #tpu.memory_space<vmem>>
      %dma_wait3A_40 = arith.constant 0 : i32
      %dma_wait3A_41 = arith.constant 0 : i32
      %dma_wait3A_42 = tpu.memref_slice %arg4[%dma_wait3A_40, %dma_wait3A_41] : memref<10000x128xf32, #tpu.memory_space<hbm>> -> memref<10000x128xf32, #tpu.memory_space<hbm>>
      tpu.wait_indirect_dma semaphore(%arg16 : memref<!tpu.dma_semaphore, #tpu.memory_space<semaphore_mem>>) src(%dma_wait3A_42 : memref<10000x128xf32, #tpu.memory_space<hbm>>) dst(%arg13 : memref<160x128xf32, #tpu.memory_space<vmem>>)
      %add3A_43 = arith.constant 160 : i32
      %add3A_44 = arith.addi %mul3A_10, %add3A_43 : i32
      %dma_start3A_45 = arith.constant 0 : i32
      %dma_start3A_46 = tpu.memref_slice %arg6[%add3A_44, %dma_start3A_45] : memref<10240x128xf32, #tpu.memory_space<hbm>> -> memref<160x128xf32, #tpu.memory_space<hbm>>
      %dma_start3A_47 = arith.constant 0 : i32
      %dma_start3A_48 = tpu.memref_slice %arg6[%add3A_44, %dma_start3A_47] : memref<10240x128xf32, #tpu.memory_space<hbm>> -> memref<160x128xf32, #tpu.memory_space<hbm>>
      tpu.enqueue_dma source(%arg13 : memref<160x128xf32, #tpu.memory_space<vmem>>) target(%dma_start3A_48 : memref<160x128xf32, #tpu.memory_space<hbm>>) target_semaphore(%arg18 : memref<!tpu.dma_semaphore, #tpu.memory_space<semaphore_mem>>)
      %dma_wait3A_49 = arith.constant 0 : i32
      %dma_wait3A_50 = tpu.memref_slice %arg6[%add3A_44, %dma_wait3A_49] : memref<10240x128xf32, #tpu.memory_space<hbm>> -> memref<160x128xf32, #tpu.memory_space<hbm>>
      %dma_wait3A_51 = arith.constant 0 : i32
      %dma_wait3A_52 = tpu.memref_slice %arg6[%add3A_44, %dma_wait3A_51] : memref<10240x128xf32, #tpu.memory_space<hbm>> -> memref<160x128xf32, #tpu.memory_space<hbm>>
      tpu.wait_dma2 semaphore(%arg18 : memref<!tpu.dma_semaphore, #tpu.memory_space<semaphore_mem>>) src(%arg13 : memref<160x128xf32, #tpu.memory_space<vmem>>) dst(%dma_wait3A_52 : memref<160x128xf32, #tpu.memory_space<hbm>>)
      %dma_start3A_53 = arith.constant 480 : i32
      %dma_start3A_54 = tpu.memref_slice %arg11[%dma_start3A_53] : memref<640xi32, #tpu.memory_space<vmem>> -> memref<160xi32, #tpu.memory_space<vmem>>
      %dma_start3A_55 = arith.constant 0 : i32
      %dma_start3A_56 = arith.constant 0 : i32
      %dma_start3A_57 = tpu.memref_slice %arg4[%dma_start3A_55, %dma_start3A_56] : memref<10000x128xf32, #tpu.memory_space<hbm>> -> memref<10000x128xf32, #tpu.memory_space<hbm>>
      tpu.enqueue_indirect_dma source(%dma_start3A_57 : memref<10000x128xf32, #tpu.memory_space<hbm>>) target(%arg13 : memref<160x128xf32, #tpu.memory_space<vmem>>) offsets(%dma_start3A_54 : memref<160xi32, #tpu.memory_space<vmem>>) semaphore(%arg16 : memref<!tpu.dma_semaphore, #tpu.memory_space<semaphore_mem>>)
      %dma_wait3A_58 = arith.constant 320 : i32
      %dma_wait3A_59 = tpu.memref_slice %arg11[%dma_wait3A_58] : memref<640xi32, #tpu.memory_space<vmem>> -> memref<160xi32, #tpu.memory_space<vmem>>
      %dma_wait3A_60 = arith.constant 0 : i32
      %dma_wait3A_61 = arith.constant 0 : i32
      %dma_wait3A_62 = tpu.memref_slice %arg4[%dma_wait3A_60, %dma_wait3A_61] : memref<10000x128xf32, #tpu.memory_space<hbm>> -> memref<10000x128xf32, #tpu.memory_space<hbm>>
      tpu.wait_indirect_dma semaphore(%arg15 : memref<!tpu.dma_semaphore, #tpu.memory_space<semaphore_mem>>) src(%dma_wait3A_62 : memref<10000x128xf32, #tpu.memory_space<hbm>>) dst(%arg12 : memref<160x128xf32, #tpu.memory_space<vmem>>)
      %add3A_63 = arith.constant 320 : i32
      %add3A_64 = arith.addi %mul3A_10, %add3A_63 : i32
      %dma_start3A_65 = arith.constant 0 : i32
      %dma_start3A_66 = tpu.memref_slice %arg6[%add3A_64, %dma_start3A_65] : memref<10240x128xf32, #tpu.memory_space<hbm>> -> memref<160x128xf32, #tpu.memory_space<hbm>>
      %dma_start3A_67 = arith.constant 0 : i32
      %dma_start3A_68 = tpu.memref_slice %arg6[%add3A_64, %dma_start3A_67] : memref<10240x128xf32, #tpu.memory_space<hbm>> -> memref<160x128xf32, #tpu.memory_space<hbm>>
      tpu.enqueue_dma source(%arg12 : memref<160x128xf32, #tpu.memory_space<vmem>>) target(%dma_start3A_68 : memref<160x128xf32, #tpu.memory_space<hbm>>) target_semaphore(%arg17 : memref<!tpu.dma_semaphore, #tpu.memory_space<semaphore_mem>>)
      %dma_wait3A_69 = arith.constant 480 : i32
      %dma_wait3A_70 = tpu.memref_slice %arg11[%dma_wait3A_69] : memref<640xi32, #tpu.memory_space<vmem>> -> memref<160xi32, #tpu.memory_space<vmem>>
      %dma_wait3A_71 = arith.constant 0 : i32
      %dma_wait3A_72 = arith.constant 0 : i32
      %dma_wait3A_73 = tpu.memref_slice %arg4[%dma_wait3A_71, %dma_wait3A_72] : memref<10000x128xf32, #tpu.memory_space<hbm>> -> memref<10000x128xf32, #tpu.memory_space<hbm>>
      tpu.wait_indirect_dma semaphore(%arg16 : memref<!tpu.dma_semaphore, #tpu.memory_space<semaphore_mem>>) src(%dma_wait3A_73 : memref<10000x128xf32, #tpu.memory_space<hbm>>) dst(%arg13 : memref<160x128xf32, #tpu.memory_space<vmem>>)
      %add3A_74 = arith.constant 480 : i32
      %add3A_75 = arith.addi %mul3A_10, %add3A_74 : i32
      %dma_start3A_76 = arith.constant 0 : i32
      %dma_start3A_77 = tpu.memref_slice %arg6[%add3A_75, %dma_start3A_76] : memref<10240x128xf32, #tpu.memory_space<hbm>> -> memref<160x128xf32, #tpu.memory_space<hbm>>
      %dma_start3A_78 = arith.constant 0 : i32
      %dma_start3A_79 = tpu.memref_slice %arg6[%add3A_75, %dma_start3A_78] : memref<10240x128xf32, #tpu.memory_space<hbm>> -> memref<160x128xf32, #tpu.memory_space<hbm>>
      tpu.enqueue_dma source(%arg13 : memref<160x128xf32, #tpu.memory_space<vmem>>) target(%dma_start3A_79 : memref<160x128xf32, #tpu.memory_space<hbm>>) target_semaphore(%arg18 : memref<!tpu.dma_semaphore, #tpu.memory_space<semaphore_mem>>)
      %dma_wait3A_80 = arith.constant 0 : i32
      %dma_wait3A_81 = tpu.memref_slice %arg6[%add3A_64, %dma_wait3A_80] : memref<10240x128xf32, #tpu.memory_space<hbm>> -> memref<160x128xf32, #tpu.memory_space<hbm>>
      %dma_wait3A_82 = arith.constant 0 : i32
      %dma_wait3A_83 = tpu.memref_slice %arg6[%add3A_64, %dma_wait3A_82] : memref<10240x128xf32, #tpu.memory_space<hbm>> -> memref<160x128xf32, #tpu.memory_space<hbm>>
      tpu.wait_dma2 semaphore(%arg17 : memref<!tpu.dma_semaphore, #tpu.memory_space<semaphore_mem>>) src(%arg12 : memref<160x128xf32, #tpu.memory_space<vmem>>) dst(%dma_wait3A_83 : memref<160x128xf32, #tpu.memory_space<hbm>>)
      %dma_wait3A_84 = arith.constant 0 : i32
      %dma_wait3A_85 = tpu.memref_slice %arg6[%add3A_75, %dma_wait3A_84] : memref<10240x128xf32, #tpu.memory_space<hbm>> -> memref<160x128xf32, #tpu.memory_space<hbm>>
      %dma_wait3A_86 = arith.constant 0 : i32
      %dma_wait3A_87 = tpu.memref_slice %arg6[%add3A_75, %dma_wait3A_86] : memref<10240x128xf32, #tpu.memory_space<hbm>> -> memref<160x128xf32, #tpu.memory_space<hbm>>
      tpu.wait_dma2 semaphore(%arg18 : memref<!tpu.dma_semaphore, #tpu.memory_space<semaphore_mem>>) src(%arg13 : memref<160x128xf32, #tpu.memory_space<vmem>>) dst(%dma_wait3A_87 : memref<160x128xf32, #tpu.memory_space<hbm>>)
    } else {
    }
    return
  }
}

module attributes {stable_mosaic.version = 14 : i64} {
  func.func @_tc_body(%arg0: i32, %arg1: memref<512x1xi32, #tpu.memory_space<vmem>>, %arg2: memref<512x128xf32, #tpu.memory_space<vmem>>, %arg3: memref<512x128xf32, #tpu.memory_space<vmem>>, %arg4: memref<128x256xf32, #tpu.memory_space<vmem>>, %arg5: memref<1x256xf32, #tpu.memory_space<vmem>>, %arg6: memref<256x128xf32, #tpu.memory_space<vmem>>, %arg7: memref<1x128xf32, #tpu.memory_space<vmem>>, %arg8: memref<512x128xf32, #tpu.memory_space<vmem>>) attributes {dimension_semantics = [#tpu.dimension_semantics<arbitrary>], iteration_bounds = array<i64: 20>, scalar_prefetch = 0 : i64, scratch_operands = 0 : i64, tpu.core_type = #tpu.core_type<tc>, window_params = [{transform_indices = @transform_0, window_bounds = array<i64: 512, 1>}, {transform_indices = @transform_1, window_bounds = array<i64: 512, 128>}, {transform_indices = @transform_2, window_bounds = array<i64: 512, 128>}, {pipeline_mode = #tpu.pipeline_mode<synchronous>, transform_indices = @transform_3, window_bounds = array<i64: 128, 256>}, {pipeline_mode = #tpu.pipeline_mode<synchronous>, transform_indices = @transform_4, window_bounds = array<i64: 1, 256>}, {pipeline_mode = #tpu.pipeline_mode<synchronous>, transform_indices = @transform_5, window_bounds = array<i64: 256, 128>}, {pipeline_mode = #tpu.pipeline_mode<synchronous>, transform_indices = @transform_6, window_bounds = array<i64: 1, 128>}, {transform_indices = @transform_7, window_bounds = array<i64: 512, 128>}]} {
    %get3A = arith.constant 0 : index
    %get3A_0 = arith.constant 0 : index
    %get3A_1 = vector.load %arg2[%get3A, %get3A_0] : memref<512x128xf32, #tpu.memory_space<vmem>>, vector<512x128xf32>
    %get3A_2 = arith.constant 0 : index
    %get3A_3 = arith.constant 0 : index
    %get3A_4 = vector.load %arg3[%get3A_2, %get3A_3] : memref<512x128xf32, #tpu.memory_space<vmem>>, vector<512x128xf32>
    %add3A = arith.addf %get3A_1, %get3A_4 : vector<512x128xf32>
    %get3A_5 = arith.constant 0 : index
    %get3A_6 = arith.constant 0 : index
    %get3A_7 = vector.load %arg1[%get3A_5, %get3A_6] : memref<512x1xi32, #tpu.memory_space<vmem>>, vector<512x1xi32>
    %convert_element_type3A = arith.sitofp %get3A_7 : vector<512x1xi32> to vector<512x1xf32>
    %mul3A = vector.broadcast %convert_element_type3A : vector<512x1xf32> to vector<512x128xf32>
    %mul3A_8 = arith.mulf %add3A, %mul3A : vector<512x128xf32>
    %get3A_9 = arith.constant 0 : index
    %get3A_10 = arith.constant 0 : index
    %get3A_11 = vector.load %arg4[%get3A_9, %get3A_10] : memref<128x256xf32, #tpu.memory_space<vmem>>, vector<128x256xf32>
    %dot_general3A = arith.constant dense<0.000000e+00> : vector<512x256xf32>
    %dot_general3A_12 = tpu.matmul %mul3A_8, %get3A_11, %dot_general3A {dimension_numbers = #tpu.dot_dimension_numbers<[1], [0], [0], [1], [0, 0, 1, 1], [], []>, transpose_lhs_hint = false} : vector<512x128xf32>, vector<128x256xf32>, vector<512x256xf32> -> vector<512x256xf32>
    %get3A_13 = arith.constant 0 : index
    %get3A_14 = arith.constant 0 : index
    %get3A_15 = vector.load %arg5[%get3A_13, %get3A_14] : memref<1x256xf32, #tpu.memory_space<vmem>>, vector<1x256xf32>
    %add3A_16 = vector.broadcast %get3A_15 : vector<1x256xf32> to vector<512x256xf32>
    %add3A_17 = arith.addf %dot_general3A_12, %add3A_16 : vector<512x256xf32>
    %max3A = arith.constant 0.000000e+00 : f32
    %max3A_18 = vector.broadcast %max3A : f32 to vector<512x256xf32>
    %max3A_19 = arith.maximumf %add3A_17, %max3A_18 : vector<512x256xf32>
    %get3A_20 = arith.constant 0 : index
    %get3A_21 = arith.constant 0 : index
    %get3A_22 = vector.load %arg6[%get3A_20, %get3A_21] : memref<256x128xf32, #tpu.memory_space<vmem>>, vector<256x128xf32>
    %dot_general3A_23 = arith.constant dense<0.000000e+00> : vector<512x128xf32>
    %dot_general3A_24 = tpu.matmul %max3A_19, %get3A_22, %dot_general3A_23 {dimension_numbers = #tpu.dot_dimension_numbers<[1], [0], [0], [1], [0, 0, 1, 1], [], []>, transpose_lhs_hint = false} : vector<512x256xf32>, vector<256x128xf32>, vector<512x128xf32> -> vector<512x128xf32>
    %get3A_25 = arith.constant 0 : index
    %get3A_26 = arith.constant 0 : index
    %get3A_27 = vector.load %arg7[%get3A_25, %get3A_26] : memref<1x128xf32, #tpu.memory_space<vmem>>, vector<1x128xf32>
    %add3A_28 = vector.broadcast %get3A_27 : vector<1x128xf32> to vector<512x128xf32>
    %add3A_29 = arith.addf %dot_general3A_24, %add3A_28 : vector<512x128xf32>
    %swap3A = arith.constant 0 : index
    %swap3A_30 = arith.constant 0 : index
    %swap3A_31 = vector.load %arg8[%swap3A, %swap3A_30] : memref<512x128xf32, #tpu.memory_space<vmem>>, vector<512x128xf32>
    tpu.vector_store %arg8[%swap3A, %swap3A_30], %add3A_29 {strides = array<i32>} : memref<512x128xf32, #tpu.memory_space<vmem>>, vector<512x128xf32>,
    return
  }
  func.func @transform_0(%arg0: i32) -> (i32, i32) {
    %c0_i32 = arith.constant 0 : i32
    %c0_i32_0 = arith.constant 0 : i32
    return %arg0, %c0_i32 : i32, i32
  }
  func.func @transform_1(%arg0: i32) -> (i32, i32) {
    %c0_i32 = arith.constant 0 : i32
    %c0_i32_0 = arith.constant 0 : i32
    return %arg0, %c0_i32 : i32, i32
  }
  func.func @transform_2(%arg0: i32) -> (i32, i32) {
    %c0_i32 = arith.constant 0 : i32
    %c0_i32_0 = arith.constant 0 : i32
    return %arg0, %c0_i32 : i32, i32
  }
  func.func @transform_3(%arg0: i32) -> (i32, i32) {
    %c0_i32 = arith.constant 0 : i32
    %c0_i32_0 = arith.constant 0 : i32
    %c0_i32_1 = arith.constant 0 : i32
    return %c0_i32, %c0_i32_0 : i32, i32
  }
  func.func @transform_4(%arg0: i32) -> (i32, i32) {
    %c0_i32 = arith.constant 0 : i32
    %c0_i32_0 = arith.constant 0 : i32
    %c0_i32_1 = arith.constant 0 : i32
    return %c0_i32, %c0_i32_0 : i32, i32
  }
  func.func @transform_5(%arg0: i32) -> (i32, i32) {
    %c0_i32 = arith.constant 0 : i32
    %c0_i32_0 = arith.constant 0 : i32
    %c0_i32_1 = arith.constant 0 : i32
    return %c0_i32, %c0_i32_0 : i32, i32
  }
  func.func @transform_6(%arg0: i32) -> (i32, i32) {
    %c0_i32 = arith.constant 0 : i32
    %c0_i32_0 = arith.constant 0 : i32
    %c0_i32_1 = arith.constant 0 : i32
    return %c0_i32, %c0_i32_0 : i32, i32
  }
  func.func @transform_7(%arg0: i32) -> (i32, i32) {
    %c0_i32 = arith.constant 0 : i32
    %c0_i32_0 = arith.constant 0 : i32
    return %arg0, %c0_i32 : i32, i32
  }
}

</mosaic_0001>

<sc_bundles>
// kernel: kernel.4.cloned.1.call-start
scs
__scs_entry_jumppad:
0x0: {  	(pc) =	sbr.rel $0x88, $3  }
0x1: {  	(tag) =	ssettag $0x0;
	lr =	simm.s32 $0x1  }
0x2: {  	[smem:$0x3F9A] =	sst lr;
	_ =	strace $0xD0000000  }
0x3: {  	_ = 	snop  }
0x4: {  	_ = 	snop  }
0x5: {  	_ = 	snop  }
0x6: {  	_ = 	snop  }
0x7: {  	_ = 	snop  }
__scs_overlays_trampoline_lowered:
0x8: {  	[smem:$0x3FA9] =	sst s0  }
0x9: {  	[smem:$0x3FAA] =	sst s1  }
0xa: {  	[smem:$0x3FAB] =	sst s2  }
0xb: {  	[smem:$0x3FAC] =	sst s3  }
0xc: {  	[smem:$0x3FAD] =	sst s4  }
0xd: {  	[smem:$0x3FAE] =	sst s5  }
0xe: {  	[smem:$0x3FAF] =	sst s6  }
0xf: {  	[smem:$0x3FB0] =	sst s7  }
0x10: {  	[smem:$0x3FB1] =	sst s8  }
0x11: {  	[smem:$0x3FB2] =	sst s9;
	s0 =	simm.s32 @!p0 $0x0  }
0x12: {  	s1 =	sld [smem:$0x3F98];
	s0 =	simm.s32 @p0 $0x1  }
0x13: {  	[smem:$0x3FB3] =	sst s0;
	s0 =	simm.s32 @!p1 $0x0  }
0x14: {  	s2 =	sld [smem:$0x3F97];
	s0 =	simm.s32 @p1 $0x1  }
0x15: {  	[smem:$0x3FB4] =	sst s0;
	s0 =	simm.s32 @!p2 $0x0  }
0x16: {  	s3 =	sld [smem:$0x3FDB];
	s0 =	simm.s32 @p2 $0x1  }
0x17: {  	s4 =	simm.s32 $0x1BF5;
	[smem:$0x3FB6] =	sst s0  }
0x18: {  	s0 =	sld [smem:$0x3F99];
	_ =	swait.ge [sflag:s4], $0x0  }
0x19: {  	s7 =	sld [smem:$0x3F9A]  }
0x1a: {  	s8 =	sadd.s32 $0xFFFFE003, lr  }
0x1b: {  	s9 =	sadd.s32 $0xFFFFFEF7, lr;
	s5 =	simm.s32 $0xFFFFFFFF;
	p2 =	slt.u32 s8, $0xFFFFF086  }
0x1c: {  	p1 =	slt.u32 s9, $0xF7A;
	s5 =	simm.s32 @!p2 $0x0  }
0x1d: {  	s5 =	simm.s32 @p1 $0x1;
	p0 =	seq.s32 s7, s2  }
0x1e: {  	s7 =	smul.u32 @!p0 $0xF7A, s2;
	p2 =	seq.s32 @!p0 s5, $0x0  }
0x1f: {  	s9 =	smul.u32 $0xF7A, s1;
	s8 =	simm.s32 @!p0 $0x1BF5;
	p2 =	por !p2, p0  }
0x20: {  	[sflag:s8] =	ssyncset.s32 @!p0 $0xFFFFF086;
	s6 =	sadd.s32 @!p0 s3, s7;
	s7 =	simm.s32 @!p0 $0x108  }
0x21: {  	s3 =	sadd.s32 s3, s9;
	s6 =	sadd.s32 @!p0 $0x88, s6;
	s7 =	simm.s32 @p2 $0x1082  }
0x22: {  	[simem:s7], [sflag:s8] =	dma.local @!p0 [hbm:s6], $0xF7A  }
0x23: {  	s9 =	sor.u32 $0xD0000000, s2;
	s6 =	simm.s32 $0x108;
	_ =	swait.ge @!p0 [sflag:s8], $0x0  }
0x24: {  	s3 =	sadd.s32 $0x88, s3;
	s6 =	simm.s32 @!p1 $0x1082;
	[sflag:s4] =	ssyncset.s32 $0xFFFFF086  }
0x25: {  	[simem:s6], [sflag:s4] =	dma.local [hbm:s3], $0xF7A  }
0x26: {  	[smem:$0x3F9A] =	sst s1;
	(tag) =	ssettag s2;
	_ =	strace s9  }
0x27: {  	s1 =	sld [smem:$0x3FAA]  }
0x28: {  	s2 =	sld [smem:$0x3FAB]  }
0x29: {  	s4 =	sld [smem:$0x3FAD]  }
0x2a: {  	p0 =	seq.s32 s5, $0x0;
	s5 =	sld [smem:$0x3FAE]  }
0x2b: {  	s6 =	sld [smem:$0x3FAF]  }
0x2c: {  	s7 =	sld [smem:$0x3FB0]  }
0x2d: {  	s3 =	simm.s32 $0x108;
	s8 =	sld [smem:$0x3FB1]  }
0x2e: {  	s3 =	simm.s32 @!p0 $0x1082;
	s9 =	sld [smem:$0x3FB2]  }
0x2f: {  	lr =	sadd.s32 s0, s3;
	s0 =	sld [smem:$0x3FA9]  }
0x30: {  	s3 =	sld [smem:$0x3FAC]  }
0x31: {  	[smem:$0x3FB5] =	sst s10  }
0x32: {  	s10 =	sld [smem:$0x3FB3];
	_ =	sdelay $0x3  }
0x33: {  	p0 =	seq.s32 s10, $0x1;
	s10 =	sld [smem:$0x3FB5];
	_ =	sdelay $0x3  }
0x34: {  	[smem:$0x3FB5] =	sst s10  }
0x35: {  	s10 =	sld [smem:$0x3FB4];
	_ =	sdelay $0x3  }
0x36: {  	p1 =	seq.s32 s10, $0x1;
	s10 =	sld [smem:$0x3FB5];
	_ =	sdelay $0x3  }
0x37: {  	[smem:$0x3FB5] =	sst s10  }
0x38: {  	s10 =	sld [smem:$0x3FB6]  }
0x39: {  	_ = 	snop;
	(pc) =	sbr.ind lr, $3  }
0x3a: {  	_ = 	snop  }
0x3b: {  	_ = 	snop  }
0x3c: {  	p2 =	seq.s32 s10, $0x1;
	s10 =	sld [smem:$0x3FB5]  }
0x3d: {  	_ =	shalt  }
0x3e: {  	_ =	shalt  }
0x3f: {  	_ =	shalt  }
0x40: {  	_ =	shalt  }
0x41: {  	_ =	shalt  }
0x42: {  	_ =	shalt  }
0x43: {  	_ =	shalt  }
0x44: {  	_ =	shalt  }
0x45: {  	_ =	shalt  }
0x46: {  	_ =	shalt  }
0x47: {  	_ =	shalt  }
0x48: {  	_ =	shalt  }
0x49: {  	_ =	shalt  }
0x4a: {  	_ =	shalt  }
0x4b: {  	_ =	shalt  }
0x4c: {  	_ =	shalt  }
0x4d: {  	_ =	shalt  }
0x4e: {  	_ =	shalt  }
0x4f: {  	_ =	shalt  }
0x50: {  	_ =	shalt  }
0x51: {  	_ =	shalt  }
0x52: {  	_ =	shalt  }
0x53: {  	_ =	shalt  }
0x54: {  	_ =	shalt  }
0x55: {  	_ =	shalt  }
0x56: {  	_ =	shalt  }
0x57: {  	_ =	shalt  }
0x58: {  	_ =	shalt  }
0x59: {  	_ =	shalt  }
0x5a: {  	_ =	shalt  }
0x5b: {  	_ =	shalt  }
0x5c: {  	_ =	shalt  }
0x5d: {  	_ =	shalt  }
0x5e: {  	_ =	shalt  }
0x5f: {  	_ =	shalt  }
0x60: {  	_ =	shalt  }
0x61: {  	_ =	shalt  }
0x62: {  	_ =	shalt  }
0x63: {  	_ =	shalt  }
0x64: {  	_ =	shalt  }
0x65: {  	_ =	shalt  }
0x66: {  	_ =	shalt  }
0x67: {  	_ =	shalt  }
0x68: {  	_ =	shalt  }
0x69: {  	_ =	shalt  }
0x6a: {  	_ =	shalt  }
0x6b: {  	_ =	shalt  }
0x6c: {  	_ =	shalt  }
0x6d: {  	_ =	shalt  }
0x6e: {  	_ =	shalt  }
0x6f: {  	_ =	shalt  }
0x70: {  	_ =	shalt  }
0x71: {  	_ =	shalt  }
0x72: {  	_ =	shalt  }
0x73: {  	_ =	shalt  }
0x74: {  	_ =	shalt  }
0x75: {  	_ =	shalt  }
0x76: {  	_ =	shalt  }
0x77: {  	_ =	shalt  }
0x78: {  	_ =	shalt  }
0x79: {  	_ =	shalt  }
0x7a: {  	_ =	shalt  }
0x7b: {  	_ =	shalt  }
0x7c: {  	_ =	shalt  }
0x7d: {  	_ =	shalt  }
0x7e: {  	_ =	shalt  }
0x7f: {  	_ =	shalt  }
0x80: {  	_ =	shalt  }
0x81: {  	_ =	shalt  }
0x82: {  	_ =	shalt  }
0x83: {  	_ =	shalt  }
0x84: {  	_ =	shalt  }
0x85: {  	_ =	shalt  }
0x86: {  	_ =	shalt  }
0x87: {  	_ =	shalt  }
.Lfunc_end0:
.L_simem_size_0:
called_computation_lowered:
.L_overlay_start_0:
0x88: {  	s2 =	sld [smem:$0x3FD9]  }
0x89: {  	s3 =	sld [smem:$0x3FFE];
	_ =	sdelay $0x1  }
0x8a: {  	s1 =	srdreg.scid  }
0x8b: {  	s0 =	sand.u32 $0x1, s1  }
0x8c: {  	s17 =	sshll.u32 s0, $0xA;
	s2 =	sadd.s32 s3, s2  }
0x8d: {  	s2 =	sadd.s32 s2, s17  }
0x8e: {  	[smem:$0x3FC1] =	sst s2  }
0x8f: {  	_ = 	snop  }
0x90: {  	s2 =	sld [smem:$0x3FC9]  }
0x91: {  	s18 =	sld [smem:$0x3FD0];
	(tm) =	ssettm $0x1  }
0x92: {  	s4 =	sld [smem:$0x3FFB];
	_ =	sdelay $0x3  }
0x93: {  	_ =	strace s4  }
0x94: {  	s4 =	sld [smem:$0x3FFC];
	_ =	sdelay $0x3  }
0x95: {  	_ =	strace s4  }
0x96: {  	s4 =	sld [smem:$0x3FFD];
	_ =	sdelay $0x3  }
0x97: {  	_ =	strace s4  }
0x98: {  	_ =	strace $0x8FFFFFFF  }
0x99: {  	s19 =	sld [smem:$0x3FDB];
	_ =	sdelay $0x1  }
0x9a: {  	s5 =	simm.s32 $_scs_section_size  }
0x9b: {  	s6 =	simm.s32 $_size__tile_overlayer_lowered;
	s7 =	simm.s32 $_tile_overlayer_lowered  }
0x9c: {  	s22 =	simm.s32 $0x1BFF;
	s21 =	sshll.u32 s7, $0x1;
	s4 =	sadd.s32 s5, s19  }
0x9d: {  	s8 =	simm.s32 $0x0;
	s20 =	sshll.u32 s6, $0x1;
	s6 =	sadd.s32 s21, s4  }
0x9e: {  	[timem:s8], [sflag:s22] =	dma.local [hbm:s6], s20  }
0x9f: {  	_ =	swait.ge [sflag:s22], s20  }
0xa0: {  	s5 =	ssub.s32 $0x0, s20;
	[sflag:s22] =	ssyncset.done $0x0  }
0xa1: {  	[sflag:s22] =	ssyncadd.s32 s5;
	_ =	sdelay $0x1  }
0xa2: {  	s23 =	simm.s32 $0x1B8B  }
0xa3: {  	_ =	swait.ge [sflag:s23], $0x1  }
0xa4: {  	[sflag:s23] =	ssyncset.done $0x0  }
0xa5: {  	s25 =	simm.s32 $0x1B8E;
	s24 =	sld [smem:$0x3FFE];
	[sflag:s23] =	ssyncadd.s32 $0xFFFFFFFF  }
0xa6: {  	s26 =	simm.s32 $execute0_lowered;
	[smem:$0x3FD2] =	sst s25  }
0xa7: {  	s6 =	sshll.u32 s26, $0x1;
	_ =	strace $0x80000046;
	[dreg:$0x1] =	wrdreg $0xFFFFFFFF  }
0xa8: {  	s28 =	simm.s32 $_size_execute0_lowered;
	s4 =	sadd.s32 s4, s6;
	[dreg:$0x0] =	wrdreg $0x0  }
0xa9: {  	s6 =	sshll.u32 s28, $0x1;
	[dreg:$0x2] =	wrdreg s4  }
0xaa: {  	[dreg:$0x3] =	wrdreg s6  }
0xab: {  	[dreg:$0x4] =	wrdreg $0xC0  }
0xac: {  	_ =	task [dreg:s8], $0x5FFFF  }
0xad: {  	[dreg:$0x1] =	wrdreg $0xFFFFFFFF  }
0xae: {  	[dreg:$0x0] =	wrdreg $0x60  }
0xaf: {  	[dreg:$0x2] =	wrdreg s18  }
0xb0: {  	[dreg:$0x3] =	wrdreg s24  }
0xb1: {  	[dreg:$0x4] =	wrdreg s2  }
0xb2: {  	[dreg:$0x5] =	wrdreg $0x169000  }
0xb3: {  	[dreg:$0x6] =	wrdreg $0x191000  }
0xb4: {  	[dreg:$0x7] =	wrdreg $0x9  }
0xb5: {  	_ =	task.clear_ibuf [dreg:s8], $0x8FFFF;
	_ =	strace $0x90000046  }
0xb6: {  	s29 =	simm.s32 $0x9;
	_ =	strace $0x80000048  }
0xb7: {  	_ =	swait.ge [sflag:s29], $0x1  }
0xb8: {  	[sflag:s29] =	ssyncadd.s32 $0xFFFFFFFF  }
0xb9: {  	_ =	strace $0x90000048  }
0xba: {  	_ =	sfence  }
0xbb: {  	s30 =	sld [smem:$0x0];
	_ =	sdelay $0x2  }
0xbc: {  	s31 =	sshll.u32 s1, $0xD;
	s1 =	sshrl.u32 s1, $0x2  }
0xbd: {  	s3 =	sand.u32 $0x4000, s31;
	s1 =	sadd.s32 s1, s30  }
0xbe: {  	s0 =	sor.u32 s3, s0;
	s1 =	sshll.u32 s1, $0x11  }
0xbf: {  	s0 =	sor.u32 s1, s0  }
0xc0: {  	s0 =	sadd.s32 $0x8F2B, s0  }
0xc1: {  	[sflag:s0] =	ssyncadd.remote.s32 $0x1  }
0xc2: {  	_ =	sfence.sel $0xFFFF  }
0xc3: {  	[dreg:$0x0] =	wrdreg $0xFFFFFFFF;
	(pc) =	sbr.abs _section_cstart, $3  }
0xc4: {  	[dreg:$0x1] =	wrdreg $0xFFFFFFFF  }
0xc5: {  	_ =	task.clear_ibuf [dreg:s8], $0x2FFFF;
	_ =	strace $0x9FFFFFFF  }
0xc6: {  	(tm) =	ssettm $0x7FFFFFFF  }
0xc7: {  	_ =	shalt  }
tec
execute0_lowered:
.L_overlay_start_1:
0x0: {  	(tag) =	ssettag $0x1  }
0x1: {  	s0 =	rddreg [dreg:$0x0]  }
0x2: {  	s1 =	rddreg [dreg:$0x1]  }
0x3: {  	s2 =	rddreg [dreg:$0x3]  }
0x4: {  	s10 =	rddreg [dreg:$0x4];
	s3 =	stileid.u32  }
0x5: {  	s11 =	simm.s32 $0x0;
	s5 =	srdreg.scid;
	s4 =	smul.u32 $0x50, s3  }
0x6: {  	[smem:$0x7FF] =	sst s11;
	s5 =	sand.u32 $0x1, s5;
	s15 =	smul.u32 $0x5000, s3  }
0x7: {  	s6 =	sadd.s32 $0x1400, s1;
	s7 =	sshrl.u32 s3, $0x3;
	s16 =	smul.u32 $0x9C4, s3  }
0x8: {  	s9 =	sshll.u32 s3, $0x7;
	s23 =	smul.u32 $0xA00, s3;
	_ =	strace $0x80000047  }
0x9: {  	[dreg:$0x11] =	wrdreg s6;
	s14 =	ssub.s32 $0x2, s5;
	s7 =	smul.u32 $0x50000, s7  }
0xa: {  	p0 =	seq.s32 s5, $0x1;
	s9 =	sand.u32 $0x380, s9;
	s8 =	sshrl.u32 s14, $0x1  }
0xb: {  	s4 =	sadd.s32 s4, s1;
	s0 =	sadd.s32 s0, s16;
	s6 =	ssub.s32 s14, s8  }
0xc: {  	[dreg:$0x12] =	wrdreg s0;
	s0 =	sshrl.u32 s23, $0x2;
	s4 =	sadd.s32 $0xE00, s4  }
0xd: {  	s7 =	sshrl.u32 s7, $0x2;
	s8 =	sadd.s32 s0, s10;
	[smem:$0x7AF] =	sst s4  }
0xe: {  	s7 =	sadd.s32 s7, s2;
	s4 =	smax.u32 s6, $0x1;
	[smem:$0x7FB] =	sst s8  }
0xf: {  	s5 =	sshrl.u32 s15, $0x2;
	s17 =	sadd.s32 s9, s7;
	[smem:$0x7FD] =	sst s4  }
0x10: {  	s7 =	sadd.s32 s5, s2;
	[dreg:$0x13] =	wrdreg s17  }
0x11: {  	s18 =	sadd.s32 $0x80, s7;
	[dreg:$0x14] =	wrdreg s7  }
0x12: {  	s19 =	sadd.s32 $0x100, s7;
	[dreg:$0x15] =	wrdreg s18  }
0x13: {  	s20 =	sadd.s32 $0x180, s7;
	[dreg:$0x16] =	wrdreg s19  }
0x14: {  	s21 =	sadd.s32 $0x200, s7;
	[dreg:$0x17] =	wrdreg s20  }
0x15: {  	s22 =	sadd.s32 $0x280, s7;
	[dreg:$0x18] =	wrdreg s21  }
0x16: {  	s2 =	sadd.s32 $0x300, s7;
	[dreg:$0x19] =	wrdreg s22  }
0x17: {  	s24 =	sadd.s32 $0x380, s7;
	[dreg:$0x1a] =	wrdreg s2  }
0x18: {  	s5 =	sadd.s32 $0x14000, s7;
	[dreg:$0x1b] =	wrdreg s24  }
0x19: {  	s26 =	sadd.s32 $0x14080, s7;
	[dreg:$0x1c] =	wrdreg s5  }
0x1a: {  	s28 =	sadd.s32 $0x14100, s7;
	[dreg:$0x1d] =	wrdreg s26  }
0x1b: {  	s30 =	sadd.s32 $0x14180, s7;
	[dreg:$0x1e] =	wrdreg s28  }
0x1c: {  	s10 =	sadd.s32 $0x14200, s7;
	[dreg:$0x1f] =	wrdreg s30  }
0x1d: {  	s12 =	sadd.s32 $0x14280, s7;
	[smem:$0x7B4] =	sst s10  }
0x1e: {  	s13 =	sadd.s32 $0x14300, s7;
	[smem:$0x7B5] =	sst s12  }
0x1f: {  	s14 =	sadd.s32 $0x14380, s7;
	[smem:$0x7B6] =	sst s13  }
0x20: {  	s15 =	sadd.s32 $0x400, s7;
	[smem:$0x7B7] =	sst s14  }
0x21: {  	s16 =	sadd.s32 $0x800, s7;
	[smem:$0x7B8] =	sst s15  }
0x22: {  	s25 =	smul.u32 $0x14000, s3;
	s17 =	sadd.s32 $0xC00, s7;
	[smem:$0x7B9] =	sst s16  }
0x23: {  	s29 =	smul.u32 $0x2800, s3;
	s23 =	sadd.s32 $0x500, s7;
	[smem:$0x7BA] =	sst s17  }
0x24: {  	p1 =	sne.s32 s3, $0x0;
	s3 =	sadd.s32 $0xE00, s7;
	[smem:$0x7C0] =	sst s23  }
0x25: {  	s6 =	sadd.s32 $0x680, s7;
	[smem:$0x7CA] =	sst s3  }
0x26: {  	s18 =	sadd.s32 $0x1000, s7;
	[smem:$0x7CC] =	sst s6  }
0x27: {  	s19 =	sadd.s32 $0x480, s7;
	[smem:$0x7BB] =	sst s18  }
0x28: {  	s20 =	sadd.s32 $0x880, s7;
	[smem:$0x7BC] =	sst s19  }
0x29: {  	s21 =	sadd.s32 $0xC80, s7;
	[smem:$0x7BD] =	sst s20  }
0x2a: {  	s22 =	sadd.s32 $0x1080, s7;
	[smem:$0x7BE] =	sst s21  }
0x2b: {  	s24 =	sadd.s32 $0x900, s7;
	[smem:$0x7BF] =	sst s22  }
0x2c: {  	s2 =	sshrl.u32 s25, $0x3;
	s25 =	sadd.s32 $0xD00, s7;
	[smem:$0x7C1] =	sst s24  }
0x2d: {  	s26 =	sadd.s32 $0x1100, s7;
	[smem:$0x7C2] =	sst s25  }
0x2e: {  	s28 =	sadd.s32 $0x580, s7;
	[smem:$0x7C3] =	sst s26  }
0x2f: {  	s30 =	sadd.s32 $0xD80, s7;
	[smem:$0x7C4] =	sst s28  }
0x30: {  	s10 =	sadd.s32 $0xE80, s7;
	[smem:$0x7C6] =	sst s30  }
0x31: {  	s12 =	sadd.s32 $0x1280, s7;
	[smem:$0x7CE] =	sst s10  }
0x32: {  	s13 =	sadd.s32 $0x700, s7;
	[smem:$0x7CF] =	sst s12  }
0x33: {  	s14 =	sadd.s32 $0xB00, s7;
	[smem:$0x7D0] =	sst s13  }
0x34: {  	s15 =	sadd.s32 $0xF00, s7;
	[smem:$0x7D1] =	sst s14  }
0x35: {  	s16 =	sadd.s32 $0x1300, s7;
	[smem:$0x7D2] =	sst s15  }
0x36: {  	s17 =	sadd.s32 $0x780, s7;
	[smem:$0x7D3] =	sst s16  }
0x37: {  	s23 =	sadd.s32 $0x14C00, s7;
	[smem:$0x7D4] =	sst s17  }
0x38: {  	s3 =	sadd.s32 $0x14580, s7;
	[smem:$0x7DA] =	sst s23  }
0x39: {  	s1 =	sadd.s32 $0x1A00, s1;
	s6 =	sadd.s32 $0x14D80, s7;
	[smem:$0x7E4] =	sst s3  }
0x3a: {  	s31 =	sadd.s32 s1, s2;
	s1 =	sadd.s32 s1, s29;
	[smem:$0x7E6] =	sst s6  }
0x3b: {  	s29 =	sadd.s32 $0x980, s7;
	[smem:$0x7B0] =	sst s1  }
0x3c: {  	s2 =	sadd.s32 $0xA00, s7;
	[smem:$0x7C5] =	sst s29  }
0x3d: {  	s18 =	sadd.s32 $0xB80, s7;
	[smem:$0x7C9] =	sst s2  }
0x3e: {  	s19 =	sadd.s32 $0xF80, s7;
	[smem:$0x7D5] =	sst s18  }
0x3f: {  	s20 =	sadd.s32 $0x1380, s7;
	[smem:$0x7D6] =	sst s19  }
0x40: {  	s21 =	sadd.s32 $0x14400, s7;
	[smem:$0x7D7] =	sst s20  }
0x41: {  	s22 =	sadd.s32 $0x14800, s7;
	[smem:$0x7D8] =	sst s21  }
0x42: {  	s24 =	sadd.s32 $0x15000, s7;
	[smem:$0x7D9] =	sst s22  }
0x43: {  	s25 =	sadd.s32 $0x14480, s7;
	[smem:$0x7DB] =	sst s24  }
0x44: {  	s26 =	sadd.s32 $0x14880, s7;
	[smem:$0x7DC] =	sst s25  }
0x45: {  	s28 =	sadd.s32 $0x14C80, s7;
	[smem:$0x7DD] =	sst s26  }
0x46: {  	s30 =	sadd.s32 $0x14500, s7;
	[smem:$0x7DE] =	sst s28  }
0x47: {  	s10 =	sadd.s32 $0x14600, s7;
	[smem:$0x7E0] =	sst s30  }
0x48: {  	s12 =	sadd.s32 $0x14A00, s7;
	[smem:$0x7E8] =	sst s10  }
0x49: {  	s13 =	sadd.s32 $0x14E00, s7;
	[smem:$0x7E9] =	sst s12  }
0x4a: {  	s14 =	sadd.s32 $0x15200, s7;
	[smem:$0x7EA] =	sst s13  }
0x4b: {  	s15 =	sadd.s32 $0x14680, s7;
	[smem:$0x7EB] =	sst s14  }
0x4c: {  	s16 =	sadd.s32 $0x14A80, s7;
	[smem:$0x7EC] =	sst s15  }
0x4d: {  	s17 =	sadd.s32 $0x14E80, s7;
	[smem:$0x7ED] =	sst s16  }
0x4e: {  	s23 =	sadd.s32 $0x14780, s7;
	[smem:$0x7EE] =	sst s17  }
0x4f: {  	s5 =	sadd.s32 $0xA00, s31;
	[smem:$0x7F4] =	sst s23  }
0x50: {  	s9 =	sadd.s32 $0x1400, s31;
	[smem:$0x7B1] =	sst s5  }
0x51: {  	s0 =	sadd.s32 $0x1E00, s31;
	[smem:$0x7B2] =	sst s9  }
0x52: {  	s31 =	sadd.s32 $0x1180, s7;
	[smem:$0x7B3] =	sst s0  }
0x53: {  	s1 =	sadd.s32 $0x600, s7;
	[smem:$0x7C7] =	sst s31  }
0x54: {  	s29 =	sadd.s32 $0x15080, s7;
	[smem:$0x7C8] =	sst s1  }
0x55: {  	s2 =	sadd.s32 $0x15100, s7;
	[smem:$0x7DF] =	sst s29  }
0x56: {  	s18 =	sadd.s32 $0x15280, s7;
	[smem:$0x7E3] =	sst s2  }
0x57: {  	s19 =	sadd.s32 $0x14700, s7;
	[smem:$0x7EF] =	sst s18  }
0x58: {  	s20 =	sadd.s32 $0x14B00, s7;
	[smem:$0x7F0] =	sst s19  }
0x59: {  	s21 =	sadd.s32 $0x14F00, s7;
	[smem:$0x7F1] =	sst s20  }
0x5a: {  	s22 =	sadd.s32 $0x15300, s7;
	[smem:$0x7F2] =	sst s21  }
0x5b: {  	s24 =	sadd.s32 $0x14B80, s7;
	[smem:$0x7F3] =	sst s22  }
0x5c: {  	s25 =	sadd.s32 $0x14F80, s7;
	[smem:$0x7F5] =	sst s24  }
0x5d: {  	s26 =	sadd.s32 $0x15380, s7;
	[smem:$0x7F6] =	sst s25  }
0x5e: {  	s28 =	sadd.s32 $0x80, s8;
	[smem:$0x7F7] =	sst s26  }
0x5f: {  	s30 =	sadd.s32 $0x180, s8;
	[smem:$0x7F8] =	sst s28  }
0x60: {  	s5 =	sadd.s32 $0x1200, s7;
	[smem:$0x7FA] =	sst s30  }
0x61: {  	s12 =	simm.s32 $0x4E80;
	s9 =	sadd.s32 $0xA80, s7;
	[smem:$0x7CB] =	sst s5  }
0x62: {  	s13 =	simm.s32 $0x7680;
	s31 =	sadd.s32 $0x14900, s7;
	[smem:$0x7CD] =	sst s9  }
0x63: {  	s14 =	simm.s32 $0x7A80;
	s1 =	sadd.s32 $0x14D00, s7;
	[smem:$0x7E1] =	sst s31  }
.Ltmp0:
0x64: {  	s29 =	sadd.s32 $0x100, s8;
	[smem:$0x7E2] =	sst s1;
	(pc) =	sbr.rel .LBB2_1-.Ltmp0, $4  }
0x65: {  	s15 =	simm.s32 $0x7E80;
	s5 =	sadd.s32 $0x14980, s7;
	[smem:$0x7F9] =	sst s29  }
0x66: {  	s16 =	simm.s32 $0x8280;
	s9 =	sadd.s32 $0x15180, s7;
	[smem:$0x7E5] =	sst s5  }
0x67: {  	s17 =	simm.s32 $0x8680;
	s31 =	sadd.s32 $0x200, s8;
	[smem:$0x7E7] =	sst s9  }
0x68: {  	v0 =	vimm.s32 $0x0;
	v1 =	vimm.s32 $0x1;
	s18 =	simm.s32 $0x0;
	[smem:$0x7FC] =	sst s31;
	s5 =	simm.s32 $0x6  }
.LBB2_14:
0x69: {  	s0 =	sld [smem:$0x7AF];
	_ =	sdelay $0x1  }
0x6a: {  	s1 =	simm.s32 $0xC680  }
0x6b: {  	[tilespmem:s1], [sflag:$0x6] =	stream.linear.gather [hbm4b:s0+s11], $0x280, $0x38;
	[tilespmem:$0x19380] =	vst v63  }
0x6c: {  	_ =	swait.ge [sflag:s5], $0x280  }
0x6d: {  	[sflag:s5] =	ssyncset.done $0x0  }
0x6e: {  	[sflag:s5] =	ssyncadd.s32 $0xFFFFFD80  }
0x6f: {  	s2 =	simm.s32 $0xA0;
	s3 =	simm.s32 $0xC900;
	s23 =	rddreg [dreg:$0x2]  }
0x70: {  	[tilespmem:s3], [sflag:$0x2] =	stream.indirect.gather [hbm4b:s23+s2], $0x80, s1, s2, $0xb8;
	[tilespmem:$0x19380] =	vst v63  }
0x71: {  	s24 =	simm.s32 $0xC720;
	s6 =	simm.s32 $0x11900;
	s7 =	simm.s32 $0x2  }
0x72: {  	[tilespmem:s6], [sflag:$0x3] =	stream.indirect.gather [hbm4b:s23+s2], $0x80, s24, s2, $0xb8;
	[tilespmem:$0x19380] =	vst v63  }
0x73: {  	_ =	swait.ge [sflag:s7], $0x5000  }
0x74: {  	s25 =	sld [smem:$0x7B0]  }
0x75: {  	[sflag:s7] =	ssyncset.done $0x0  }
0x76: {  	s8 =	simm.s32 $0x4;
	[sflag:s7] =	ssyncadd.s32 $0xFFFFB000  }
0x77: {  	[hbm4b:s25+s11] =	stream.linear.scatter [tilespmem:s3], [sflag:$0x4], $0x5000, $0x38;
	[tilespmem:$0x19380] =	vst v63  }
0x78: {  	_ =	swait.ge [sflag:s8], $0x5000  }
0x79: {  	[sflag:s8] =	ssyncset.done $0x0  }
0x7a: {  	s26 =	simm.s32 $0xC7C0;
	s9 =	simm.s32 $0x3;
	[sflag:s8] =	ssyncadd.s32 $0xFFFFB000  }
0x7b: {  	[tilespmem:s3], [sflag:$0x2] =	stream.indirect.gather [hbm4b:s23+s2], $0x80, s26, s2, $0xb8;
	[tilespmem:$0x19380] =	vst v63  }
0x7c: {  	_ =	swait.ge [sflag:s9], $0x5000  }
0x7d: {  	s28 =	sld [smem:$0x7B1]  }
0x7e: {  	[sflag:s9] =	ssyncset.done $0x0  }
0x7f: {  	s29 =	simm.s32 $0x5;
	[sflag:s9] =	ssyncadd.s32 $0xFFFFB000  }
0x80: {  	[hbm4b:s28+s11] =	stream.linear.scatter [tilespmem:s6], [sflag:$0x5], $0x5000, $0x38;
	[tilespmem:$0x19380] =	vst v63  }
0x81: {  	_ =	swait.ge [sflag:s29], $0x5000  }
0x82: {  	[sflag:s29] =	ssyncset.done $0x0  }
0x83: {  	s10 =	simm.s32 $0xC860;
	[sflag:s29] =	ssyncadd.s32 $0xFFFFB000  }
0x84: {  	[tilespmem:s6], [sflag:$0x3] =	stream.indirect.gather [hbm4b:s23+s2], $0x80, s10, s2, $0xb8;
	[tilespmem:$0x19380] =	vst v63  }
0x85: {  	_ =	swait.ge [sflag:s7], $0x5000  }
0x86: {  	s30 =	sld [smem:$0x7B2]  }
0x87: {  	[sflag:s7] =	ssyncset.done $0x0  }
0x88: {  	[sflag:s7] =	ssyncadd.s32 $0xFFFFB000  }
0x89: {  	[hbm4b:s30+s11] =	stream.linear.scatter [tilespmem:s3], [sflag:$0x4], $0x5000, $0x38;
	[tilespmem:$0x19380] =	vst v63  }
0x8a: {  	_ =	swait.ge [sflag:s9], $0x5000  }
0x8b: {  	s31 =	sld [smem:$0x7B3]  }
0x8c: {  	[sflag:s9] =	ssyncset.done $0x0  }
0x8d: {  	[sflag:s9] =	ssyncadd.s32 $0xFFFFB000  }
0x8e: {  	[hbm4b:s31+s11] =	stream.linear.scatter [tilespmem:s6], [sflag:$0x5], $0x5000, $0x38;
	[tilespmem:$0x19380] =	vst v63  }
0x8f: {  	_ =	swait.ge [sflag:s8], $0x5000  }
0x90: {  	[sflag:s8] =	ssyncset.done $0x0  }
0x91: {  	[sflag:s8] =	ssyncadd.s32 $0xFFFFB000  }
0x92: {  	_ =	swait.ge [sflag:s29], $0x5000  }
0x93: {  	[sflag:s29] =	ssyncset.done $0x0  }
0x94: {  	[sflag:s29] =	ssyncadd.s32 $0xFFFFB000  }
.LBB2_15:
0x95: {  	s18 =	sadd.s32 $0x1, s18  }
0x96: {  	p2 =	sne.s32 s18, s4  }
.Ltmp1:
0x97: {  	_ = 	snop;
	(pc) =	sbr.rel @!p2 .LBB2_16-.Ltmp1, $1  }
0x98: {  	_ =	sdelay $0x3  }
.LBB2_1:
.Ltmp2:
0x99: {  	(pc) =	sbr.rel @p0 .LBB2_14-.Ltmp2, $1  }
0x9a: {  	_ =	sdelay $0x3  }
0x9b: {  	s0 =	rddreg [dreg:$0x12]  }
0x9c: {  	[tilespmem:s11], [sflag:$0x1] =	stream.linear.gather [hbm4b:s0+s11], $0x4E20, $0x38;
	[tilespmem:$0x19380] =	vst v63  }
0x9d: {  	s0 =	simm.s32 $0x4EC0  }
0x9e: {  	[tilespmem:s0+$0xFFFFFFC0] =	vst v0  }
0x9f: {  	[tilespmem:s0+$0x30] =	vst v0  }
0xa0: {  	[tilespmem:s0+$0x20] =	vst v0  }
0xa1: {  	[tilespmem:s0+$0x10] =	vst v0  }
0xa2: {  	[tilespmem:s0+$0x0] =	vst v0  }
0xa3: {  	[tilespmem:s0+$0xFFFFFFF0] =	vst v0  }
0xa4: {  	s1 =	simm.s32 $0x0;
	[tilespmem:s0+$0xFFFFFFE0] =	vst v0  }
.LBB2_3:
0xa5: {  	s1 =	sadd.s32 $0x8, s1;
	[tilespmem:s0+$0xFFFFFFD0] =	vst v0;
	s0 =	sadd.s32 $0x80, s0  }
0xa6: {  	[tilespmem:s0+$0xFFFFFFC0] =	vst v0;
	p2 =	slt.u32 s1, $0x278  }
0xa7: {  	[tilespmem:s0+$0x30] =	vst v0  }
.Ltmp3:
0xa8: {  	[tilespmem:s0+$0x20] =	vst v0;
	(pc) =	sbr.rel @p2 .LBB2_3-.Ltmp3, $4  }
0xa9: {  	[tilespmem:s0+$0x10] =	vst v0  }
0xaa: {  	[tilespmem:s0+$0x0] =	vst v0  }
0xab: {  	[tilespmem:s0+$0xFFFFFFF0] =	vst v0  }
0xac: {  	[tilespmem:s0+$0xFFFFFFE0] =	vst v0  }
0xad: {  	[smem:$0x7AE] =	sst s18;
	[tilespmem:s0+$0xFFFFFFD0] =	vst v0;
	s31 =	simm.s32 $0x1  }
0xae: {  	_ =	swait.ge [sflag:s31], $0x4E20  }
0xaf: {  	[sflag:s31] =	ssyncset.done $0x0  }
0xb0: {  	s0 =	simm.s32 $0xFFFFFFF8;
	s1 =	simm.s32 $0x40;
	[sflag:s31] =	ssyncadd.s32 $0xFFFFB1E0  }
.LBB2_5:
0xb1: {  	v2 =	vld [tilespmem:s1+$0xFFFFFFC0];
	_ =	sdelay $0x7  }
0xb2: {  	[tilespmem:v2+s12+$0x0] =	vst.idx.add.s32.msk $0xffff, v1  }
0xb3: {  	v2 =	vld [tilespmem:s1+$0xFFFFFFD0];
	_ =	sdelay $0x7  }
0xb4: {  	[tilespmem:v2+s12+$0x0] =	vst.idx.add.s32.msk $0xffff, v1  }
0xb5: {  	v2 =	vld [tilespmem:s1+$0xFFFFFFE0];
	_ =	sdelay $0x7  }
0xb6: {  	[tilespmem:v2+s12+$0x0] =	vst.idx.add.s32.msk $0xffff, v1  }
0xb7: {  	v2 =	vld [tilespmem:s1+$0xFFFFFFF0];
	_ =	sdelay $0x7  }
0xb8: {  	[tilespmem:v2+s12+$0x0] =	vst.idx.add.s32.msk $0xffff, v1  }
0xb9: {  	v2 =	vld [tilespmem:s1+$0x0];
	_ =	sdelay $0x7  }
0xba: {  	[tilespmem:v2+s12+$0x0] =	vst.idx.add.s32.msk $0xffff, v1  }
0xbb: {  	v2 =	vld [tilespmem:s1+$0x10];
	_ =	sdelay $0x7  }
0xbc: {  	[tilespmem:v2+s12+$0x0] =	vst.idx.add.s32.msk $0xffff, v1  }
0xbd: {  	v2 =	vld [tilespmem:s1+$0x20];
	_ =	sdelay $0x7  }
0xbe: {  	[tilespmem:v2+s12+$0x0] =	vst.idx.add.s32.msk $0xffff, v1  }
0xbf: {  	v2 =	vld [tilespmem:s1+$0x30];
	_ =	sdelay $0x1  }
0xc0: {  	s0 =	sadd.s32 $0x8, s0  }
0xc1: {  	p2 =	slt.u32 s0, $0x4D8  }
.Ltmp4:
0xc2: {  	_ = 	snop;
	(pc) =	sbr.rel @p2 .LBB2_5-.Ltmp4, $2  }
0xc3: {  	_ =	sdelay $0x2  }
0xc4: {  	s1 =	sadd.s32 $0x80, s1;
	[tilespmem:v2+s12+$0x0] =	vst.idx.add.s32.msk $0xffff, v1  }
0xc5: {  	v2 =	vld [tilespmem:$0x4E00];
	_ =	sdelay $0x7  }
0xc6: {  	[tilespmem:v2+s12+$0x0] =	vst.idx.add.s32.msk $0xffff, v1  }
0xc7: {  	v2 =	vld [tilespmem:$0x4E10];
	_ =	sdelay $0x7  }
0xc8: {  	s0 =	rddreg [dreg:$0x13];
	s1 =	simm.s32 $0x80;
	s2 =	simm.s32 $0x400;
	[tilespmem:v2+s12+$0x0] =	vst.idx.add.s32.msk $0xffff, v1  }
0xc9: {  	[spmem:s0] =	stream.strided.scatter [tilespmem:s12], [sflag:$0x6], $0x2800, s2, s1, $0x38;
	[tilespmem:$0x19380] =	vst v63  }
0xca: {  	_ =	swait.ge [sflag:s5], $0x2800  }
0xcb: {  	[sflag:s5] =	ssyncset.done $0x0  }
0xcc: {  	[sflag:s5] =	ssyncadd.s32 $0xFFFFD800  }
0xcd: {  	[bflag:$0x0] =	sbarrier.arrive $0xFFFF  }
0xce: {  	s22 =	rddreg [dreg:$0x14]  }
0xcf: {  	s23 =	sld [smem:$0x7B8]  }
0xd0: {  	[tilespmem:s13], [sflag:$0x6] =	stream.linear.gather [spmem:s22], $0x80, $0x38;
	[tilespmem:$0x19380] =	vst v63  }
0xd1: {  	s24 =	sld [smem:$0x7B9]  }
0xd2: {  	[tilespmem:s14], [sflag:$0x6] =	stream.linear.gather [spmem:s23], $0x80, $0x38;
	[tilespmem:$0x19380] =	vst v63  }
0xd3: {  	s25 =	sld [smem:$0x7BA]  }
0xd4: {  	[tilespmem:s15], [sflag:$0x6] =	stream.linear.gather [spmem:s24], $0x80, $0x38;
	[tilespmem:$0x19380] =	vst v63  }
0xd5: {  	s26 =	sld [smem:$0x7BB]  }
0xd6: {  	[tilespmem:s16], [sflag:$0x6] =	stream.linear.gather [spmem:s25], $0x80, $0x38;
	[tilespmem:$0x19380] =	vst v63  }
0xd7: {  	_ = 	snop  }
0xd8: {  	[tilespmem:s17], [sflag:$0x6] =	stream.linear.gather [spmem:s26], $0x80, $0x38;
	[tilespmem:$0x19380] =	vst v63  }
0xd9: {  	_ =	swait.ge [sflag:s5], $0x280  }
0xda: {  	[sflag:s5] =	ssyncset.done $0x0;
	s30 =	rddreg [dreg:$0x15]  }
0xdb: {  	s31 =	simm.s32 $0x7700;
	s2 =	sld [smem:$0x7BC];
	[sflag:s5] =	ssyncadd.s32 $0xFFFFFD80  }
0xdc: {  	[tilespmem:s31], [sflag:$0x6] =	stream.linear.gather [spmem:s30], $0x80, $0x38;
	[tilespmem:$0x19380] =	vst v63  }
0xdd: {  	s3 =	simm.s32 $0x7B00;
	s4 =	sld [smem:$0x7BD]  }
0xde: {  	[tilespmem:s3], [sflag:$0x6] =	stream.linear.gather [spmem:s2], $0x80, $0x38;
	[tilespmem:$0x19380] =	vst v63  }
0xdf: {  	s6 =	simm.s32 $0x7F00;
	s7 =	sld [smem:$0x7BE]  }
0xe0: {  	[tilespmem:s6], [sflag:$0x6] =	stream.linear.gather [spmem:s4], $0x80, $0x38;
	[tilespmem:$0x19380] =	vst v63  }
0xe1: {  	s8 =	simm.s32 $0x8300;
	s9 =	sld [smem:$0x7BF]  }
0xe2: {  	[tilespmem:s8], [sflag:$0x6] =	stream.linear.gather [spmem:s7], $0x80, $0x38;
	[tilespmem:$0x19380] =	vst v63  }
0xe3: {  	s10 =	simm.s32 $0x8700  }
0xe4: {  	[tilespmem:s10], [sflag:$0x6] =	stream.linear.gather [spmem:s9], $0x80, $0x38;
	[tilespmem:$0x19380] =	vst v63  }
0xe5: {  	_ =	swait.ge [sflag:s5], $0x280  }
0xe6: {  	[sflag:s5] =	ssyncset.done $0x0;
	s11 =	rddreg [dreg:$0x16]  }
0xe7: {  	s12 =	simm.s32 $0x7780;
	s13 =	sld [smem:$0x7C0];
	[sflag:s5] =	ssyncadd.s32 $0xFFFFFD80  }
0xe8: {  	[tilespmem:s12], [sflag:$0x6] =	stream.linear.gather [spmem:s11], $0x80, $0x38;
	[tilespmem:$0x19380] =	vst v63  }
0xe9: {  	s14 =	simm.s32 $0x7B80;
	s15 =	sld [smem:$0x7C1]  }
0xea: {  	[tilespmem:s14], [sflag:$0x6] =	stream.linear.gather [spmem:s13], $0x80, $0x38;
	[tilespmem:$0x19380] =	vst v63  }
0xeb: {  	s16 =	simm.s32 $0x7F80;
	s17 =	sld [smem:$0x7C2]  }
0xec: {  	[tilespmem:s16], [sflag:$0x6] =	stream.linear.gather [spmem:s15], $0x80, $0x38;
	[tilespmem:$0x19380] =	vst v63  }
0xed: {  	s18 =	simm.s32 $0x8380;
	s19 =	sld [smem:$0x7C3]  }
0xee: {  	[tilespmem:s18], [sflag:$0x6] =	stream.linear.gather [spmem:s17], $0x80, $0x38;
	[tilespmem:$0x19380] =	vst v63  }
0xef: {  	s20 =	simm.s32 $0x8780  }
0xf0: {  	[tilespmem:s20], [sflag:$0x6] =	stream.linear.gather [spmem:s19], $0x80, $0x38;
	[tilespmem:$0x19380] =	vst v63  }
0xf1: {  	_ =	swait.ge [sflag:s5], $0x280  }
0xf2: {  	[sflag:s5] =	ssyncset.done $0x0;
	s21 =	rddreg [dreg:$0x17]  }
0xf3: {  	s22 =	simm.s32 $0x7800;
	s23 =	sld [smem:$0x7C4];
	[sflag:s5] =	ssyncadd.s32 $0xFFFFFD80  }
0xf4: {  	[tilespmem:s22], [sflag:$0x6] =	stream.linear.gather [spmem:s21], $0x80, $0x38;
	[tilespmem:$0x19380] =	vst v63  }
0xf5: {  	s24 =	simm.s32 $0x7C00;
	s25 =	sld [smem:$0x7C5]  }
0xf6: {  	[tilespmem:s24], [sflag:$0x6] =	stream.linear.gather [spmem:s23], $0x80, $0x38;
	[tilespmem:$0x19380] =	vst v63  }
0xf7: {  	s26 =	simm.s32 $0x8000;
	s30 =	sld [smem:$0x7C6]  }
0xf8: {  	[tilespmem:s26], [sflag:$0x6] =	stream.linear.gather [spmem:s25], $0x80, $0x38;
	[tilespmem:$0x19380] =	vst v63  }
0xf9: {  	s31 =	simm.s32 $0x8400;
	s2 =	sld [smem:$0x7C7]  }
0xfa: {  	[tilespmem:s31], [sflag:$0x6] =	stream.linear.gather [spmem:s30], $0x80, $0x38;
	[tilespmem:$0x19380] =	vst v63  }
0xfb: {  	s3 =	simm.s32 $0x8800  }
0xfc: {  	[tilespmem:s3], [sflag:$0x6] =	stream.linear.gather [spmem:s2], $0x80, $0x38;
	[tilespmem:$0x19380] =	vst v63  }
0xfd: {  	_ =	swait.ge [sflag:s5], $0x280  }
0xfe: {  	[sflag:s5] =	ssyncset.done $0x0;
	s4 =	rddreg [dreg:$0x18]  }
0xff: {  	s6 =	simm.s32 $0x7880;
	s7 =	sld [smem:$0x7C8];
	[sflag:s5] =	ssyncadd.s32 $0xFFFFFD80  }
0x100: {  	[tilespmem:s6], [sflag:$0x6] =	stream.linear.gather [spmem:s4], $0x80, $0x38;
	[tilespmem:$0x19380] =	vst v63  }
0x101: {  	s8 =	simm.s32 $0x7C80;
	s9 =	sld [smem:$0x7C9]  }
0x102: {  	[tilespmem:s8], [sflag:$0x6] =	stream.linear.gather [spmem:s7], $0x80, $0x38;
	[tilespmem:$0x19380] =	vst v63  }
0x103: {  	s10 =	simm.s32 $0x8080;
	s11 =	sld [smem:$0x7CA]  }
0x104: {  	[tilespmem:s10], [sflag:$0x6] =	stream.linear.gather [spmem:s9], $0x80, $0x38;
	[tilespmem:$0x19380] =	vst v63  }
0x105: {  	s12 =	simm.s32 $0x8480;
	s13 =	sld [smem:$0x7CB]  }
0x106: {  	[tilespmem:s12], [sflag:$0x6] =	stream.linear.gather [spmem:s11], $0x80, $0x38;
	[tilespmem:$0x19380] =	vst v63  }
0x107: {  	s14 =	simm.s32 $0x8880  }
0x108: {  	[tilespmem:s14], [sflag:$0x6] =	stream.linear.gather [spmem:s13], $0x80, $0x38;
	[tilespmem:$0x19380] =	vst v63  }
0x109: {  	_ =	swait.ge [sflag:s5], $0x280  }
0x10a: {  	[sflag:s5] =	ssyncset.done $0x0;
	s15 =	rddreg [dreg:$0x19]  }
0x10b: {  	s16 =	simm.s32 $0x7900;
	s17 =	sld [smem:$0x7CC];
	[sflag:s5] =	ssyncadd.s32 $0xFFFFFD80  }
0x10c: {  	[tilespmem:s16], [sflag:$0x6] =	stream.linear.gather [spmem:s15], $0x80, $0x38;
	[tilespmem:$0x19380] =	vst v63  }
0x10d: {  	s18 =	simm.s32 $0x7D00;
	s19 =	sld [smem:$0x7CD]  }
0x10e: {  	[tilespmem:s18], [sflag:$0x6] =	stream.linear.gather [spmem:s17], $0x80, $0x38;
	[tilespmem:$0x19380] =	vst v63  }
0x10f: {  	s20 =	simm.s32 $0x8100;
	s21 =	sld [smem:$0x7CE]  }
0x110: {  	[tilespmem:s20], [sflag:$0x6] =	stream.linear.gather [spmem:s19], $0x80, $0x38;
	[tilespmem:$0x19380] =	vst v63  }
0x111: {  	s22 =	simm.s32 $0x8500;
	s23 =	sld [smem:$0x7CF]  }
0x112: {  	[tilespmem:s22], [sflag:$0x6] =	stream.linear.gather [spmem:s21], $0x80, $0x38;
	[tilespmem:$0x19380] =	vst v63  }
0x113: {  	s24 =	simm.s32 $0x8900  }
0x114: {  	[tilespmem:s24], [sflag:$0x6] =	stream.linear.gather [spmem:s23], $0x80, $0x38;
	[tilespmem:$0x19380] =	vst v63  }
0x115: {  	_ =	swait.ge [sflag:s5], $0x280  }
0x116: {  	[sflag:s5] =	ssyncset.done $0x0;
	s25 =	rddreg [dreg:$0x1a]  }
0x117: {  	s26 =	simm.s32 $0x7980;
	s30 =	sld [smem:$0x7D0];
	[sflag:s5] =	ssyncadd.s32 $0xFFFFFD80  }
0x118: {  	[tilespmem:s26], [sflag:$0x6] =	stream.linear.gather [spmem:s25], $0x80, $0x38;
	[tilespmem:$0x19380] =	vst v63  }
0x119: {  	s31 =	simm.s32 $0x7D80;
	s2 =	sld [smem:$0x7D1]  }
0x11a: {  	[tilespmem:s31], [sflag:$0x6] =	stream.linear.gather [spmem:s30], $0x80, $0x38;
	[tilespmem:$0x19380] =	vst v63  }
0x11b: {  	s3 =	simm.s32 $0x8180;
	s4 =	sld [smem:$0x7D2]  }
0x11c: {  	[tilespmem:s3], [sflag:$0x6] =	stream.linear.gather [spmem:s2], $0x80, $0x38;
	[tilespmem:$0x19380] =	vst v63  }
0x11d: {  	s6 =	simm.s32 $0x8580;
	s7 =	sld [smem:$0x7D3]  }
0x11e: {  	[tilespmem:s6], [sflag:$0x6] =	stream.linear.gather [spmem:s4], $0x80, $0x38;
	[tilespmem:$0x19380] =	vst v63  }
0x11f: {  	s8 =	simm.s32 $0x8980  }
0x120: {  	[tilespmem:s8], [sflag:$0x6] =	stream.linear.gather [spmem:s7], $0x80, $0x38;
	[tilespmem:$0x19380] =	vst v63  }
0x121: {  	_ =	swait.ge [sflag:s5], $0x280  }
0x122: {  	[sflag:s5] =	ssyncset.done $0x0;
	s9 =	rddreg [dreg:$0x1b]  }
0x123: {  	s10 =	simm.s32 $0x7A00;
	s11 =	sld [smem:$0x7D4];
	[sflag:s5] =	ssyncadd.s32 $0xFFFFFD80  }
0x124: {  	[tilespmem:s10], [sflag:$0x6] =	stream.linear.gather [spmem:s9], $0x80, $0x38;
	[tilespmem:$0x19380] =	vst v63  }
0x125: {  	s12 =	simm.s32 $0x7E00;
	s13 =	sld [smem:$0x7D5]  }
0x126: {  	[tilespmem:s12], [sflag:$0x6] =	stream.linear.gather [spmem:s11], $0x80, $0x38;
	[tilespmem:$0x19380] =	vst v63  }
0x127: {  	s14 =	simm.s32 $0x8200;
	s15 =	sld [smem:$0x7D6]  }
0x128: {  	[tilespmem:s14], [sflag:$0x6] =	stream.linear.gather [spmem:s13], $0x80, $0x38;
	[tilespmem:$0x19380] =	vst v63  }
0x129: {  	s16 =	simm.s32 $0x8600;
	s17 =	sld [smem:$0x7D7]  }
0x12a: {  	[tilespmem:s16], [sflag:$0x6] =	stream.linear.gather [spmem:s15], $0x80, $0x38;
	[tilespmem:$0x19380] =	vst v63  }
0x12b: {  	s18 =	simm.s32 $0x8A00  }
0x12c: {  	[tilespmem:s18], [sflag:$0x6] =	stream.linear.gather [spmem:s17], $0x80, $0x38;
	[tilespmem:$0x19380] =	vst v63  }
0x12d: {  	_ =	swait.ge [sflag:s5], $0x280  }
0x12e: {  	[sflag:s5] =	ssyncset.done $0x0;
	s19 =	rddreg [dreg:$0x1c]  }
0x12f: {  	s20 =	simm.s32 $0x8A80;
	s21 =	sld [smem:$0x7D8];
	[sflag:s5] =	ssyncadd.s32 $0xFFFFFD80  }
0x130: {  	[tilespmem:s20], [sflag:$0x6] =	stream.linear.gather [spmem:s19], $0x80, $0x38;
	[tilespmem:$0x19380] =	vst v63  }
0x131: {  	s22 =	simm.s32 $0x8E80;
	s23 =	sld [smem:$0x7D9]  }
0x132: {  	[tilespmem:s22], [sflag:$0x6] =	stream.linear.gather [spmem:s21], $0x80, $0x38;
	[tilespmem:$0x19380] =	vst v63  }
0x133: {  	s24 =	simm.s32 $0x9280;
	s25 =	sld [smem:$0x7DA]  }
0x134: {  	[tilespmem:s24], [sflag:$0x6] =	stream.linear.gather [spmem:s23], $0x80, $0x38;
	[tilespmem:$0x19380] =	vst v63  }
0x135: {  	s26 =	simm.s32 $0x9680;
	s30 =	sld [smem:$0x7DB]  }
0x136: {  	[tilespmem:s26], [sflag:$0x6] =	stream.linear.gather [spmem:s25], $0x80, $0x38;
	[tilespmem:$0x19380] =	vst v63  }
0x137: {  	s31 =	simm.s32 $0x9A80  }
0x138: {  	[tilespmem:s31], [sflag:$0x6] =	stream.linear.gather [spmem:s30], $0x80, $0x38;
	[tilespmem:$0x19380] =	vst v63  }
0x139: {  	_ =	swait.ge [sflag:s5], $0x280  }
0x13a: {  	[sflag:s5] =	ssyncset.done $0x0;
	s2 =	rddreg [dreg:$0x1d]  }
0x13b: {  	s3 =	simm.s32 $0x8B00;
	s4 =	sld [smem:$0x7DC];
	[sflag:s5] =	ssyncadd.s32 $0xFFFFFD80  }
0x13c: {  	[tilespmem:s3], [sflag:$0x6] =	stream.linear.gather [spmem:s2], $0x80, $0x38;
	[tilespmem:$0x19380] =	vst v63  }
0x13d: {  	s6 =	simm.s32 $0x8F00;
	s7 =	sld [smem:$0x7DD]  }
0x13e: {  	[tilespmem:s6], [sflag:$0x6] =	stream.linear.gather [spmem:s4], $0x80, $0x38;
	[tilespmem:$0x19380] =	vst v63  }
0x13f: {  	s8 =	simm.s32 $0x9300;
	s9 =	sld [smem:$0x7DE]  }
0x140: {  	[tilespmem:s8], [sflag:$0x6] =	stream.linear.gather [spmem:s7], $0x80, $0x38;
	[tilespmem:$0x19380] =	vst v63  }
0x141: {  	s10 =	simm.s32 $0x9700;
	s11 =	sld [smem:$0x7DF]  }
0x142: {  	[tilespmem:s10], [sflag:$0x6] =	stream.linear.gather [spmem:s9], $0x80, $0x38;
	[tilespmem:$0x19380] =	vst v63  }
0x143: {  	s12 =	simm.s32 $0x9B00  }
0x144: {  	[tilespmem:s12], [sflag:$0x6] =	stream.linear.gather [spmem:s11], $0x80, $0x38;
	[tilespmem:$0x19380] =	vst v63  }
0x145: {  	_ =	swait.ge [sflag:s5], $0x280  }
0x146: {  	[sflag:s5] =	ssyncset.done $0x0;
	s13 =	rddreg [dreg:$0x1e]  }
0x147: {  	s14 =	simm.s32 $0x8B80;
	s15 =	sld [smem:$0x7E0];
	[sflag:s5] =	ssyncadd.s32 $0xFFFFFD80  }
0x148: {  	[tilespmem:s14], [sflag:$0x6] =	stream.linear.gather [spmem:s13], $0x80, $0x38;
	[tilespmem:$0x19380] =	vst v63  }
0x149: {  	s16 =	simm.s32 $0x8F80;
	s17 =	sld [smem:$0x7E1]  }
0x14a: {  	[tilespmem:s16], [sflag:$0x6] =	stream.linear.gather [spmem:s15], $0x80, $0x38;
	[tilespmem:$0x19380] =	vst v63  }
0x14b: {  	s18 =	simm.s32 $0x9380;
	s19 =	sld [smem:$0x7E2]  }
0x14c: {  	[tilespmem:s18], [sflag:$0x6] =	stream.linear.gather [spmem:s17], $0x80, $0x38;
	[tilespmem:$0x19380] =	vst v63  }
0x14d: {  	s20 =	simm.s32 $0x9780;
	s21 =	sld [smem:$0x7E3]  }
0x14e: {  	[tilespmem:s20], [sflag:$0x6] =	stream.linear.gather [spmem:s19], $0x80, $0x38;
	[tilespmem:$0x19380] =	vst v63  }
0x14f: {  	s22 =	simm.s32 $0x9B80  }
0x150: {  	[tilespmem:s22], [sflag:$0x6] =	stream.linear.gather [spmem:s21], $0x80, $0x38;
	[tilespmem:$0x19380] =	vst v63  }
0x151: {  	_ =	swait.ge [sflag:s5], $0x280  }
0x152: {  	[sflag:s5] =	ssyncset.done $0x0;
	s23 =	rddreg [dreg:$0x1f]  }
0x153: {  	s24 =	simm.s32 $0x8C00;
	s25 =	sld [smem:$0x7E4];
	[sflag:s5] =	ssyncadd.s32 $0xFFFFFD80  }
0x154: {  	[tilespmem:s24], [sflag:$0x6] =	stream.linear.gather [spmem:s23], $0x80, $0x38;
	[tilespmem:$0x19380] =	vst v63  }
0x155: {  	s26 =	simm.s32 $0x9000;
	s30 =	sld [smem:$0x7E5]  }
0x156: {  	[tilespmem:s26], [sflag:$0x6] =	stream.linear.gather [spmem:s25], $0x80, $0x38;
	[tilespmem:$0x19380] =	vst v63  }
0x157: {  	s31 =	simm.s32 $0x9400;
	s2 =	sld [smem:$0x7E6]  }
0x158: {  	[tilespmem:s31], [sflag:$0x6] =	stream.linear.gather [spmem:s30], $0x80, $0x38;
	[tilespmem:$0x19380] =	vst v63  }
0x159: {  	s3 =	simm.s32 $0x9800;
	s4 =	sld [smem:$0x7E7]  }
0x15a: {  	[tilespmem:s3], [sflag:$0x6] =	stream.linear.gather [spmem:s2], $0x80, $0x38;
	[tilespmem:$0x19380] =	vst v63  }
0x15b: {  	s6 =	simm.s32 $0x9C00  }
0x15c: {  	[tilespmem:s6], [sflag:$0x6] =	stream.linear.gather [spmem:s4], $0x80, $0x38;
	[tilespmem:$0x19380] =	vst v63  }
0x15d: {  	_ =	swait.ge [sflag:s5], $0x280  }
0x15e: {  	s7 =	sld [smem:$0x7B4]  }
0x15f: {  	[sflag:s5] =	ssyncset.done $0x0  }
0x160: {  	s8 =	simm.s32 $0x8C80;
	s9 =	sld [smem:$0x7E8];
	[sflag:s5] =	ssyncadd.s32 $0xFFFFFD80  }
0x161: {  	[tilespmem:s8], [sflag:$0x6] =	stream.linear.gather [spmem:s7], $0x80, $0x38;
	[tilespmem:$0x19380] =	vst v63  }
0x162: {  	s10 =	simm.s32 $0x9080;
	s11 =	sld [smem:$0x7E9]  }
0x163: {  	[tilespmem:s10], [sflag:$0x6] =	stream.linear.gather [spmem:s9], $0x80, $0x38;
	[tilespmem:$0x19380] =	vst v63  }
0x164: {  	s12 =	simm.s32 $0x9480;
	s13 =	sld [smem:$0x7EA]  }
0x165: {  	[tilespmem:s12], [sflag:$0x6] =	stream.linear.gather [spmem:s11], $0x80, $0x38;
	[tilespmem:$0x19380] =	vst v63  }
0x166: {  	s14 =	simm.s32 $0x9880;
	s15 =	sld [smem:$0x7EB]  }
0x167: {  	[tilespmem:s14], [sflag:$0x6] =	stream.linear.gather [spmem:s13], $0x80, $0x38;
	[tilespmem:$0x19380] =	vst v63  }
0x168: {  	s16 =	simm.s32 $0x9C80  }
0x169: {  	[tilespmem:s16], [sflag:$0x6] =	stream.linear.gather [spmem:s15], $0x80, $0x38;
	[tilespmem:$0x19380] =	vst v63  }
0x16a: {  	_ =	swait.ge [sflag:s5], $0x280  }
0x16b: {  	s17 =	sld [smem:$0x7B5]  }
0x16c: {  	[sflag:s5] =	ssyncset.done $0x0  }
0x16d: {  	s18 =	simm.s32 $0x8D00;
	s19 =	sld [smem:$0x7EC];
	[sflag:s5] =	ssyncadd.s32 $0xFFFFFD80  }
0x16e: {  	[tilespmem:s18], [sflag:$0x6] =	stream.linear.gather [spmem:s17], $0x80, $0x38;
	[tilespmem:$0x19380] =	vst v63  }
0x16f: {  	s20 =	simm.s32 $0x9100;
	s21 =	sld [smem:$0x7ED]  }
0x170: {  	[tilespmem:s20], [sflag:$0x6] =	stream.linear.gather [spmem:s19], $0x80, $0x38;
	[tilespmem:$0x19380] =	vst v63  }
0x171: {  	s22 =	simm.s32 $0x9500;
	s23 =	sld [smem:$0x7EE]  }
0x172: {  	[tilespmem:s22], [sflag:$0x6] =	stream.linear.gather [spmem:s21], $0x80, $0x38;
	[tilespmem:$0x19380] =	vst v63  }
0x173: {  	s24 =	simm.s32 $0x9900;
	s25 =	sld [smem:$0x7EF]  }
0x174: {  	[tilespmem:s24], [sflag:$0x6] =	stream.linear.gather [spmem:s23], $0x80, $0x38;
	[tilespmem:$0x19380] =	vst v63  }
0x175: {  	s26 =	simm.s32 $0x9D00  }
0x176: {  	[tilespmem:s26], [sflag:$0x6] =	stream.linear.gather [spmem:s25], $0x80, $0x38;
	[tilespmem:$0x19380] =	vst v63  }
0x177: {  	_ =	swait.ge [sflag:s5], $0x280  }
0x178: {  	s30 =	sld [smem:$0x7B6]  }
0x179: {  	[sflag:s5] =	ssyncset.done $0x0  }
0x17a: {  	s31 =	simm.s32 $0x8D80;
	s2 =	sld [smem:$0x7F0];
	[sflag:s5] =	ssyncadd.s32 $0xFFFFFD80  }
0x17b: {  	[tilespmem:s31], [sflag:$0x6] =	stream.linear.gather [spmem:s30], $0x80, $0x38;
	[tilespmem:$0x19380] =	vst v63  }
0x17c: {  	s3 =	simm.s32 $0x9180;
	s4 =	sld [smem:$0x7F1]  }
0x17d: {  	[tilespmem:s3], [sflag:$0x6] =	stream.linear.gather [spmem:s2], $0x80, $0x38;
	[tilespmem:$0x19380] =	vst v63  }
0x17e: {  	s6 =	simm.s32 $0x9580;
	s7 =	sld [smem:$0x7F2]  }
0x17f: {  	[tilespmem:s6], [sflag:$0x6] =	stream.linear.gather [spmem:s4], $0x80, $0x38;
	[tilespmem:$0x19380] =	vst v63  }
0x180: {  	s8 =	simm.s32 $0x9980;
	s9 =	sld [smem:$0x7F3]  }
0x181: {  	[tilespmem:s8], [sflag:$0x6] =	stream.linear.gather [spmem:s7], $0x80, $0x38;
	[tilespmem:$0x19380] =	vst v63  }
0x182: {  	s10 =	simm.s32 $0x9D80  }
0x183: {  	[tilespmem:s10], [sflag:$0x6] =	stream.linear.gather [spmem:s9], $0x80, $0x38;
	[tilespmem:$0x19380] =	vst v63  }
0x184: {  	_ =	swait.ge [sflag:s5], $0x280  }
0x185: {  	s11 =	sld [smem:$0x7B7]  }
0x186: {  	[sflag:s5] =	ssyncset.done $0x0  }
0x187: {  	s12 =	simm.s32 $0x8E00;
	s13 =	sld [smem:$0x7F4];
	[sflag:s5] =	ssyncadd.s32 $0xFFFFFD80  }
0x188: {  	[tilespmem:s12], [sflag:$0x6] =	stream.linear.gather [spmem:s11], $0x80, $0x38;
	[tilespmem:$0x19380] =	vst v63  }
0x189: {  	s14 =	simm.s32 $0x9200;
	s15 =	sld [smem:$0x7F5]  }
0x18a: {  	[tilespmem:s14], [sflag:$0x6] =	stream.linear.gather [spmem:s13], $0x80, $0x38;
	[tilespmem:$0x19380] =	vst v63  }
0x18b: {  	s16 =	simm.s32 $0x9600;
	s17 =	sld [smem:$0x7F6]  }
0x18c: {  	[tilespmem:s16], [sflag:$0x6] =	stream.linear.gather [spmem:s15], $0x80, $0x38;
	[tilespmem:$0x19380] =	vst v63  }
0x18d: {  	s18 =	simm.s32 $0x9A00;
	s19 =	sld [smem:$0x7F7]  }
0x18e: {  	[tilespmem:s18], [sflag:$0x6] =	stream.linear.gather [spmem:s17], $0x80, $0x38;
	[tilespmem:$0x19380] =	vst v63  }
0x18f: {  	s20 =	simm.s32 $0x9E00;
	s21 =	simm.s32 $0x0  }
0x190: {  	[tilespmem:s20], [sflag:$0x6] =	stream.linear.gather [spmem:s19], $0x80, $0x38;
	[tilespmem:$0x19380] =	vst v63  }
0x191: {  	p2 =	por $0x0, $0x0;
	s4 =	sand.u32 $0x1C00, s21;
	_ =	swait.ge [sflag:s5], $0x280  }
0x192: {  	s3 =	sand.u32 $0x40, s21;
	s1 =	sadd.s32 $0x7680, s4;
	[sflag:s5] =	ssyncset.done $0x0  }
0x193: {  	s2 =	simm.s32 $0x1;
	s22 =	sor.u32 s3, s1;
	[sflag:s5] =	ssyncadd.s32 $0xFFFFFD80  }
0x194: {  	s2 =	simm.s32 @!p2 $0x0;
	v2 =	vld [tilespmem:s22+$0x80]  }
0x195: {  	s2 =	sshll.u32 s2, $0x6;
	v3 =	vld [tilespmem:s22+$0x0]  }
0x196: {  	s2 =	sadd.s32 $0x0, s2;
	v4 =	vld [tilespmem:s22+$0x100]  }
0x197: {  	s6 =	sor.u32 $0x200, s2;
	v5 =	vld [tilespmem:s22+$0x180]  }
0x198: {  	s7 =	sor.u32 $0x280, s2;
	v6 =	vld [tilespmem:s6+$0x7680]  }
0x199: {  	s0 =	sor.u32 s21, s21;
	s23 =	sor.u32 $0x300, s2;
	v7 =	vld [tilespmem:s7+$0x7680]  }
0x19a: {  	s0 =	sor.u32 $0x380, s0;
	s28 =	sadd.s32 $0x8A80, s4;
	v2 =	vadd.s32 v3, v2;
	v3 =	vld [tilespmem:s23+$0x7680]  }
0x19b: {  	s8 =	sadd.s32 $0x8B00, s4;
	s24 =	sor.u32 s3, s28;
	v2 =	vadd.s32 v4, v2;
	v4 =	vld [tilespmem:s0+$0x7680]  }
0x19c: {  	s25 =	sor.u32 s3, s8;
	s9 =	sadd.s32 $0x8B80, s4;
	v2 =	vadd.s32 v5, v2;
	v5 =	vld [tilespmem:s24+$0x0]  }
0x19d: {  	s26 =	sor.u32 s3, s9;
	s11 =	sadd.s32 $0x8C00, s4;
	v2 =	vadd.s32 v6, v2;
	v6 =	vld [tilespmem:s25+$0x0]  }
0x19e: {  	s30 =	sor.u32 s3, s11;
	s13 =	sadd.s32 $0x8C80, s4;
	v2 =	vadd.s32 v7, v2;
	v7 =	vld [tilespmem:s26+$0x0]  }
0x19f: {  	s12 =	sadd.s32 $0x8D00, s4;
	s31 =	sor.u32 s3, s13;
	v2 =	vadd.s32 v3, v2;
	v3 =	vld [tilespmem:s30+$0x0]  }
0x1a0: {  	s10 =	sadd.s32 $0x8D80, s4;
	s7 =	sor.u32 s3, s12;
	v2 =	vadd.s32 v4, v2;
	v4 =	vld [tilespmem:s31+$0x0]  }
0x1a1: {  	s14 =	sadd.s32 $0x8E00, s4;
	s15 =	sor.u32 s3, s10;
	v2 =	vadd.s32 v5, v2;
	v5 =	vld [tilespmem:s7+$0x0]  }
0x1a2: {  	s16 =	sor.u32 s3, s14;
	v2 =	vadd.s32 v6, v2;
	v6 =	vld [tilespmem:s15+$0x0]  }
0x1a3: {  	v2 =	vadd.s32 v7, v2;
	v7 =	vld [tilespmem:s16+$0x0]  }
0x1a4: {  	v2 =	vadd.s32 v3, v2  }
0x1a5: {  	v2 =	vadd.s32 v4, v2  }
0x1a6: {  	v2 =	vadd.s32 v5, v2  }
0x1a7: {  	s17 =	sor.u32 $0x10, s3;
	v2 =	vadd.s32 v6, v2  }
0x1a8: {  	s18 =	sor.u32 s17, s1;
	v2 =	vadd.s32 v7, v2  }
0x1a9: {  	[tilespmem:s22+$0x0] =	vst v2;
	v2 =	vld [tilespmem:s18+$0x80]  }
0x1aa: {  	v3 =	vld [tilespmem:s18+$0x0]  }
0x1ab: {  	s19 =	sadd.s32 $0x10, s2;
	v4 =	vld [tilespmem:s18+$0x100]  }
0x1ac: {  	s20 =	sor.u32 $0x200, s19;
	v5 =	vld [tilespmem:s18+$0x180]  }
0x1ad: {  	s21 =	sor.u32 $0x280, s19;
	v6 =	vld [tilespmem:s20+$0x7680]  }
0x1ae: {  	s22 =	sor.u32 $0x300, s19;
	v7 =	vld [tilespmem:s21+$0x7680]  }
0x1af: {  	s5 =	sor.u32 $0x380, s19;
	v8 =	vld [tilespmem:s22+$0x7680];
	v2 =	vadd.s32 v3, v2  }
0x1b0: {  	s23 =	sor.u32 s17, s28;
	v3 =	vld [tilespmem:s5+$0x7680];
	v2 =	vadd.s32 v4, v2  }
0x1b1: {  	s24 =	sor.u32 s17, s8;
	v4 =	vld [tilespmem:s23+$0x0];
	v2 =	vadd.s32 v5, v2  }
0x1b2: {  	s25 =	sor.u32 s17, s9;
	v5 =	vld [tilespmem:s24+$0x0];
	v2 =	vadd.s32 v6, v2  }
0x1b3: {  	s26 =	sor.u32 s17, s11;
	v6 =	vld [tilespmem:s25+$0x0];
	v2 =	vadd.s32 v7, v2  }
0x1b4: {  	s30 =	sor.u32 s17, s13;
	v7 =	vld [tilespmem:s26+$0x0];
	v2 =	vadd.s32 v8, v2  }
0x1b5: {  	s31 =	sor.u32 s17, s12;
	v2 =	vadd.s32 v3, v2;
	v3 =	vld [tilespmem:s30+$0x0]  }
0x1b6: {  	s7 =	sor.u32 s17, s10;
	v2 =	vadd.s32 v4, v2;
	v4 =	vld [tilespmem:s31+$0x0]  }
0x1b7: {  	s0 =	sor.u32 s17, s14;
	v2 =	vadd.s32 v5, v2;
	v5 =	vld [tilespmem:s7+$0x0]  }
0x1b8: {  	v2 =	vadd.s32 v6, v2;
	v6 =	vld [tilespmem:s0+$0x0]  }
0x1b9: {  	v2 =	vadd.s32 v7, v2  }
0x1ba: {  	s15 =	sor.u32 $0x20, s3;
	v2 =	vadd.s32 v3, v2  }
0x1bb: {  	s20 =	sor.u32 s15, s1;
	v2 =	vadd.s32 v4, v2  }
0x1bc: {  	v3 =	vld [tilespmem:s20+$0x100];
	v2 =	vadd.s32 v5, v2  }
0x1bd: {  	v4 =	vld [tilespmem:s20+$0x180];
	v2 =	vadd.s32 v6, v2  }
0x1be: {  	s25 =	sor.u32 $0x30, s3;
	v5 =	vld [tilespmem:s20+$0x80];
	[tilespmem:s18+$0x0] =	vst v2  }
0x1bf: {  	s16 =	sadd.s32 $0x20, s2;
	s1 =	sor.u32 s25, s1;
	v6 =	vld [tilespmem:s20+$0x0]  }
0x1c0: {  	[dreg:$0xb] =	wrdreg s8;
	s17 =	sor.u32 $0x200, s16;
	v2 =	vld [tilespmem:s1+$0x100]  }
0x1c1: {  	[dreg:$0x9] =	wrdreg s9;
	s18 =	sor.u32 $0x280, s16;
	v7 =	vld [tilespmem:s17+$0x7680]  }
0x1c2: {  	[dreg:$0x7] =	wrdreg s11;
	s19 =	sor.u32 $0x300, s16;
	v8 =	vld [tilespmem:s18+$0x7680]  }
0x1c3: {  	[dreg:$0x6] =	wrdreg s13;
	s21 =	sor.u32 $0x380, s16;
	v9 =	vld [tilespmem:s19+$0x7680]  }
0x1c4: {  	p2 =	por !p2, !p2;
	[dreg:$0x8] =	wrdreg s12;
	s22 =	sor.u32 s15, s28;
	v10 =	vld [tilespmem:s21+$0x7680];
	v5 =	vadd.s32 v6, v5  }
0x1c5: {  	s29 =	sadd.s32 $0x30, s2;
	[dreg:$0xa] =	wrdreg s10;
	s23 =	sor.u32 s15, s8;
	v5 =	vadd.s32 v3, v5;
	v3 =	vld [tilespmem:s22+$0x0]  }
0x1c6: {  	[dreg:$0xc] =	wrdreg s14;
	s24 =	sor.u32 s15, s9;
	s3 =	sor.u32 s15, s14;
	v5 =	vadd.s32 v4, v5;
	v4 =	vld [tilespmem:s23+$0x0]  }
0x1c7: {  	s14 =	simm.s32 $0x200;
	s26 =	sor.u32 s15, s11;
	s30 =	sor.u32 s15, s13;
	v6 =	vadd.s32 v7, v5;
	v5 =	vld [tilespmem:s24+$0x0]  }
0x1c8: {  	s31 =	sor.u32 s15, s12;
	s7 =	sor.u32 s15, s10;
	s15 =	simm.s32 $0x40;
	v7 =	vadd.s32 v8, v6;
	v6 =	vld [tilespmem:s26+$0x0]  }
0x1c9: {  	s2 =	sand.u32 $0x40, s15;
	s16 =	simm.s32 $0x4;
	s22 =	sand.u32 $0x1C00, s14;
	v8 =	vadd.s32 v9, v7;
	v7 =	vld [tilespmem:s30+$0x0]  }
0x1ca: {  	s13 =	sadd.s32 $0x7680, s22;
	s19 =	sadd.s32 $0x8A80, s22;
	s17 =	sadd.s32 $0x8B00, s22;
	v9 =	vadd.s32 v10, v8;
	v8 =	vld [tilespmem:s31+$0x0]  }
.LBB2_7:
0x1cb: {  	v3 =	vadd.s32 v3, v9  }
0x1cc: {  	v9 =	vld [tilespmem:s7+$0x0];
	v3 =	vadd.s32 v4, v3  }
0x1cd: {  	v4 =	vld [tilespmem:s3+$0x0];
	v3 =	vadd.s32 v5, v3  }
0x1ce: {  	v3 =	vadd.s32 v6, v3  }
0x1cf: {  	v3 =	vadd.s32 v7, v3  }
0x1d0: {  	v3 =	vadd.s32 v8, v3  }
0x1d1: {  	v3 =	vadd.s32 v9, v3  }
0x1d2: {  	v3 =	vadd.s32 v4, v3  }
0x1d3: {  	[tilespmem:s20+$0x0] =	vst v3;
	v3 =	vld [tilespmem:s1+$0x80]  }
0x1d4: {  	s31 =	sadd.s32 $0x8B80, s22;
	v5 =	vld [tilespmem:s1+$0x0]  }
0x1d5: {  	s30 =	sadd.s32 $0x8C00, s22;
	s18 =	sadd.s32 $0x8C80, s22;
	s26 =	sor.u32 s2, s17  }
0x1d6: {  	s6 =	sadd.s32 $0x8D00, s22;
	s4 =	sor.u32 $0x200, s29;
	[dreg:$0xe] =	wrdreg s26;
	v4 =	vld [tilespmem:s1+$0x180]  }
0x1d7: {  	s9 =	sor.u32 $0x280, s29;
	s8 =	sor.u32 s2, s31;
	s26 =	rddreg [dreg:$0x9];
	v6 =	vld [tilespmem:s4+$0x7680]  }
0x1d8: {  	s11 =	sor.u32 $0x300, s29;
	s10 =	sor.u32 s2, s30;
	[dreg:$0xf] =	wrdreg s8;
	v7 =	vld [tilespmem:s9+$0x7680]  }
0x1d9: {  	s0 =	sadd.s32 $0x8D80, s22;
	s12 =	sor.u32 $0x380, s29;
	[dreg:$0x10] =	wrdreg s10;
	v8 =	vld [tilespmem:s11+$0x7680];
	v3 =	vadd.s32 v5, v3  }
0x1da: {  	s5 =	sadd.s32 $0x8E00, s22;
	s22 =	sor.u32 s25, s28;
	v9 =	vld [tilespmem:s12+$0x7680];
	s4 =	rddreg [dreg:$0xb];
	v2 =	vadd.s32 v2, v3  }
0x1db: {  	s21 =	sor.u32 s2, s13;
	s10 =	rddreg [dreg:$0x7];
	s23 =	sor.u32 s25, s4;
	v5 =	vld [tilespmem:s22+$0x0];
	v2 =	vadd.s32 v4, v2  }
0x1dc: {  	s24 =	sor.u32 s2, s19;
	s8 =	sor.u32 s25, s26;
	s26 =	rddreg [dreg:$0xa];
	v3 =	vld [tilespmem:s23+$0x0];
	v2 =	vadd.s32 v6, v2  }
0x1dd: {  	s28 =	smov.u32 s19;
	s12 =	sor.u32 s25, s10;
	v4 =	vld [tilespmem:s8+$0x0];
	s8 =	rddreg [dreg:$0x6];
	v2 =	vadd.s32 v7, v2  }
0x1de: {  	s20 =	sor.u32 s2, s6;
	s10 =	rddreg [dreg:$0x8];
	v6 =	vld [tilespmem:s12+$0x0];
	s19 =	sor.u32 s25, s8;
	v2 =	vadd.s32 v8, v2  }
0x1df: {  	s22 =	smov.u32 s13;
	s13 =	smov.u32 s30;
	s23 =	sor.u32 s25, s10;
	v7 =	vld [tilespmem:s19+$0x0];
	v2 =	vadd.s32 v9, v2  }
0x1e0: {  	s30 =	rddreg [dreg:$0xc];
	s12 =	smov.u32 s6;
	s6 =	sor.u32 s25, s26;
	v8 =	vld [tilespmem:s23+$0x0];
	v2 =	vadd.s32 v5, v2  }
0x1e1: {  	s3 =	sor.u32 s2, s0;
	s10 =	smov.u32 s0;
	s0 =	sor.u32 s25, s30;
	v9 =	vld [tilespmem:s6+$0x0];
	v2 =	vadd.s32 v3, v2  }
0x1e2: {  	v5 =	vld [tilespmem:s0+$0x0];
	v2 =	vadd.s32 v4, v2  }
0x1e3: {  	v2 =	vadd.s32 v6, v2  }
0x1e4: {  	v2 =	vadd.s32 v7, v2  }
0x1e5: {  	v2 =	vadd.s32 v8, v2  }
0x1e6: {  	v2 =	vadd.s32 v9, v2  }
0x1e7: {  	s0 =	simm.s32 $0x1;
	v2 =	vadd.s32 v5, v2  }
0x1e8: {  	s0 =	simm.s32 @!p2 $0x0;
	v5 =	vld [tilespmem:s21+$0x80];
	[tilespmem:s1+$0x0] =	vst v2  }
0x1e9: {  	s0 =	sshll.u32 s0, $0x6;
	v2 =	vld [tilespmem:s21+$0x0]  }
0x1ea: {  	v4 =	vld [tilespmem:s21+$0x100];
	s6 =	sadd.s32 s0, s14  }
0x1eb: {  	s11 =	smov.u32 s31;
	v3 =	vld [tilespmem:s21+$0x180];
	s31 =	sor.u32 $0x200, s6  }
0x1ec: {  	[dreg:$0xd] =	wrdreg s24;
	s24 =	sor.u32 s2, s18;
	s0 =	sor.u32 $0x280, s6;
	v7 =	vld [tilespmem:s31+$0x7680]  }
0x1ed: {  	s8 =	smov.u32 s18;
	s23 =	sor.u32 s14, s15;
	s18 =	sor.u32 $0x300, s6;
	v6 =	vld [tilespmem:s0+$0x7680]  }
0x1ee: {  	v2 =	vadd.s32 v2, v5;
	v5 =	vld [tilespmem:s18+$0x7680];
	s18 =	sor.u32 $0x380, s23  }
0x1ef: {  	s30 =	rddreg [dreg:$0xd];
	v2 =	vadd.s32 v4, v2;
	v4 =	vld [tilespmem:s18+$0x7680]  }
0x1f0: {  	s23 =	rddreg [dreg:$0xe];
	v2 =	vadd.s32 v3, v2;
	v3 =	vld [tilespmem:s30+$0x0]  }
0x1f1: {  	v2 =	vadd.s32 v7, v2;
	v7 =	vld [tilespmem:s23+$0x0];
	s23 =	rddreg [dreg:$0xf]  }
0x1f2: {  	v2 =	vadd.s32 v6, v2;
	v6 =	vld [tilespmem:s23+$0x0];
	s23 =	rddreg [dreg:$0x10]  }
0x1f3: {  	v2 =	vadd.s32 v5, v2;
	v5 =	vld [tilespmem:s23+$0x0]  }
0x1f4: {  	v2 =	vadd.s32 v4, v2;
	v4 =	vld [tilespmem:s24+$0x0]  }
0x1f5: {  	v2 =	vadd.s32 v3, v2;
	v3 =	vld [tilespmem:s20+$0x0]  }
0x1f6: {  	s7 =	sor.u32 s2, s5;
	v2 =	vadd.s32 v7, v2;
	v7 =	vld [tilespmem:s3+$0x0]  }
0x1f7: {  	v2 =	vadd.s32 v6, v2;
	v6 =	vld [tilespmem:s7+$0x0]  }
0x1f8: {  	v2 =	vadd.s32 v5, v2  }
0x1f9: {  	v2 =	vadd.s32 v4, v2  }
0x1fa: {  	v2 =	vadd.s32 v3, v2  }
0x1fb: {  	s4 =	smov.u32 s5;
	s5 =	sor.u32 $0x10, s2;
	v2 =	vadd.s32 v7, v2  }
0x1fc: {  	s9 =	smov.u32 s17;
	s17 =	sor.u32 s5, s22;
	v2 =	vadd.s32 v6, v2  }
0x1fd: {  	[tilespmem:s21+$0x0] =	vst v2;
	v2 =	vld [tilespmem:s17+$0x80]  }
0x1fe: {  	v5 =	vld [tilespmem:s17+$0x0]  }
0x1ff: {  	s19 =	sadd.s32 $0x20, s6;
	s29 =	sadd.s32 $0x30, s6;
	s6 =	sadd.s32 $0x10, s6;
	v4 =	vld [tilespmem:s17+$0x100]  }
0x200: {  	s23 =	sor.u32 $0x200, s6;
	v3 =	vld [tilespmem:s17+$0x180]  }
0x201: {  	s24 =	sor.u32 $0x280, s6;
	v7 =	vld [tilespmem:s23+$0x7680]  }
0x202: {  	s21 =	sor.u32 $0x300, s6;
	v8 =	vld [tilespmem:s24+$0x7680]  }
0x203: {  	v6 =	vld [tilespmem:s21+$0x7680];
	s21 =	sor.u32 $0x380, s6;
	v2 =	vadd.s32 v5, v2  }
0x204: {  	s31 =	sor.u32 s5, s28;
	v2 =	vadd.s32 v4, v2;
	v4 =	vld [tilespmem:s21+$0x7680]  }
0x205: {  	s26 =	sor.u32 s5, s9;
	v2 =	vadd.s32 v3, v2;
	v3 =	vld [tilespmem:s31+$0x0]  }
0x206: {  	s25 =	sor.u32 s5, s11;
	v5 =	vld [tilespmem:s26+$0x0];
	v2 =	vadd.s32 v7, v2  }
0x207: {  	s0 =	sor.u32 s5, s13;
	v7 =	vld [tilespmem:s25+$0x0];
	v2 =	vadd.s32 v8, v2  }
0x208: {  	s18 =	sor.u32 s5, s8;
	v2 =	vadd.s32 v6, v2;
	v6 =	vld [tilespmem:s0+$0x0]  }
0x209: {  	s1 =	sor.u32 s5, s12;
	v2 =	vadd.s32 v4, v2;
	v4 =	vld [tilespmem:s18+$0x0]  }
0x20a: {  	s30 =	sor.u32 s5, s10;
	v2 =	vadd.s32 v3, v2;
	v3 =	vld [tilespmem:s1+$0x0]  }
0x20b: {  	s5 =	sor.u32 s5, s4;
	v2 =	vadd.s32 v5, v2;
	v5 =	vld [tilespmem:s30+$0x0]  }
0x20c: {  	v2 =	vadd.s32 v7, v2;
	v7 =	vld [tilespmem:s5+$0x0]  }
0x20d: {  	v2 =	vadd.s32 v6, v2  }
0x20e: {  	s3 =	sor.u32 $0x20, s2;
	v2 =	vadd.s32 v4, v2  }
0x20f: {  	s20 =	sor.u32 s3, s22;
	v2 =	vadd.s32 v3, v2  }
0x210: {  	v4 =	vld [tilespmem:s20+$0x180];
	v2 =	vadd.s32 v5, v2  }
0x211: {  	v3 =	vld [tilespmem:s20+$0x100];
	v2 =	vadd.s32 v7, v2  }
0x212: {  	s25 =	sor.u32 $0x30, s2;
	v5 =	vld [tilespmem:s20+$0x80];
	[tilespmem:s17+$0x0] =	vst v2  }
0x213: {  	[dreg:$0xb] =	wrdreg s9;
	s1 =	sor.u32 s25, s22;
	v6 =	vld [tilespmem:s20+$0x0]  }
0x214: {  	[dreg:$0x9] =	wrdreg s11;
	s18 =	sor.u32 $0x200, s19;
	v2 =	vld [tilespmem:s1+$0x100]  }
0x215: {  	[dreg:$0xc] =	wrdreg s4;
	s22 =	sor.u32 $0x280, s19;
	v7 =	vld [tilespmem:s18+$0x7680]  }
0x216: {  	[dreg:$0x7] =	wrdreg s13;
	s30 =	sor.u32 $0x300, s19;
	v8 =	vld [tilespmem:s22+$0x7680]  }
0x217: {  	[dreg:$0xa] =	wrdreg s10;
	s31 =	sor.u32 $0x380, s19;
	v9 =	vld [tilespmem:s30+$0x7680]  }
0x218: {  	s16 =	sadd.s32 $0x4, s16;
	[dreg:$0x6] =	wrdreg s8;
	s23 =	sor.u32 s3, s28;
	v10 =	vld [tilespmem:s31+$0x7680];
	v5 =	vadd.s32 v6, v5  }
0x219: {  	p3 =	slt.u32 s16, $0x24;
	[dreg:$0x8] =	wrdreg s12;
	s24 =	sor.u32 s3, s9;
	v5 =	vadd.s32 v3, v5;
	v3 =	vld [tilespmem:s23+$0x0]  }
.Ltmp5:
0x21a: {  	s15 =	sadd.s32 $0x40, s15;
	s21 =	sor.u32 s3, s11;
	v5 =	vadd.s32 v4, v5;
	v4 =	vld [tilespmem:s24+$0x0];
	(pc) =	sbr.rel @p3 .LBB2_7-.Ltmp5, $4  }
0x21b: {  	p2 =	por !p2, !p2;
	s14 =	sadd.s32 $0x200, s14;
	s9 =	sor.u32 s3, s13;
	v6 =	vadd.s32 v7, v5;
	v5 =	vld [tilespmem:s21+$0x0]  }
0x21c: {  	s12 =	sor.u32 s3, s12;
	s7 =	sor.u32 s3, s10;
	s11 =	sor.u32 s3, s8;
	v7 =	vadd.s32 v8, v6;
	v6 =	vld [tilespmem:s9+$0x0]  }
0x21d: {  	s3 =	sor.u32 s3, s4;
	s2 =	sand.u32 $0x40, s15;
	s22 =	sand.u32 $0x1C00, s14;
	v8 =	vadd.s32 v9, v7;
	v7 =	vld [tilespmem:s11+$0x0]  }
0x21e: {  	s13 =	sadd.s32 $0x7680, s22;
	s19 =	sadd.s32 $0x8A80, s22;
	s17 =	sadd.s32 $0x8B00, s22;
	v9 =	vadd.s32 v10, v8;
	v8 =	vld [tilespmem:s12+$0x0]  }
0x21f: {  	v3 =	vadd.s32 v3, v9  }
0x220: {  	v54 =	vld [tilespmem:s7+$0x0];
	v3 =	vadd.s32 v4, v3  }
0x221: {  	v55 =	vld [tilespmem:s3+$0x0];
	v3 =	vadd.s32 v5, v3  }
0x222: {  	v3 =	vadd.s32 v6, v3  }
0x223: {  	v3 =	vadd.s32 v7, v3  }
0x224: {  	v3 =	vadd.s32 v8, v3  }
0x225: {  	v3 =	vadd.s32 v54, v3  }
0x226: {  	v3 =	vadd.s32 v55, v3  }
0x227: {  	[tilespmem:s20+$0x0] =	vst v3;
	v3 =	vld [tilespmem:s1+$0x80]  }
0x228: {  	v56 =	vld [tilespmem:s1+$0x0];
	_ =	sdelay $0x1  }
0x229: {  	v57 =	vld [tilespmem:s1+$0x180];
	s0 =	sor.u32 $0x200, s29  }
0x22a: {  	s18 =	sor.u32 $0x280, s29;
	v58 =	vld [tilespmem:s0+$0x7680]  }
0x22b: {  	s20 =	sor.u32 $0x300, s29;
	v59 =	vld [tilespmem:s18+$0x7680]  }
0x22c: {  	s21 =	sor.u32 $0x380, s29;
	v60 =	vld [tilespmem:s20+$0x7680];
	v3 =	vadd.s32 v56, v3  }
0x22d: {  	s23 =	sor.u32 s25, s28;
	s24 =	rddreg [dreg:$0xb];
	v61 =	vld [tilespmem:s21+$0x7680];
	v2 =	vadd.s32 v2, v3  }
0x22e: {  	s26 =	rddreg [dreg:$0x9];
	s0 =	sor.u32 s25, s24;
	v3 =	vld [tilespmem:s23+$0x0];
	v2 =	vadd.s32 v57, v2  }
0x22f: {  	s28 =	rddreg [dreg:$0x7];
	v62 =	vld [tilespmem:s0+$0x0];
	s0 =	sor.u32 s25, s26;
	v2 =	vadd.s32 v58, v2  }
0x230: {  	s29 =	rddreg [dreg:$0x6];
	v63 =	vld [tilespmem:s0+$0x0];
	s0 =	sor.u32 s25, s28;
	v2 =	vadd.s32 v59, v2  }
0x231: {  	s30 =	rddreg [dreg:$0x8];
	v12 =	vld [tilespmem:s0+$0x0];
	s0 =	sor.u32 s25, s29;
	v2 =	vadd.s32 v60, v2  }
0x232: {  	s31 =	rddreg [dreg:$0xa];
	v13 =	vld [tilespmem:s0+$0x0];
	s0 =	sor.u32 s25, s30;
	v2 =	vadd.s32 v61, v2  }
0x233: {  	s3 =	rddreg [dreg:$0xc];
	v14 =	vld [tilespmem:s0+$0x0];
	s0 =	sor.u32 s25, s31;
	v2 =	vadd.s32 v3, v2  }
0x234: {  	v3 =	vld [tilespmem:s0+$0x0];
	s0 =	sor.u32 s25, s3;
	v2 =	vadd.s32 v62, v2  }
0x235: {  	v15 =	vld [tilespmem:s0+$0x0];
	v2 =	vadd.s32 v63, v2  }
0x236: {  	v2 =	vadd.s32 v12, v2  }
0x237: {  	v2 =	vadd.s32 v13, v2  }
0x238: {  	v2 =	vadd.s32 v14, v2  }
0x239: {  	v2 =	vadd.s32 v3, v2  }
0x23a: {  	s4 =	sor.u32 s2, s13;
	s3 =	simm.s32 $0x1;
	v2 =	vadd.s32 v15, v2  }
0x23b: {  	s3 =	simm.s32 @!p2 $0x0;
	v3 =	vld [tilespmem:s4+$0x80];
	[tilespmem:s1+$0x0] =	vst v2  }
0x23c: {  	s7 =	sshll.u32 s3, $0x6;
	v2 =	vld [tilespmem:s4+$0x0]  }
0x23d: {  	v16 =	vld [tilespmem:s4+$0x100];
	s10 =	sadd.s32 s7, s14  }
0x23e: {  	v17 =	vld [tilespmem:s4+$0x180];
	s1 =	sor.u32 $0x200, s10  }
0x23f: {  	s8 =	sor.u32 $0x280, s10;
	v18 =	vld [tilespmem:s1+$0x7680]  }
0x240: {  	s11 =	sor.u32 s14, s15;
	s9 =	sor.u32 $0x300, s10;
	v19 =	vld [tilespmem:s8+$0x7680]  }
0x241: {  	s12 =	sor.u32 $0x380, s11;
	v2 =	vadd.s32 v2, v3;
	v3 =	vld [tilespmem:s9+$0x7680]  }
0x242: {  	s14 =	sor.u32 s2, s19;
	v20 =	vld [tilespmem:s12+$0x7680];
	v2 =	vadd.s32 v16, v2  }
0x243: {  	s6 =	sor.u32 s2, s17;
	s1 =	sadd.s32 $0x8B80, s22;
	v21 =	vld [tilespmem:s14+$0x0];
	v2 =	vadd.s32 v17, v2  }
0x244: {  	s5 =	sadd.s32 $0x8C00, s22;
	v22 =	vld [tilespmem:s6+$0x0];
	s15 =	sor.u32 s2, s1;
	v2 =	vadd.s32 v18, v2  }
0x245: {  	s16 =	sor.u32 s2, s5;
	s6 =	sadd.s32 $0x8C80, s22;
	v23 =	vld [tilespmem:s15+$0x0];
	v2 =	vadd.s32 v19, v2  }
0x246: {  	s8 =	sadd.s32 $0x8D00, s22;
	s18 =	sor.u32 s2, s6;
	v2 =	vadd.s32 v3, v2;
	v3 =	vld [tilespmem:s16+$0x0]  }
0x247: {  	s20 =	sor.u32 s2, s8;
	v24 =	vld [tilespmem:s18+$0x0];
	s9 =	sadd.s32 $0x8D80, s22;
	v2 =	vadd.s32 v20, v2  }
0x248: {  	s11 =	sadd.s32 $0x8E00, s22;
	v25 =	vld [tilespmem:s20+$0x0];
	s21 =	sor.u32 s2, s9;
	v2 =	vadd.s32 v21, v2  }
0x249: {  	s22 =	sor.u32 s2, s11;
	v26 =	vld [tilespmem:s21+$0x0];
	v2 =	vadd.s32 v22, v2  }
0x24a: {  	v27 =	vld [tilespmem:s22+$0x0];
	v2 =	vadd.s32 v23, v2  }
0x24b: {  	v2 =	vadd.s32 v3, v2  }
0x24c: {  	v2 =	vadd.s32 v24, v2  }
0x24d: {  	v2 =	vadd.s32 v25, v2  }
0x24e: {  	s23 =	sor.u32 $0x10, s2;
	v2 =	vadd.s32 v26, v2  }
0x24f: {  	s24 =	sor.u32 s23, s13;
	v2 =	vadd.s32 v27, v2  }
0x250: {  	[tilespmem:s4+$0x0] =	vst v2;
	v2 =	vld [tilespmem:s24+$0x80]  }
0x251: {  	v3 =	vld [tilespmem:s24+$0x0]  }
0x252: {  	v28 =	vld [tilespmem:s24+$0x100];
	s25 =	sadd.s32 $0x10, s10  }
0x253: {  	v29 =	vld [tilespmem:s24+$0x180];
	s12 =	sor.u32 $0x200, s25  }
0x254: {  	s26 =	sor.u32 $0x280, s25;
	v30 =	vld [tilespmem:s12+$0x7680]  }
0x255: {  	s28 =	sor.u32 $0x300, s25;
	v31 =	vld [tilespmem:s26+$0x7680]  }
0x256: {  	s0 =	sor.u32 $0x380, s25;
	v32 =	vld [tilespmem:s28+$0x7680];
	v2 =	vadd.s32 v3, v2  }
0x257: {  	s29 =	sor.u32 s23, s19;
	v3 =	vld [tilespmem:s0+$0x7680];
	v2 =	vadd.s32 v28, v2  }
0x258: {  	s30 =	sor.u32 s23, s17;
	v33 =	vld [tilespmem:s29+$0x0];
	v2 =	vadd.s32 v29, v2  }
0x259: {  	s31 =	sor.u32 s23, s1;
	v34 =	vld [tilespmem:s30+$0x0];
	v2 =	vadd.s32 v30, v2  }
0x25a: {  	s4 =	sor.u32 s23, s5;
	v35 =	vld [tilespmem:s31+$0x0];
	v2 =	vadd.s32 v31, v2  }
0x25b: {  	s14 =	sor.u32 s23, s6;
	v36 =	vld [tilespmem:s4+$0x0];
	v2 =	vadd.s32 v32, v2  }
0x25c: {  	s15 =	sor.u32 s23, s8;
	v2 =	vadd.s32 v3, v2;
	v3 =	vld [tilespmem:s14+$0x0]  }
0x25d: {  	s16 =	sor.u32 s23, s9;
	v37 =	vld [tilespmem:s15+$0x0];
	v2 =	vadd.s32 v33, v2  }
0x25e: {  	s18 =	sor.u32 s23, s11;
	v38 =	vld [tilespmem:s16+$0x0];
	v2 =	vadd.s32 v34, v2  }
0x25f: {  	v39 =	vld [tilespmem:s18+$0x0];
	v2 =	vadd.s32 v35, v2  }
0x260: {  	v2 =	vadd.s32 v36, v2  }
0x261: {  	v2 =	vadd.s32 v3, v2  }
0x262: {  	v2 =	vadd.s32 v37, v2  }
0x263: {  	s20 =	sor.u32 $0x20, s2;
	v2 =	vadd.s32 v38, v2  }
0x264: {  	s21 =	sor.u32 s20, s13;
	v2 =	vadd.s32 v39, v2  }
0x265: {  	[tilespmem:s24+$0x0] =	vst v2;
	v2 =	vld [tilespmem:s21+$0x80]  }
0x266: {  	v3 =	vld [tilespmem:s21+$0x0]  }
0x267: {  	s22 =	sadd.s32 $0x20, s10;
	v40 =	vld [tilespmem:s21+$0x100]  }
0x268: {  	v41 =	vld [tilespmem:s21+$0x180];
	s23 =	sor.u32 $0x200, s22  }
0x269: {  	s24 =	sor.u32 $0x280, s22;
	v42 =	vld [tilespmem:s23+$0x7680]  }
0x26a: {  	s25 =	sor.u32 $0x300, s22;
	v43 =	vld [tilespmem:s24+$0x7680]  }
0x26b: {  	s7 =	sor.u32 $0x380, s22;
	v44 =	vld [tilespmem:s25+$0x7680];
	v2 =	vadd.s32 v3, v2  }
0x26c: {  	s26 =	sor.u32 s20, s19;
	v3 =	vld [tilespmem:s7+$0x7680];
	v2 =	vadd.s32 v40, v2  }
0x26d: {  	s28 =	sor.u32 s20, s17;
	v45 =	vld [tilespmem:s26+$0x0];
	v2 =	vadd.s32 v41, v2  }
0x26e: {  	s29 =	sor.u32 s20, s1;
	v46 =	vld [tilespmem:s28+$0x0];
	v2 =	vadd.s32 v42, v2  }
0x26f: {  	s30 =	sor.u32 s20, s5;
	v47 =	vld [tilespmem:s29+$0x0];
	v2 =	vadd.s32 v43, v2  }
0x270: {  	s31 =	sor.u32 s20, s6;
	v48 =	vld [tilespmem:s30+$0x0];
	v2 =	vadd.s32 v44, v2  }
0x271: {  	s4 =	sor.u32 s20, s8;
	v49 =	vld [tilespmem:s31+$0x0];
	v2 =	vadd.s32 v3, v2  }
0x272: {  	s12 =	sor.u32 s20, s9;
	v3 =	vld [tilespmem:s4+$0x0];
	v2 =	vadd.s32 v45, v2  }
0x273: {  	s0 =	sor.u32 s20, s11;
	v50 =	vld [tilespmem:s12+$0x0];
	v2 =	vadd.s32 v46, v2  }
0x274: {  	v51 =	vld [tilespmem:s0+$0x0];
	v2 =	vadd.s32 v47, v2  }
0x275: {  	v2 =	vadd.s32 v48, v2  }
0x276: {  	v2 =	vadd.s32 v49, v2  }
0x277: {  	v2 =	vadd.s32 v3, v2  }
0x278: {  	s14 =	sor.u32 $0x30, s2;
	v2 =	vadd.s32 v50, v2  }
0x279: {  	s2 =	sor.u32 s14, s13;
	v2 =	vadd.s32 v51, v2  }
0x27a: {  	[tilespmem:s21+$0x0] =	vst v2;
	v2 =	vld [tilespmem:s2+$0x80]  }
0x27b: {  	v3 =	vld [tilespmem:s2+$0x0]  }
0x27c: {  	s15 =	sadd.s32 $0x30, s10;
	v52 =	vld [tilespmem:s2+$0x100]  }
0x27d: {  	v53 =	vld [tilespmem:s2+$0x180];
	s4 =	sor.u32 $0x200, s15  }
0x27e: {  	s16 =	sor.u32 $0x280, s15;
	v54 =	vld [tilespmem:s4+$0x7680]  }
0x27f: {  	s18 =	sor.u32 $0x300, s15;
	v55 =	vld [tilespmem:s16+$0x7680]  }
0x280: {  	s3 =	sor.u32 $0x380, s15;
	v56 =	vld [tilespmem:s18+$0x7680];
	v2 =	vadd.s32 v3, v2  }
0x281: {  	s20 =	sor.u32 s14, s19;
	v3 =	vld [tilespmem:s3+$0x7680];
	v2 =	vadd.s32 v52, v2  }
0x282: {  	s21 =	sor.u32 s14, s17;
	v57 =	vld [tilespmem:s20+$0x0];
	v2 =	vadd.s32 v53, v2  }
0x283: {  	s1 =	sor.u32 s14, s1;
	v58 =	vld [tilespmem:s21+$0x0];
	v2 =	vadd.s32 v54, v2  }
0x284: {  	s22 =	sor.u32 s14, s5;
	v59 =	vld [tilespmem:s1+$0x0];
	v2 =	vadd.s32 v55, v2  }
0x285: {  	s23 =	sor.u32 s14, s6;
	v60 =	vld [tilespmem:s22+$0x0];
	v2 =	vadd.s32 v56, v2  }
0x286: {  	s24 =	sor.u32 s14, s8;
	v61 =	vld [tilespmem:s23+$0x0];
	v2 =	vadd.s32 v3, v2  }
0x287: {  	s25 =	sor.u32 s14, s9;
	v3 =	vld [tilespmem:s24+$0x0];
	v2 =	vadd.s32 v57, v2  }
0x288: {  	s0 =	sor.u32 s14, s11;
	v62 =	vld [tilespmem:s25+$0x0];
	v2 =	vadd.s32 v58, v2  }
0x289: {  	v63 =	vld [tilespmem:s0+$0x0];
	v2 =	vadd.s32 v59, v2  }
0x28a: {  	v2 =	vadd.s32 v60, v2  }
0x28b: {  	v2 =	vadd.s32 v61, v2  }
0x28c: {  	v2 =	vadd.s32 v3, v2  }
0x28d: {  	s26 =	sld [smem:$0x7FB];
	v2 =	vadd.s32 v62, v2  }
0x28e: {  	v2 =	vadd.s32 v63, v2  }
0x28f: {  	s13 =	simm.s32 $0x7680;
	s28 =	sld [smem:$0x7F8];
	[tilespmem:s2+$0x0] =	vst v2  }
0x290: {  	[spmem:s26] =	stream.linear.scatter [tilespmem:s13], [sflag:$0x6], $0x80, $0x38;
	[tilespmem:$0x19380] =	vst v63  }
0x291: {  	s29 =	sld [smem:$0x7F9];
	s14 =	simm.s32 $0x7A80  }
0x292: {  	[spmem:s28] =	stream.linear.scatter [tilespmem:s14], [sflag:$0x6], $0x80, $0x38;
	[tilespmem:$0x19380] =	vst v63  }
0x293: {  	s30 =	sld [smem:$0x7FA];
	s15 =	simm.s32 $0x7E80  }
0x294: {  	[spmem:s29] =	stream.linear.scatter [tilespmem:s15], [sflag:$0x6], $0x80, $0x38;
	[tilespmem:$0x19380] =	vst v63  }
0x295: {  	s31 =	sld [smem:$0x7FC];
	s16 =	simm.s32 $0x8280  }
0x296: {  	[spmem:s30] =	stream.linear.scatter [tilespmem:s16], [sflag:$0x6], $0x80, $0x38;
	[tilespmem:$0x19380] =	vst v63  }
0x297: {  	s5 =	simm.s32 $0x6;
	s17 =	simm.s32 $0x8680  }
0x298: {  	[spmem:s31] =	stream.linear.scatter [tilespmem:s17], [sflag:$0x6], $0x80, $0x38;
	[tilespmem:$0x19380] =	vst v63  }
0x299: {  	_ =	swait.ge [sflag:s5], $0x280  }
0x29a: {  	[sflag:s5] =	ssyncset.done $0x0  }
.Ltmp6:
0x29b: {  	[sflag:s5] =	ssyncadd.s32 $0xFFFFFD80;
	(pc) =	sbr.rel @p1 .LBB2_15-.Ltmp6, $4  }
0x29c: {  	[bflag:$0x0] =	sbarrier.arrive $0xFFFF  }
0x29d: {  	s18 =	sld [smem:$0x7AE]  }
0x29e: {  	s4 =	sld [smem:$0x7FD]  }
0x29f: {  	s11 =	simm.s32 $0x0;
	s12 =	simm.s32 $0x4E80;
	s6 =	simm.s32 $0x9E80  }
0x2a0: {  	s0 =	rddreg [dreg:$0x4]  }
0x2a1: {  	[tilespmem:s12], [sflag:$0x6] =	stream.linear.gather [spmem:s0], $0x2800, $0x38;
	[tilespmem:$0x19380] =	vst v63  }
0x2a2: {  	_ =	swait.ge [sflag:s5], $0x2800  }
0x2a3: {  	[sflag:s5] =	ssyncset.done $0x0  }
0x2a4: {  	s1 =	simm.s32 $0x9EC0;
	[sflag:s5] =	ssyncadd.s32 $0xFFFFD800  }
0x2a5: {  	[tilespmem:s1+$0xFFFFFFC0] =	vst v0  }
0x2a6: {  	[tilespmem:s1+$0x30] =	vst v0  }
0x2a7: {  	[tilespmem:s1+$0x20] =	vst v0  }
0x2a8: {  	[tilespmem:s1+$0x10] =	vst v0  }
0x2a9: {  	[tilespmem:s1+$0x0] =	vst v0  }
0x2aa: {  	[tilespmem:s1+$0xFFFFFFF0] =	vst v0  }
0x2ab: {  	s2 =	simm.s32 $0x0;
	s0 =	simm.s32 $0x4EA0;
	[tilespmem:s1+$0xFFFFFFE0] =	vst v0  }
.LBB2_10:
0x2ac: {  	s2 =	sadd.s32 $0x8, s2;
	[tilespmem:s1+$0xFFFFFFD0] =	vst v0;
	s1 =	sadd.s32 $0x80, s1  }
0x2ad: {  	[tilespmem:s1+$0xFFFFFFC0] =	vst v0;
	p2 =	slt.u32 s2, $0x278  }
0x2ae: {  	[tilespmem:s1+$0x30] =	vst v0  }
.Ltmp7:
0x2af: {  	[tilespmem:s1+$0x20] =	vst v0;
	(pc) =	sbr.rel @p2 .LBB2_10-.Ltmp7, $4  }
0x2b0: {  	[tilespmem:s1+$0x10] =	vst v0  }
0x2b1: {  	[tilespmem:s1+$0x0] =	vst v0  }
0x2b2: {  	[tilespmem:s1+$0xFFFFFFF0] =	vst v0  }
0x2b3: {  	[tilespmem:s1+$0xFFFFFFE0] =	vst v0  }
0x2b4: {  	[tilespmem:s1+$0xFFFFFFD0] =	vst v0  }
0x2b5: {  	v2 =	vld [tilespmem:s0+$0xFFFFFFE0];
	_ =	sdelay $0x4  }
0x2b6: {  	vm0 =	vgt.s32 v2, $0x0  }
0x2b7: {  	v3 =	vsel vm0, $0x1, v0  }
0x2b8: {  	(xrf0) =	vadd.scan.msk.s32 $0xffff, v3;
	_ =	sdelay $0x4  }
0x2b9: {  	s29 =	simm.s32 $0x0;
	v3 =	vsel vm0, $0xFFFFFFFF, v0  }
0x2ba: {  	v3 =	vadd.s32 s29, v3;
	v4, _, _ =	vpop (xrf0)  }
0x2bb: {  	v3 =	vadd.s32 v4, v3;
	_ =	sdelay $0x3  }
0x2bc: {  	v2 =	vnsel vm0, $0x0, v2;
	(v2sf) =	vpush v4, $0xF  }
0x2bd: {  	[tilespmem:v3+s6+$0x0] =	vst.idx.add.s32.msk $0xffff, v2  }
0x2be: {  	v2 =	vld [tilespmem:s0+$0xFFFFFFF0];
	_ =	sdelay $0x4  }
0x2bf: {  	vm0 =	vgt.s32 v2, $0x0  }
0x2c0: {  	v3 =	vsel vm0, $0x1, v0  }
0x2c1: {  	(xrf0) =	vadd.scan.msk.s32 $0xffff, v3;
	_ =	sdelay $0x5  }
0x2c2: {  	v3 =	vsel vm0, $0xFFFFFFFF, v0;
	s30 =	spop (v2sf);
	v61, _, _ =	vpop (xrf0)  }
0x2c3: {  	s1 =	sadd.s32 $0x0, s30;
	v3 =	vadd.s32 v3, v61  }
0x2c4: {  	v3 =	vadd.s32 s1, v3;
	_ =	sdelay $0x3  }
0x2c5: {  	v2 =	vnsel vm0, $0x0, v2;
	(v2sf) =	vpush v61, $0xF  }
0x2c6: {  	[tilespmem:v3+s6+$0x0] =	vst.idx.add.s32.msk $0xffff, v2  }
0x2c7: {  	v2 =	vld [tilespmem:s0+$0x0];
	_ =	sdelay $0x4  }
0x2c8: {  	vm0 =	vgt.s32 v2, $0x0  }
0x2c9: {  	v3 =	vsel vm0, $0x1, v0  }
0x2ca: {  	(xrf0) =	vadd.scan.msk.s32 $0xffff, v3;
	_ =	sdelay $0x5  }
0x2cb: {  	v3 =	vsel vm0, $0xFFFFFFFF, v0;
	s2 =	spop (v2sf);
	v62, _, _ =	vpop (xrf0)  }
0x2cc: {  	s1 =	sadd.s32 s1, s2;
	v3 =	vadd.s32 v3, v62  }
0x2cd: {  	v3 =	vadd.s32 s1, v3;
	_ =	sdelay $0x3  }
0x2ce: {  	v2 =	vnsel vm0, $0x0, v2;
	(v2sf) =	vpush v62, $0xF  }
0x2cf: {  	[tilespmem:v3+s6+$0x0] =	vst.idx.add.s32.msk $0xffff, v2  }
0x2d0: {  	v2 =	vld [tilespmem:s0+$0x10];
	_ =	sdelay $0x4  }
0x2d1: {  	vm0 =	vgt.s32 v2, $0x0  }
0x2d2: {  	v3 =	vsel vm0, $0x1, v0  }
0x2d3: {  	(xrf0) =	vadd.scan.msk.s32 $0xffff, v3;
	_ =	sdelay $0x5  }
0x2d4: {  	v63 =	vsel vm0, $0xFFFFFFFF, v0;
	s31 =	spop (v2sf);
	v3, _, _ =	vpop (xrf0)  }
0x2d5: {  	s0 =	sadd.s32 s1, s31;
	(v2sf) =	vpush v3, $0xF;
	v3 =	vadd.s32 v63, v3  }
0x2d6: {  	v3 =	vadd.s32 s0, v3;
	_ =	sdelay $0x3  }
0x2d7: {  	v2 =	vnsel vm0, $0x0, v2  }
0x2d8: {  	s1 =	simm.s32 $0x4EE0;
	[tilespmem:v3+s6+$0x0] =	vst.idx.add.s32.msk $0xffff, v2  }
0x2d9: {  	v2 =	vld [tilespmem:s1+$0xFFFFFFE0];
	_ =	sdelay $0x4  }
0x2da: {  	vm0 =	vgt.s32 v2, $0x0  }
0x2db: {  	v3 =	vsel vm0, $0x1, v0  }
0x2dc: {  	(xrf0) =	vadd.scan.msk.s32 $0xffff, v3  }
0x2dd: {  	s2 =	simm.s32 $0x4;
	v2 =	vnsel vm0, $0x0, v2;
	s3 =	spop (v2sf)  }
.LBB2_12:
0x2de: {  	s2 =	sadd.s32 $0x4, s2;
	s0 =	sadd.s32 s0, s3  }
0x2df: {  	p2 =	slt.u32 s2, $0x27C;
	_ =	sdelay $0x1  }
0x2e0: {  	v3 =	vsel vm0, $0xFFFFFFFF, v0  }
0x2e1: {  	v3 =	vadd.s32 s0, v3;
	v4, _, _ =	vpop (xrf0)  }
0x2e2: {  	v3 =	vadd.s32 v4, v3;
	(v2sf) =	vpush v4, $0xF;
	_ =	sdelay $0x4  }
0x2e3: {  	[tilespmem:v3+s6+$0x0] =	vst.idx.add.s32.msk $0xffff, v2  }
0x2e4: {  	v2 =	vld [tilespmem:s1+$0xFFFFFFF0];
	_ =	sdelay $0x4  }
0x2e5: {  	vm0 =	vgt.s32 v2, $0x0  }
0x2e6: {  	v3 =	vsel vm0, $0x1, v0;
	v2 =	vnsel vm0, $0x0, v2  }
0x2e7: {  	(xrf0) =	vadd.scan.msk.s32 $0xffff, v3;
	_ =	sdelay $0x1  }
0x2e8: {  	s3 =	spop (v2sf);
	_ =	sdelay $0x3  }
0x2e9: {  	v3 =	vsel vm0, $0xFFFFFFFF, v0;
	v4, _, _ =	vpop (xrf0)  }
0x2ea: {  	s0 =	sadd.s32 s0, s3;
	v3 =	vadd.s32 v3, v4;
	(v2sf) =	vpush v4, $0xF  }
0x2eb: {  	v3 =	vadd.s32 s0, v3;
	_ =	sdelay $0x4  }
0x2ec: {  	[tilespmem:v3+s6+$0x0] =	vst.idx.add.s32.msk $0xffff, v2  }
0x2ed: {  	v2 =	vld [tilespmem:s1+$0x0];
	_ =	sdelay $0x4  }
0x2ee: {  	vm0 =	vgt.s32 v2, $0x0  }
0x2ef: {  	v3 =	vsel vm0, $0x1, v0;
	v2 =	vnsel vm0, $0x0, v2  }
0x2f0: {  	(xrf0) =	vadd.scan.msk.s32 $0xffff, v3  }
0x2f1: {  	s3 =	spop (v2sf)  }
0x2f2: {  	s0 =	sadd.s32 s0, s3;
	_ =	sdelay $0x3  }
0x2f3: {  	v3 =	vsel vm0, $0xFFFFFFFF, v0;
	v4, _, _ =	vpop (xrf0)  }
0x2f4: {  	v3 =	vadd.s32 v3, v4;
	(v2sf) =	vpush v4, $0xF  }
0x2f5: {  	v3 =	vadd.s32 s0, v3;
	_ =	sdelay $0x4  }
0x2f6: {  	[tilespmem:v3+s6+$0x0] =	vst.idx.add.s32.msk $0xffff, v2  }
0x2f7: {  	v2 =	vld [tilespmem:s1+$0x10];
	_ =	sdelay $0x4  }
0x2f8: {  	vm0 =	vgt.s32 v2, $0x0  }
0x2f9: {  	v3 =	vsel vm0, $0x1, v0;
	v2 =	vnsel vm0, $0x0, v2  }
0x2fa: {  	(xrf0) =	vadd.scan.msk.s32 $0xffff, v3  }
0x2fb: {  	s3 =	spop (v2sf);
	_ =	sdelay $0x4  }
0x2fc: {  	v3 =	vsel vm0, $0xFFFFFFFF, v0;
	v4, _, _ =	vpop (xrf0)  }
0x2fd: {  	s0 =	sadd.s32 s0, s3;
	v3 =	vadd.s32 v3, v4;
	(v2sf) =	vpush v4, $0xF  }
0x2fe: {  	v3 =	vadd.s32 s0, v3;
	_ =	sdelay $0x4  }
0x2ff: {  	s1 =	sadd.s32 $0x40, s1;
	[tilespmem:v3+s6+$0x0] =	vst.idx.add.s32.msk $0xffff, v2  }
0x300: {  	v2 =	vld [tilespmem:s1+$0xFFFFFFE0];
	_ =	sdelay $0x3  }
.Ltmp8:
0x301: {  	(pc) =	sbr.rel @p2 .LBB2_12-.Ltmp8, $4  }
0x302: {  	vm0 =	vgt.s32 v2, $0x0  }
0x303: {  	v3 =	vsel vm0, $0x1, v0;
	v2 =	vnsel vm0, $0x0, v2  }
0x304: {  	(xrf0) =	vadd.scan.msk.s32 $0xffff, v3  }
0x305: {  	s3 =	spop (v2sf)  }
0x306: {  	_ =	sdelay $0x2  }
0x307: {  	s0 =	sadd.s32 s0, s3;
	v3 =	vsel vm0, $0xFFFFFFFF, v0  }
0x308: {  	v3 =	vadd.s32 s0, v3;
	v4, _, _ =	vpop (xrf0)  }
0x309: {  	v3 =	vadd.s32 v4, v3;
	_ =	sdelay $0x3  }
0x30a: {  	(v2sf) =	vpush v4, $0xF  }
0x30b: {  	[tilespmem:v3+s6+$0x0] =	vst.idx.add.s32.msk $0xffff, v2  }
0x30c: {  	v2 =	vld [tilespmem:s1+$0xFFFFFFF0];
	_ =	sdelay $0x4  }
0x30d: {  	vm13 =	vgt.s32 v2, $0x0  }
0x30e: {  	v3 =	vsel vm13, $0x1, v0  }
0x30f: {  	(xrf0) =	vadd.scan.msk.s32 $0xffff, v3;
	_ =	sdelay $0x5  }
0x310: {  	v3 =	vsel vm13, $0xFFFFFFFF, v0;
	s2 =	spop (v2sf);
	v61, _, _ =	vpop (xrf0)  }
0x311: {  	s0 =	sadd.s32 s0, s2;
	v3 =	vadd.s32 v3, v61  }
0x312: {  	v3 =	vadd.s32 s0, v3;
	_ =	sdelay $0x3  }
0x313: {  	v2 =	vnsel vm13, $0x0, v2;
	(v2sf) =	vpush v61, $0xF  }
0x314: {  	[tilespmem:v3+s6+$0x0] =	vst.idx.add.s32.msk $0xffff, v2  }
0x315: {  	v2 =	vld [tilespmem:s1+$0x0];
	_ =	sdelay $0x4  }
0x316: {  	vm14 =	vgt.s32 v2, $0x0  }
0x317: {  	v3 =	vsel vm14, $0x1, v0  }
0x318: {  	(xrf0) =	vadd.scan.msk.s32 $0xffff, v3;
	_ =	sdelay $0x5  }
0x319: {  	v3 =	vsel vm14, $0xFFFFFFFF, v0;
	s29 =	spop (v2sf);
	v62, _, _ =	vpop (xrf0)  }
0x31a: {  	s0 =	sadd.s32 s0, s29;
	v3 =	vadd.s32 v3, v62  }
0x31b: {  	v3 =	vadd.s32 s0, v3;
	_ =	sdelay $0x3  }
0x31c: {  	v2 =	vnsel vm14, $0x0, v2  }
0x31d: {  	[tilespmem:v3+s6+$0x0] =	vst.idx.add.s32.msk $0xffff, v2  }
0x31e: {  	v2 =	vld [tilespmem:s1+$0x10];
	_ =	sdelay $0x3  }
0x31f: {  	(v2sf) =	vpush v62, $0xF  }
0x320: {  	vm15 =	vgt.s32 v2, $0x0  }
0x321: {  	v3 =	vsel vm15, $0x1, v0  }
0x322: {  	(xrf0) =	vadd.scan.msk.s32 $0xffff, v3;
	_ =	sdelay $0x5  }
0x323: {  	v3, _, _ =	vpop (xrf0)  }
0x324: {  	(v2sf) =	vpush v3, $0xF;
	_ =	sdelay $0x4  }
0x325: {  	v63 =	vsel vm15, $0xFFFFFFFF, v0;
	s30 =	spop (v2sf)  }
0x326: {  	s0 =	sadd.s32 s0, s30;
	v3 =	vadd.s32 v63, v3  }
0x327: {  	v3 =	vadd.s32 s0, v3;
	_ =	sdelay $0x3  }
0x328: {  	v2 =	vnsel vm15, $0x0, v2  }
0x329: {  	s0 =	rddreg [dreg:$0x11];
	[tilespmem:v3+s6+$0x0] =	vst.idx.add.s32.msk $0xffff, v2  }
0x32a: {  	[hbm4b:s0+s11] =	stream.linear.scatter [tilespmem:s6], [sflag:$0x6], $0x2800, $0x38;
	[tilespmem:$0x19380] =	vst v63  }
.Ltmp9:
0x32b: {  	_ = 	snop;
	(pc) =	sbr.rel .LBB2_15-.Ltmp9, $4  }
0x32c: {  	s31 =	spop (v2sf)  }
0x32d: {  	_ =	swait.ge [sflag:s5], $0x2800  }
0x32e: {  	[sflag:s5] =	ssyncset.done $0x0  }
0x32f: {  	[sflag:s5] =	ssyncadd.s32 $0xFFFFD800  }
.LBB2_16:
0x330: {  	_ =	sfence.sel $0x180000  }
0x331: {  	[bflag:$0x0] =	sbarrier.arrive $0xFFFF  }
0x332: {  	_ =	strace $0x90000047  }
0x333: {  	[bflag:$0x2] =	sbarrier.arrive $0xFFFF  }
0x334: {  	s0 =	rddreg [dreg:$0x5]  }
0x335: {  	s0 =	sadd.s32 @!p1 $0x100000, s0  }
0x336: {  	[sflag:s0] =	ssyncadd.tile.s32 @!p1 $0x1;
	_ =	shalt  }
.Lfunc_end2:
_tile_overlayer_lowered:
.L_overlay_start_2:
0x337: {  	(tag) =	ssettag $0x2  }
0x338: {  	s0 =	rddreg [dreg:$0x0];
	s2 =	stileid.u32  }
0x339: {  	s1 =	rddreg [dreg:$0x1];
	p0 =	sne.s32 s2, $0x0  }
0x33a: {  	s3 =	rddreg [dreg:$0x2];
	[bflag:$0x3] =	sbarrier.arrive $0xFFFF;
	s2 =	simm.s32 @!p0 $0x1C06  }
0x33b: {  	[timem:s3], [sflag:s2] =	dma.local @!p0 [hbm:s0], s1  }
0x33c: {  	s0 =	simm.s32 @!p0 $0x6  }
0x33d: {  	_ =	swait.ge @!p0 [sflag:s0], s1  }
0x33e: {  	s1 =	ssub.s32 @!p0 $0x0, s1;
	[sflag:s0] =	ssyncset.done @!p0 $0x0  }
0x33f: {  	[sflag:s0] =	ssyncadd.s32 @!p0 s1  }
0x340: {  	[bflag:$0x3] =	sbarrier.arrive $0xFFFF  }
0x341: {  	_ =	shalt  }

</sc_bundles>
